<compile_context>
chip_gen: v7x
topology: tpu7x:2x2x1
jax: 0.10.2.dev20260603
libtpu: 0.0.44.dev20260713+nightly
codegen_flags: <defaults>
</compile_context>

<pallas_src>
import functools

import jax
import jax.numpy as jnp
from jax import lax
from jax.experimental import pallas as pl
from jax.experimental.pallas import tpu as pltpu
from jax.experimental.pallas import tpu_sc as plsc

DIM = 32
B0 = 16384
B1 = 50
NROWS = 1_000_000
NUM_CORES = 2
NUM_SUBCORES = 16
NW = NUM_CORES * NUM_SUBCORES
C0 = B0 // NW

NBLK = NROWS // 128
BLK_EVEN = NBLK // NW
BLK_TAIL = NBLK - BLK_EVEN * NW
TAIL_ROWS = NROWS - NBLK * 128

_MESH = plsc.VectorSubcoreMesh(core_axis_name="c", subcore_axis_name="s")


@functools.partial(
    pl.kernel,
    mesh=_MESH,
    out_type=jax.ShapeDtypeStruct((NROWS * DIM,), jnp.float32),
    scratch_types=[
        pltpu.VMEM((4, 8, 128), jnp.float32),
        pltpu.VMEM((4, 8, 128), jnp.float32),
        pltpu.VMEM((4096,), jnp.float32),
        pltpu.VMEM((4096,), jnp.float32),
        pltpu.SemaphoreType.DMA,
        pltpu.SemaphoreType.DMA,
        pltpu.SemaphoreType.DMA,
        pltpu.SemaphoreType.DMA,
    ],
    compiler_params=pltpu.CompilerParams(needs_layout_passes=False),
)
def _convert_kernel(w_hbm, tail_hbm, out_hbm, in_v0, in_v1, t_v0, t_v1,
                    sem_i0, sem_i1, sem_o0, sem_o1):
    wid = lax.axis_index("s") * NUM_CORES + lax.axis_index("c")
    cb0 = wid * BLK_EVEN
    in_v = (in_v0, in_v1)
    t_v = (t_v0, t_v1)
    sem_i = (sem_i0, sem_i1)
    sem_o = (sem_o0, sem_o1)
    lane32 = lax.iota(jnp.int32, 16) * DIM

    def issue_in(j, b):
        cb = cb0 + j
        pltpu.async_copy(w_hbm.at[:, :, pl.ds(cb * 128, 128)], in_v[b],
                         sem_i[b])

    def wait_in(b):
        pltpu.make_async_copy(w_hbm.at[:, :, pl.ds(0, 128)], in_v[b],
                              sem_i[b]).wait()

    def issue_out(j, b):
        cb = cb0 + j
        pltpu.async_copy(t_v[b], out_hbm.at[pl.ds(cb * 4096, 4096)],
                         sem_o[b])

    def wait_out(b):
        pltpu.make_async_copy(t_v[b], out_hbm.at[pl.ds(0, 4096)],
                              sem_o[b]).wait()

    def transpose(b):
        src = in_v[b]
        dst = t_v[b]

        @plsc.parallel_loop(0, 32, unroll=2)
        def _tr(g):
            t = g >> 3
            d8 = g & 7
            base = 8 * t + d8
            for b0 in range(8):
                vec = src[t, d8, pl.ds(16 * b0, 16)]
                plsc.store_scatter(dst, [lane32 + (512 * b0 + base)], vec)

    for b in range(2):
        issue_in(b, b)

    def outer(g, _):
        for b in range(2):
            j = 2 * g + b
            wait_in(b)

            @pl.when(j >= 2)
            def _():
                wait_out(b)

            transpose(b)
            issue_out(j, b)

            @pl.when(j + 2 < BLK_EVEN)
            def _():
                issue_in(j + 2, b)

        return 0

    lax.fori_loop(0, BLK_EVEN // 2, outer, 0)
    for b in range(2):
        wait_out(b)

    @pl.when(wid < BLK_TAIL)
    def _():
        cb = NW * BLK_EVEN + wid
        pltpu.sync_copy(w_hbm.at[:, :, pl.ds(cb * 128, 128)], in_v0)
        transpose(0)
        pltpu.sync_copy(t_v0, out_hbm.at[pl.ds(cb * 4096, 4096)])

    @pl.when(wid == BLK_TAIL)
    def _():
        pltpu.sync_copy(
            tail_hbm,
            out_hbm.at[pl.ds(NBLK * 4096, TAIL_ROWS * DIM)])


@functools.partial(
    pl.kernel,
    mesh=_MESH,
    out_type=jax.ShapeDtypeStruct((B1, 4, 128, 8, 128), jnp.float32),
    scratch_types=[
        pltpu.VMEM((B1, C0), jnp.int32),
        pltpu.VMEM((2, C0, DIM), jnp.float32),
        pltpu.VMEM((2, 4, 4, 8, 128), jnp.float32),
        pltpu.SemaphoreType.DMA,
        pltpu.SemaphoreType.DMA,
        pltpu.SemaphoreType.DMA,
        pltpu.SemaphoreType.DMA,
    ],
    compiler_params=pltpu.CompilerParams(use_tc_tiling_on_sc=False,
                                         needs_layout_passes=False),
)
def _gather_kernel(idx_hbm, table_hbm, out_hbm, idx_v, rows_v, trans_v,
                   sem_g0, sem_g1, sem_s0, sem_s1):
    wid = lax.axis_index("s") * NUM_CORES + lax.axis_index("c")
    base0 = wid * C0
    t0 = wid * 4
    sem_g = (sem_g0, sem_g1)
    sem_s = (sem_s0, sem_s1)
    lane = lax.iota(jnp.int32, 16)

    pltpu.sync_copy(idx_hbm.at[:, pl.ds(base0, C0)], idx_v)

    def issue_gather(i1, b):
        pltpu.async_copy(table_hbm.at[idx_v.at[i1]], rows_v.at[b], sem_g[b])

    def wait_gather(b):
        pltpu.make_async_copy(table_hbm.at[pl.ds(0, C0)], rows_v.at[b],
                              sem_g[b]).wait()

    def issue_store(i1, b):
        pltpu.async_copy(trans_v.at[b],
                         out_hbm.at[i1, :, pl.ds(t0, 4), :, :], sem_s[b])

    def wait_store(b):
        pltpu.make_async_copy(trans_v.at[b],
                              out_hbm.at[0, :, pl.ds(0, 4), :, :],
                              sem_s[b]).wait()

    def transpose(b):
        rows = rows_v.at[b]
        trans = trans_v.at[b]

        @plsc.parallel_loop(0, 128, unroll=2)
        def _tr(it):
            tq = it & 3
            d = it >> 2
            s = d >> 3
            r = d & 7
            vb = tq * 128
            for c0 in range(8):
                v_idx = lane + (vb + c0 * 16)
                d_idx = jnp.full((16,), d, jnp.int32)
                vec = plsc.load_gather(rows, [v_idx, d_idx])
                trans[s, tq, r, pl.ds(c0 * 16, 16)] = vec

    for b in range(2):
        issue_gather(b, b)

    def outer(g, _):
        for b in range(2):
            i1 = 2 * g + b
            wait_gather(b)

            @pl.when(i1 >= 2)
            def _():
                wait_store(b)

            transpose(b)
            issue_store(i1, b)

            @pl.when(i1 + 2 < B1)
            def _():
                issue_gather(i1 + 2, b)

        return 0

    lax.fori_loop(0, B1 // 2, outer, 0)
    for b in range(2):
        wait_store(b)


def kernel(indices, weight):
    idx_t = indices.T.astype(jnp.int32)
    w_native = weight.T.reshape(4, 8, NROWS)
    tail = weight[NBLK * 128:].reshape(TAIL_ROWS * DIM)
    table = _convert_kernel(w_native, tail)
    table_rm = table.reshape(NROWS, DIM)
    out5 = _gather_kernel(idx_t, table_rm)
    return jnp.transpose(out5, (2, 4, 0, 1, 3)).reshape(B0, B1, DIM)

# --- scband reference (transcript-rebuilt; emitter-appended) ---
"""Pipeline reference for scband-embedding-59459527246029 (READ-ONLY COPY).

The authoritative reference and input builder live on the scoring server;
editing this copy changes nothing except your own understanding.
"""

import jax, jax.numpy as jnp
import numpy as np

NUM_EMBEDDINGS = 1000000
EMBEDDING_DIM = 32


def setup_inputs(seed: int = 0) -> dict:
    key = jax.random.key(seed)
    k_idx, k_w = jax.random.split(key)
    indices = jax.random.randint(k_idx, (16384, 50), 0, NUM_EMBEDDINGS, dtype=jnp.int64 if jax.config.jax_enable_x64 else jnp.int32)
    weight_variance = 2.0 / (NUM_EMBEDDINGS + EMBEDDING_DIM)
    weight_std = weight_variance ** 0.5
    # trunc_normal_(mean=0, std, a=-3, b=3): truncation bounds are in absolute units
    w = jax.random.truncated_normal(k_w, lower=-3.0 / weight_std, upper=3.0 / weight_std, shape=(NUM_EMBEDDINGS, EMBEDDING_DIM), dtype=jnp.float32) * weight_std
    return {"indices": indices, "weight": w}


def reference(indices, weight):
    # Faithful translation of: return self.weight[indices]
    return jnp.take(weight, indices, axis=0)

if __name__ == "__main__":
    import jax
    _d = setup_inputs()
    print(jax.jit(kernel)(*tuple(_d.values())))

</pallas_src>

<mosaic_0001>
#map = affine_map<(d0, d1) -> (0, 0)>
#map1 = affine_map<(d0, d1) -> (0, 0, 0, 0, 0)>
module attributes {stable_mosaic.version = 14 : i64} {
  func.func @_gather_kernel(%arg0: i32, %arg1: i32, %arg2: memref<50x16384xi32, #tpu.memory_space<hbm>>, %arg3: memref<1000000x32xf32, #tpu.memory_space<hbm>>, %arg4: memref<50x4x128x8x128xf32, #tpu.memory_space<hbm>>, %arg5: memref<50x512xi32, #tpu.memory_space<vmem>>, %arg6: memref<2x512x32xf32, #tpu.memory_space<vmem>>, %arg7: memref<2x4x4x8x128xf32, #tpu.memory_space<vmem>>, %arg8: memref<!tpu.dma_semaphore, #tpu.memory_space<semaphore_mem>>, %arg9: memref<!tpu.dma_semaphore, #tpu.memory_space<semaphore_mem>>, %arg10: memref<!tpu.dma_semaphore, #tpu.memory_space<semaphore_mem>>, %arg11: memref<!tpu.dma_semaphore, #tpu.memory_space<semaphore_mem>>) attributes {dimension_semantics = [#tpu.dimension_semantics<core_parallel>, #tpu.dimension_semantics<subcore_parallel>], iteration_bounds = array<i64: 2, 16>, scalar_prefetch = 0 : i64, scratch_operands = 7 : i64, tpu.core_type = #tpu.core_type<sc_vector_subcore>, window_params = [{transform_indices = #map}, {transform_indices = #map}, {transform_indices = #map1}]} {
    %mul3A = arith.constant 2 : i32
    %mul3A_0 = arith.muli %arg1, %mul3A : i32
    %add3A = arith.addi %mul3A_0, %arg0 : i32
    %mul3A_1 = arith.constant 512 : i32
    %mul3A_2 = arith.muli %add3A, %mul3A_1 : i32
    %mul3A_3 = arith.constant 4 : i32
    %mul3A_4 = arith.muli %add3A, %mul3A_3 : i32
    %iota3A = tpu.iota {dimensions = array<i32: 0>} : vector<16xi32>
    "tpu.region"() ({
      %run_scoped3A = tpu.sem_alloc : memref<!tpu.dma_semaphore, #tpu.memory_space<semaphore_mem>>
      %dma_start3A_85 = arith.constant 0 : i32
      %dma_start3A_86 = tpu.memref_slice %arg2[%dma_start3A_85, %mul3A_2] : memref<50x16384xi32, #tpu.memory_space<hbm>> -> memref<50x512xi32, #tpu.memory_space<hbm>>
      %dma_start3A_87 = arith.constant 0 : i32
      %dma_start3A_88 = tpu.memref_slice %arg2[%dma_start3A_87, %mul3A_2] : memref<50x16384xi32, #tpu.memory_space<hbm>> -> memref<50x512xi32, #tpu.memory_space<hbm>>
      tpu.enqueue_dma source(%dma_start3A_88 : memref<50x512xi32, #tpu.memory_space<hbm>>) target(%arg5 : memref<50x512xi32, #tpu.memory_space<vmem>>) target_semaphore(%run_scoped3A : memref<!tpu.dma_semaphore, #tpu.memory_space<semaphore_mem>>)
      %dma_wait3A_89 = arith.constant 0 : i32
      %dma_wait3A_90 = tpu.memref_slice %arg2[%dma_wait3A_89, %mul3A_2] : memref<50x16384xi32, #tpu.memory_space<hbm>> -> memref<50x512xi32, #tpu.memory_space<hbm>>
      %dma_wait3A_91 = arith.constant 0 : i32
      %dma_wait3A_92 = tpu.memref_slice %arg2[%dma_wait3A_91, %mul3A_2] : memref<50x16384xi32, #tpu.memory_space<hbm>> -> memref<50x512xi32, #tpu.memory_space<hbm>>
      tpu.wait_dma2 semaphore(%run_scoped3A : memref<!tpu.dma_semaphore, #tpu.memory_space<semaphore_mem>>) src(%dma_wait3A_92 : memref<50x512xi32, #tpu.memory_space<hbm>>) dst(%arg5 : memref<50x512xi32, #tpu.memory_space<vmem>>)
      tpu.yield
    }) : () -> ()
    %dma_start3A = arith.constant 0 : i32
    %dma_start3A_5 = arith.constant 0 : i32
    %dma_start3A_6 = arith.constant 0 : i32
    %dma_start3A_7 = arith.constant 0 : i32
    %dma_start3A_8 = tpu.memref_slice %arg6[%dma_start3A_5, %dma_start3A_6, %dma_start3A_7] : memref<2x512x32xf32, #tpu.memory_space<vmem>> -> memref<1x512x32xf32, #tpu.memory_space<vmem>>
    %dma_start3A_9 = tpu.memref_squeeze %dma_start3A_8 : memref<1x512x32xf32, #tpu.memory_space<vmem>> -> memref<512x32xf32, #tpu.memory_space<vmem>>
    %dma_start3A_10 = arith.constant 0 : i32
    %dma_start3A_11 = tpu.memref_slice %arg5[%dma_start3A, %dma_start3A_10] : memref<50x512xi32, #tpu.memory_space<vmem>> -> memref<1x512xi32, #tpu.memory_space<vmem>>
    %dma_start3A_12 = tpu.memref_squeeze %dma_start3A_11 : memref<1x512xi32, #tpu.memory_space<vmem>> -> memref<512xi32, #tpu.memory_space<vmem>>
    %dma_start3A_13 = arith.constant 0 : i32
    %dma_start3A_14 = arith.constant 0 : i32
    %dma_start3A_15 = tpu.memref_slice %arg3[%dma_start3A_13, %dma_start3A_14] : memref<1000000x32xf32, #tpu.memory_space<hbm>> -> memref<1000000x32xf32, #tpu.memory_space<hbm>>
    tpu.enqueue_indirect_dma source(%dma_start3A_15 : memref<1000000x32xf32, #tpu.memory_space<hbm>>) target(%dma_start3A_9 : memref<512x32xf32, #tpu.memory_space<vmem>>) offsets(%dma_start3A_12 : memref<512xi32, #tpu.memory_space<vmem>>) semaphore(%arg8 : memref<!tpu.dma_semaphore, #tpu.memory_space<semaphore_mem>>)
    %dma_start3A_16 = arith.constant 1 : i32
    %dma_start3A_17 = arith.constant 1 : i32
    %dma_start3A_18 = arith.constant 0 : i32
    %dma_start3A_19 = arith.constant 0 : i32
    %dma_start3A_20 = tpu.memref_slice %arg6[%dma_start3A_17, %dma_start3A_18, %dma_start3A_19] : memref<2x512x32xf32, #tpu.memory_space<vmem>> -> memref<1x512x32xf32, #tpu.memory_space<vmem>>
    %dma_start3A_21 = tpu.memref_squeeze %dma_start3A_20 : memref<1x512x32xf32, #tpu.memory_space<vmem>> -> memref<512x32xf32, #tpu.memory_space<vmem>>
    %dma_start3A_22 = arith.constant 0 : i32
    %dma_start3A_23 = tpu.memref_slice %arg5[%dma_start3A_16, %dma_start3A_22] : memref<50x512xi32, #tpu.memory_space<vmem>> -> memref<1x512xi32, #tpu.memory_space<vmem>>
    %dma_start3A_24 = tpu.memref_squeeze %dma_start3A_23 : memref<1x512xi32, #tpu.memory_space<vmem>> -> memref<512xi32, #tpu.memory_space<vmem>>
    %dma_start3A_25 = arith.constant 0 : i32
    %dma_start3A_26 = arith.constant 0 : i32
    %dma_start3A_27 = tpu.memref_slice %arg3[%dma_start3A_25, %dma_start3A_26] : memref<1000000x32xf32, #tpu.memory_space<hbm>> -> memref<1000000x32xf32, #tpu.memory_space<hbm>>
    tpu.enqueue_indirect_dma source(%dma_start3A_27 : memref<1000000x32xf32, #tpu.memory_space<hbm>>) target(%dma_start3A_21 : memref<512x32xf32, #tpu.memory_space<vmem>>) offsets(%dma_start3A_24 : memref<512xi32, #tpu.memory_space<vmem>>) semaphore(%arg9 : memref<!tpu.dma_semaphore, #tpu.memory_space<semaphore_mem>>)
    %scan3A = arith.constant 0 : i32
    %scan3A_28 = arith.constant 0 : i32
    %scan3A_29 = arith.constant 25 : i32
    %scan3A_30 = arith.addi %scan3A_28, %scan3A_29 : i32
    %scan3A_31 = arith.constant 1 : i32
    %scan3A_32 = scf.for %scan3A_85 = %scan3A_28 to %scan3A_30 step %scan3A_31 iter_args(%scan3A_86 = %scan3A) -> (i32)  : i32 {
      %mul3A_87 = arith.constant 2 : i32
      %mul3A_88 = arith.muli %mul3A_87, %scan3A_85 : i32
      %add3A_89 = arith.constant 0 : i32
      %add3A_90 = arith.addi %mul3A_88, %add3A_89 : i32
      %dma_wait3A_91 = arith.constant 0 : i32
      %dma_wait3A_92 = arith.constant 0 : i32
      %dma_wait3A_93 = arith.constant 0 : i32
      %dma_wait3A_94 = tpu.memref_slice %arg6[%dma_wait3A_91, %dma_wait3A_92, %dma_wait3A_93] : memref<2x512x32xf32, #tpu.memory_space<vmem>> -> memref<1x512x32xf32, #tpu.memory_space<vmem>>
      %dma_wait3A_95 = tpu.memref_squeeze %dma_wait3A_94 : memref<1x512x32xf32, #tpu.memory_space<vmem>> -> memref<512x32xf32, #tpu.memory_space<vmem>>
      %dma_wait3A_96 = arith.constant 0 : i32
      %dma_wait3A_97 = arith.constant 0 : i32
      %dma_wait3A_98 = tpu.memref_slice %arg3[%dma_wait3A_96, %dma_wait3A_97] : memref<1000000x32xf32, #tpu.memory_space<hbm>> -> memref<512x32xf32, #tpu.memory_space<hbm>>
      %dma_wait3A_99 = arith.constant 0 : i32
      %dma_wait3A_100 = arith.constant 0 : i32
      %dma_wait3A_101 = tpu.memref_slice %arg6[%dma_wait3A_91, %dma_wait3A_99, %dma_wait3A_100] : memref<2x512x32xf32, #tpu.memory_space<vmem>> -> memref<1x512x32xf32, #tpu.memory_space<vmem>>
      %dma_wait3A_102 = tpu.memref_squeeze %dma_wait3A_101 : memref<1x512x32xf32, #tpu.memory_space<vmem>> -> memref<512x32xf32, #tpu.memory_space<vmem>>
      %dma_wait3A_103 = arith.constant 0 : i32
      %dma_wait3A_104 = arith.constant 0 : i32
      %dma_wait3A_105 = tpu.memref_slice %arg3[%dma_wait3A_103, %dma_wait3A_104] : memref<1000000x32xf32, #tpu.memory_space<hbm>> -> memref<512x32xf32, #tpu.memory_space<hbm>>
      tpu.wait_dma2 semaphore(%arg8 : memref<!tpu.dma_semaphore, #tpu.memory_space<semaphore_mem>>) src(%dma_wait3A_105 : memref<512x32xf32, #tpu.memory_space<hbm>>) dst(%dma_wait3A_102 : memref<512x32xf32, #tpu.memory_space<vmem>>)
      %ge3A = arith.constant 2 : i32
      %ge3A_106 = arith.cmpi sge, %add3A_90, %ge3A : i32
      %convert_element_type3A = arith.extui %ge3A_106 : i1 to i32
      %cond3A = arith.constant 0 : i32
      %cond3A_107 = arith.cmpi ne, %convert_element_type3A, %cond3A : i32
      scf.if %cond3A_107 {
        %dma_wait3A_201 = arith.constant 0 : i32
        %dma_wait3A_202 = arith.constant 0 : i32
        %dma_wait3A_203 = arith.constant 0 : i32
        %dma_wait3A_204 = arith.constant 0 : i32
        %dma_wait3A_205 = arith.constant 0 : i32
        %dma_wait3A_206 = arith.constant 0 : i32
        %dma_wait3A_207 = tpu.memref_slice %arg7[%dma_wait3A_201, %dma_wait3A_203, %dma_wait3A_204, %dma_wait3A_205, %dma_wait3A_206] : memref<2x4x4x8x128xf32, #tpu.memory_space<vmem>> -> memref<1x4x4x8x128xf32, #tpu.memory_space<vmem>>
        %dma_wait3A_208 = tpu.memref_squeeze %dma_wait3A_207 : memref<1x4x4x8x128xf32, #tpu.memory_space<vmem>> -> memref<4x4x8x128xf32, #tpu.memory_space<vmem>>
        %dma_wait3A_209 = arith.constant 0 : i32
        %dma_wait3A_210 = arith.constant 0 : i32
        %dma_wait3A_211 = arith.constant 0 : i32
        %dma_wait3A_212 = arith.constant 0 : i32
        %dma_wait3A_213 = tpu.memref_slice %arg4[%dma_wait3A_202, %dma_wait3A_209, %dma_wait3A_210, %dma_wait3A_211, %dma_wait3A_212] : memref<50x4x128x8x128xf32, #tpu.memory_space<hbm>> -> memref<1x4x4x8x128xf32, #tpu.memory_space<hbm>>
        %dma_wait3A_214 = tpu.memref_squeeze %dma_wait3A_213 : memref<1x4x4x8x128xf32, #tpu.memory_space<hbm>> -> memref<4x4x8x128xf32, #tpu.memory_space<hbm>>
        %dma_wait3A_215 = arith.constant 0 : i32
        %dma_wait3A_216 = arith.constant 0 : i32
        %dma_wait3A_217 = arith.constant 0 : i32
        %dma_wait3A_218 = arith.constant 0 : i32
        %dma_wait3A_219 = tpu.memref_slice %arg4[%dma_wait3A_202, %dma_wait3A_215, %dma_wait3A_216, %dma_wait3A_217, %dma_wait3A_218] : memref<50x4x128x8x128xf32, #tpu.memory_space<hbm>> -> memref<1x4x4x8x128xf32, #tpu.memory_space<hbm>>
        %dma_wait3A_220 = tpu.memref_squeeze %dma_wait3A_219 : memref<1x4x4x8x128xf32, #tpu.memory_space<hbm>> -> memref<4x4x8x128xf32, #tpu.memory_space<hbm>>
        %dma_wait3A_221 = arith.constant 0 : i32
        %dma_wait3A_222 = arith.constant 0 : i32
        %dma_wait3A_223 = arith.constant 0 : i32
        %dma_wait3A_224 = arith.constant 0 : i32
        %dma_wait3A_225 = tpu.memref_slice %arg7[%dma_wait3A_201, %dma_wait3A_221, %dma_wait3A_222, %dma_wait3A_223, %dma_wait3A_224] : memref<2x4x4x8x128xf32, #tpu.memory_space<vmem>> -> memref<1x4x4x8x128xf32, #tpu.memory_space<vmem>>
        %dma_wait3A_226 = tpu.memref_squeeze %dma_wait3A_225 : memref<1x4x4x8x128xf32, #tpu.memory_space<vmem>> -> memref<4x4x8x128xf32, #tpu.memory_space<vmem>>
        tpu.wait_dma2 semaphore(%arg10 : memref<!tpu.dma_semaphore, #tpu.memory_space<semaphore_mem>>) src(%dma_wait3A_226 : memref<4x4x8x128xf32, #tpu.memory_space<vmem>>) dst(%dma_wait3A_220 : memref<4x4x8x128xf32, #tpu.memory_space<hbm>>)
      } else {
      }
      %parallel_loop3A = arith.constant 0 : i32
      %parallel_loop3A_108 = arith.constant 128 : i32
      %parallel_loop3A_109 = arith.constant 1 : i32
      %parallel_loop3A_110 = arith.constant 0 : i32
      %parallel_loop3A_111 = arith.constant 0 : i32
      scf.for %parallel_loop3A_201 = %parallel_loop3A to %parallel_loop3A_108 step %parallel_loop3A_109  : i32 {
        %parallel_loop3A_202 = arith.constant 3 : i32
        %parallel_loop3A_203 = arith.andi %parallel_loop3A_201, %parallel_loop3A_202 : i32
        %parallel_loop3A_204 = arith.constant 2 : i32
        %parallel_loop3A_205 = arith.shrsi %parallel_loop3A_201, %parallel_loop3A_204 : i32
        %parallel_loop3A_206 = arith.constant 3 : i32
        %parallel_loop3A_207 = arith.shrsi %parallel_loop3A_205, %parallel_loop3A_206 : i32
        %parallel_loop3A_208 = arith.constant 7 : i32
        %parallel_loop3A_209 = arith.andi %parallel_loop3A_205, %parallel_loop3A_208 : i32
        %parallel_loop3A_210 = arith.constant 128 : i32
        %parallel_loop3A_211 = arith.muli %parallel_loop3A_203, %parallel_loop3A_210 : i32
        %parallel_loop3A_212 = arith.constant 0 : i32
        %parallel_loop3A_213 = arith.addi %parallel_loop3A_211, %parallel_loop3A_212 : i32
        %parallel_loop3A_214 = vector.broadcast %parallel_loop3A_213 : i32 to vector<16xi32>
        %parallel_loop3A_215 = arith.addi %iota3A, %parallel_loop3A_214 : vector<16xi32>
        %parallel_loop3A_216 = vector.broadcast %parallel_loop3A_205 : i32 to vector<16xi32>
        %parallel_loop3A_217 = arith.constant 0 : i32
        %parallel_loop3A_218 = arith.constant 0 : i32
        %parallel_loop3A_219 = tpu.memref_slice %arg6[%parallel_loop3A_110, %parallel_loop3A_217, %parallel_loop3A_218] : memref<2x512x32xf32, #tpu.memory_space<vmem>> -> memref<1x512x32xf32, #tpu.memory_space<vmem>>
        %parallel_loop3A_220 = tpu.memref_squeeze %parallel_loop3A_219 : memref<1x512x32xf32, #tpu.memory_space<vmem>> -> memref<512x32xf32, #tpu.memory_space<vmem>>
        %parallel_loop3A_221 = tpu.vector_load_idx %parallel_loop3A_220[%parallel_loop3A_215, %parallel_loop3A_216] : memref<512x32xf32, #tpu.memory_space<vmem>>[vector<16xi32>, vector<16xi32>], vector<16xf32>,
        %parallel_loop3A_222 = arith.constant 0 : i32
        %parallel_loop3A_223 = arith.constant 0 : i32
        %parallel_loop3A_224 = arith.constant 0 : i32
        %parallel_loop3A_225 = arith.constant 0 : i32
        %parallel_loop3A_226 = tpu.memref_slice %arg7[%parallel_loop3A_111, %parallel_loop3A_222, %parallel_loop3A_223, %parallel_loop3A_224, %parallel_loop3A_225] : memref<2x4x4x8x128xf32, #tpu.memory_space<vmem>> -> memref<1x4x4x8x128xf32, #tpu.memory_space<vmem>>
        %parallel_loop3A_227 = tpu.memref_squeeze %parallel_loop3A_226 : memref<1x4x4x8x128xf32, #tpu.memory_space<vmem>> -> memref<4x4x8x128xf32, #tpu.memory_space<vmem>>
        %parallel_loop3A_228 = arith.index_cast %parallel_loop3A_207 : i32 to index
        %parallel_loop3A_229 = arith.index_cast %parallel_loop3A_203 : i32 to index
        %parallel_loop3A_230 = arith.index_cast %parallel_loop3A_209 : i32 to index
        %parallel_loop3A_231 = arith.constant 0 : index
        %parallel_loop3A_232 = tpu.vector_load %parallel_loop3A_227[%parallel_loop3A_228, %parallel_loop3A_229, %parallel_loop3A_230, %parallel_loop3A_231] {strides = array<i32>} : memref<4x4x8x128xf32, #tpu.memory_space<vmem>>, vector<16xf32>,
        tpu.vector_store %parallel_loop3A_227[%parallel_loop3A_228, %parallel_loop3A_229, %parallel_loop3A_230, %parallel_loop3A_231], %parallel_loop3A_221 {strides = array<i32>} : memref<4x4x8x128xf32, #tpu.memory_space<vmem>>, vector<16xf32>,
        %parallel_loop3A_233 = arith.constant 16 : i32
        %parallel_loop3A_234 = arith.addi %parallel_loop3A_211, %parallel_loop3A_233 : i32
        %parallel_loop3A_235 = vector.broadcast %parallel_loop3A_234 : i32 to vector<16xi32>
        %parallel_loop3A_236 = arith.addi %iota3A, %parallel_loop3A_235 : vector<16xi32>
        %parallel_loop3A_237 = vector.broadcast %parallel_loop3A_205 : i32 to vector<16xi32>
        %parallel_loop3A_238 = arith.constant 0 : i32
        %parallel_loop3A_239 = arith.constant 0 : i32
        %parallel_loop3A_240 = tpu.memref_slice %arg6[%parallel_loop3A_110, %parallel_loop3A_238, %parallel_loop3A_239] : memref<2x512x32xf32, #tpu.memory_space<vmem>> -> memref<1x512x32xf32, #tpu.memory_space<vmem>>
        %parallel_loop3A_241 = tpu.memref_squeeze %parallel_loop3A_240 : memref<1x512x32xf32, #tpu.memory_space<vmem>> -> memref<512x32xf32, #tpu.memory_space<vmem>>
        %parallel_loop3A_242 = tpu.vector_load_idx %parallel_loop3A_241[%parallel_loop3A_236, %parallel_loop3A_237] : memref<512x32xf32, #tpu.memory_space<vmem>>[vector<16xi32>, vector<16xi32>], vector<16xf32>,
        %parallel_loop3A_243 = arith.constant 0 : i32
        %parallel_loop3A_244 = arith.constant 0 : i32
        %parallel_loop3A_245 = arith.constant 0 : i32
        %parallel_loop3A_246 = arith.constant 0 : i32
        %parallel_loop3A_247 = tpu.memref_slice %arg7[%parallel_loop3A_111, %parallel_loop3A_243, %parallel_loop3A_244, %parallel_loop3A_245, %parallel_loop3A_246] : memref<2x4x4x8x128xf32, #tpu.memory_space<vmem>> -> memref<1x4x4x8x128xf32, #tpu.memory_space<vmem>>
        %parallel_loop3A_248 = tpu.memref_squeeze %parallel_loop3A_247 : memref<1x4x4x8x128xf32, #tpu.memory_space<vmem>> -> memref<4x4x8x128xf32, #tpu.memory_space<vmem>>
        %parallel_loop3A_249 = arith.index_cast %parallel_loop3A_207 : i32 to index
        %parallel_loop3A_250 = arith.index_cast %parallel_loop3A_203 : i32 to index
        %parallel_loop3A_251 = arith.index_cast %parallel_loop3A_209 : i32 to index
        %parallel_loop3A_252 = arith.constant 16 : index
        %parallel_loop3A_253 = tpu.vector_load %parallel_loop3A_248[%parallel_loop3A_249, %parallel_loop3A_250, %parallel_loop3A_251, %parallel_loop3A_252] {strides = array<i32>} : memref<4x4x8x128xf32, #tpu.memory_space<vmem>>, vector<16xf32>,
        tpu.vector_store %parallel_loop3A_248[%parallel_loop3A_249, %parallel_loop3A_250, %parallel_loop3A_251, %parallel_loop3A_252], %parallel_loop3A_242 {strides = array<i32>} : memref<4x4x8x128xf32, #tpu.memory_space<vmem>>, vector<16xf32>,
        %parallel_loop3A_254 = arith.constant 32 : i32
        %parallel_loop3A_255 = arith.addi %parallel_loop3A_211, %parallel_loop3A_254 : i32
        %parallel_loop3A_256 = vector.broadcast %parallel_loop3A_255 : i32 to vector<16xi32>
        %parallel_loop3A_257 = arith.addi %iota3A, %parallel_loop3A_256 : vector<16xi32>
        %parallel_loop3A_258 = vector.broadcast %parallel_loop3A_205 : i32 to vector<16xi32>
        %parallel_loop3A_259 = arith.constant 0 : i32
        %parallel_loop3A_260 = arith.constant 0 : i32
        %parallel_loop3A_261 = tpu.memref_slice %arg6[%parallel_loop3A_110, %parallel_loop3A_259, %parallel_loop3A_260] : memref<2x512x32xf32, #tpu.memory_space<vmem>> -> memref<1x512x32xf32, #tpu.memory_space<vmem>>
        %parallel_loop3A_262 = tpu.memref_squeeze %parallel_loop3A_261 : memref<1x512x32xf32, #tpu.memory_space<vmem>> -> memref<512x32xf32, #tpu.memory_space<vmem>>
        %parallel_loop3A_263 = tpu.vector_load_idx %parallel_loop3A_262[%parallel_loop3A_257, %parallel_loop3A_258] : memref<512x32xf32, #tpu.memory_space<vmem>>[vector<16xi32>, vector<16xi32>], vector<16xf32>,
        %parallel_loop3A_264 = arith.constant 0 : i32
        %parallel_loop3A_265 = arith.constant 0 : i32
        %parallel_loop3A_266 = arith.constant 0 : i32
        %parallel_loop3A_267 = arith.constant 0 : i32
        %parallel_loop3A_268 = tpu.memref_slice %arg7[%parallel_loop3A_111, %parallel_loop3A_264, %parallel_loop3A_265, %parallel_loop3A_266, %parallel_loop3A_267] : memref<2x4x4x8x128xf32, #tpu.memory_space<vmem>> -> memref<1x4x4x8x128xf32, #tpu.memory_space<vmem>>
        %parallel_loop3A_269 = tpu.memref_squeeze %parallel_loop3A_268 : memref<1x4x4x8x128xf32, #tpu.memory_space<vmem>> -> memref<4x4x8x128xf32, #tpu.memory_space<vmem>>
        %parallel_loop3A_270 = arith.index_cast %parallel_loop3A_207 : i32 to index
        %parallel_loop3A_271 = arith.index_cast %parallel_loop3A_203 : i32 to index
        %parallel_loop3A_272 = arith.index_cast %parallel_loop3A_209 : i32 to index
        %parallel_loop3A_273 = arith.constant 32 : index
        %parallel_loop3A_274 = tpu.vector_load %parallel_loop3A_269[%parallel_loop3A_270, %parallel_loop3A_271, %parallel_loop3A_272, %parallel_loop3A_273] {strides = array<i32>} : memref<4x4x8x128xf32, #tpu.memory_space<vmem>>, vector<16xf32>,
        tpu.vector_store %parallel_loop3A_269[%parallel_loop3A_270, %parallel_loop3A_271, %parallel_loop3A_272, %parallel_loop3A_273], %parallel_loop3A_263 {strides = array<i32>} : memref<4x4x8x128xf32, #tpu.memory_space<vmem>>, vector<16xf32>,
        %parallel_loop3A_275 = arith.constant 48 : i32
        %parallel_loop3A_276 = arith.addi %parallel_loop3A_211, %parallel_loop3A_275 : i32
        %parallel_loop3A_277 = vector.broadcast %parallel_loop3A_276 : i32 to vector<16xi32>
        %parallel_loop3A_278 = arith.addi %iota3A, %parallel_loop3A_277 : vector<16xi32>
        %parallel_loop3A_279 = vector.broadcast %parallel_loop3A_205 : i32 to vector<16xi32>
        %parallel_loop3A_280 = arith.constant 0 : i32
        %parallel_loop3A_281 = arith.constant 0 : i32
        %parallel_loop3A_282 = tpu.memref_slice %arg6[%parallel_loop3A_110, %parallel_loop3A_280, %parallel_loop3A_281] : memref<2x512x32xf32, #tpu.memory_space<vmem>> -> memref<1x512x32xf32, #tpu.memory_space<vmem>>
        %parallel_loop3A_283 = tpu.memref_squeeze %parallel_loop3A_282 : memref<1x512x32xf32, #tpu.memory_space<vmem>> -> memref<512x32xf32, #tpu.memory_space<vmem>>
        %parallel_loop3A_284 = tpu.vector_load_idx %parallel_loop3A_283[%parallel_loop3A_278, %parallel_loop3A_279] : memref<512x32xf32, #tpu.memory_space<vmem>>[vector<16xi32>, vector<16xi32>], vector<16xf32>,
        %parallel_loop3A_285 = arith.constant 0 : i32
        %parallel_loop3A_286 = arith.constant 0 : i32
        %parallel_loop3A_287 = arith.constant 0 : i32
        %parallel_loop3A_288 = arith.constant 0 : i32
        %parallel_loop3A_289 = tpu.memref_slice %arg7[%parallel_loop3A_111, %parallel_loop3A_285, %parallel_loop3A_286, %parallel_loop3A_287, %parallel_loop3A_288] : memref<2x4x4x8x128xf32, #tpu.memory_space<vmem>> -> memref<1x4x4x8x128xf32, #tpu.memory_space<vmem>>
        %parallel_loop3A_290 = tpu.memref_squeeze %parallel_loop3A_289 : memref<1x4x4x8x128xf32, #tpu.memory_space<vmem>> -> memref<4x4x8x128xf32, #tpu.memory_space<vmem>>
        %parallel_loop3A_291 = arith.index_cast %parallel_loop3A_207 : i32 to index
        %parallel_loop3A_292 = arith.index_cast %parallel_loop3A_203 : i32 to index
        %parallel_loop3A_293 = arith.index_cast %parallel_loop3A_209 : i32 to index
        %parallel_loop3A_294 = arith.constant 48 : index
        %parallel_loop3A_295 = tpu.vector_load %parallel_loop3A_290[%parallel_loop3A_291, %parallel_loop3A_292, %parallel_loop3A_293, %parallel_loop3A_294] {strides = array<i32>} : memref<4x4x8x128xf32, #tpu.memory_space<vmem>>, vector<16xf32>,
        tpu.vector_store %parallel_loop3A_290[%parallel_loop3A_291, %parallel_loop3A_292, %parallel_loop3A_293, %parallel_loop3A_294], %parallel_loop3A_284 {strides = array<i32>} : memref<4x4x8x128xf32, #tpu.memory_space<vmem>>, vector<16xf32>,
        %parallel_loop3A_296 = arith.constant 64 : i32
        %parallel_loop3A_297 = arith.addi %parallel_loop3A_211, %parallel_loop3A_296 : i32
        %parallel_loop3A_298 = vector.broadcast %parallel_loop3A_297 : i32 to vector<16xi32>
        %parallel_loop3A_299 = arith.addi %iota3A, %parallel_loop3A_298 : vector<16xi32>
        %parallel_loop3A_300 = vector.broadcast %parallel_loop3A_205 : i32 to vector<16xi32>
        %parallel_loop3A_301 = arith.constant 0 : i32
        %parallel_loop3A_302 = arith.constant 0 : i32
        %parallel_loop3A_303 = tpu.memref_slice %arg6[%parallel_loop3A_110, %parallel_loop3A_301, %parallel_loop3A_302] : memref<2x512x32xf32, #tpu.memory_space<vmem>> -> memref<1x512x32xf32, #tpu.memory_space<vmem>>
        %parallel_loop3A_304 = tpu.memref_squeeze %parallel_loop3A_303 : memref<1x512x32xf32, #tpu.memory_space<vmem>> -> memref<512x32xf32, #tpu.memory_space<vmem>>
        %parallel_loop3A_305 = tpu.vector_load_idx %parallel_loop3A_304[%parallel_loop3A_299, %parallel_loop3A_300] : memref<512x32xf32, #tpu.memory_space<vmem>>[vector<16xi32>, vector<16xi32>], vector<16xf32>,
        %parallel_loop3A_306 = arith.constant 0 : i32
        %parallel_loop3A_307 = arith.constant 0 : i32
        %parallel_loop3A_308 = arith.constant 0 : i32
        %parallel_loop3A_309 = arith.constant 0 : i32
        %parallel_loop3A_310 = tpu.memref_slice %arg7[%parallel_loop3A_111, %parallel_loop3A_306, %parallel_loop3A_307, %parallel_loop3A_308, %parallel_loop3A_309] : memref<2x4x4x8x128xf32, #tpu.memory_space<vmem>> -> memref<1x4x4x8x128xf32, #tpu.memory_space<vmem>>
        %parallel_loop3A_311 = tpu.memref_squeeze %parallel_loop3A_310 : memref<1x4x4x8x128xf32, #tpu.memory_space<vmem>> -> memref<4x4x8x128xf32, #tpu.memory_space<vmem>>
        %parallel_loop3A_312 = arith.index_cast %parallel_loop3A_207 : i32 to index
        %parallel_loop3A_313 = arith.index_cast %parallel_loop3A_203 : i32 to index
        %parallel_loop3A_314 = arith.index_cast %parallel_loop3A_209 : i32 to index
        %parallel_loop3A_315 = arith.constant 64 : index
        %parallel_loop3A_316 = tpu.vector_load %parallel_loop3A_311[%parallel_loop3A_312, %parallel_loop3A_313, %parallel_loop3A_314, %parallel_loop3A_315] {strides = array<i32>} : memref<4x4x8x128xf32, #tpu.memory_space<vmem>>, vector<16xf32>,
        tpu.vector_store %parallel_loop3A_311[%parallel_loop3A_312, %parallel_loop3A_313, %parallel_loop3A_314, %parallel_loop3A_315], %parallel_loop3A_305 {strides = array<i32>} : memref<4x4x8x128xf32, #tpu.memory_space<vmem>>, vector<16xf32>,
        %parallel_loop3A_317 = arith.constant 80 : i32
        %parallel_loop3A_318 = arith.addi %parallel_loop3A_211, %parallel_loop3A_317 : i32
        %parallel_loop3A_319 = vector.broadcast %parallel_loop3A_318 : i32 to vector<16xi32>
        %parallel_loop3A_320 = arith.addi %iota3A, %parallel_loop3A_319 : vector<16xi32>
        %parallel_loop3A_321 = vector.broadcast %parallel_loop3A_205 : i32 to vector<16xi32>
        %parallel_loop3A_322 = arith.constant 0 : i32
        %parallel_loop3A_323 = arith.constant 0 : i32
        %parallel_loop3A_324 = tpu.memref_slice %arg6[%parallel_loop3A_110, %parallel_loop3A_322, %parallel_loop3A_323] : memref<2x512x32xf32, #tpu.memory_space<vmem>> -> memref<1x512x32xf32, #tpu.memory_space<vmem>>
        %parallel_loop3A_325 = tpu.memref_squeeze %parallel_loop3A_324 : memref<1x512x32xf32, #tpu.memory_space<vmem>> -> memref<512x32xf32, #tpu.memory_space<vmem>>
        %parallel_loop3A_326 = tpu.vector_load_idx %parallel_loop3A_325[%parallel_loop3A_320, %parallel_loop3A_321] : memref<512x32xf32, #tpu.memory_space<vmem>>[vector<16xi32>, vector<16xi32>], vector<16xf32>,
        %parallel_loop3A_327 = arith.constant 0 : i32
        %parallel_loop3A_328 = arith.constant 0 : i32
        %parallel_loop3A_329 = arith.constant 0 : i32
        %parallel_loop3A_330 = arith.constant 0 : i32
        %parallel_loop3A_331 = tpu.memref_slice %arg7[%parallel_loop3A_111, %parallel_loop3A_327, %parallel_loop3A_328, %parallel_loop3A_329, %parallel_loop3A_330] : memref<2x4x4x8x128xf32, #tpu.memory_space<vmem>> -> memref<1x4x4x8x128xf32, #tpu.memory_space<vmem>>
        %parallel_loop3A_332 = tpu.memref_squeeze %parallel_loop3A_331 : memref<1x4x4x8x128xf32, #tpu.memory_space<vmem>> -> memref<4x4x8x128xf32, #tpu.memory_space<vmem>>
        %parallel_loop3A_333 = arith.index_cast %parallel_loop3A_207 : i32 to index
        %parallel_loop3A_334 = arith.index_cast %parallel_loop3A_203 : i32 to index
        %parallel_loop3A_335 = arith.index_cast %parallel_loop3A_209 : i32 to index
        %parallel_loop3A_336 = arith.constant 80 : index
        %parallel_loop3A_337 = tpu.vector_load %parallel_loop3A_332[%parallel_loop3A_333, %parallel_loop3A_334, %parallel_loop3A_335, %parallel_loop3A_336] {strides = array<i32>} : memref<4x4x8x128xf32, #tpu.memory_space<vmem>>, vector<16xf32>,
        tpu.vector_store %parallel_loop3A_332[%parallel_loop3A_333, %parallel_loop3A_334, %parallel_loop3A_335, %parallel_loop3A_336], %parallel_loop3A_326 {strides = array<i32>} : memref<4x4x8x128xf32, #tpu.memory_space<vmem>>, vector<16xf32>,
        %parallel_loop3A_338 = arith.constant 96 : i32
        %parallel_loop3A_339 = arith.addi %parallel_loop3A_211, %parallel_loop3A_338 : i32
        %parallel_loop3A_340 = vector.broadcast %parallel_loop3A_339 : i32 to vector<16xi32>
        %parallel_loop3A_341 = arith.addi %iota3A, %parallel_loop3A_340 : vector<16xi32>
        %parallel_loop3A_342 = vector.broadcast %parallel_loop3A_205 : i32 to vector<16xi32>
        %parallel_loop3A_343 = arith.constant 0 : i32
        %parallel_loop3A_344 = arith.constant 0 : i32
        %parallel_loop3A_345 = tpu.memref_slice %arg6[%parallel_loop3A_110, %parallel_loop3A_343, %parallel_loop3A_344] : memref<2x512x32xf32, #tpu.memory_space<vmem>> -> memref<1x512x32xf32, #tpu.memory_space<vmem>>
        %parallel_loop3A_346 = tpu.memref_squeeze %parallel_loop3A_345 : memref<1x512x32xf32, #tpu.memory_space<vmem>> -> memref<512x32xf32, #tpu.memory_space<vmem>>
        %parallel_loop3A_347 = tpu.vector_load_idx %parallel_loop3A_346[%parallel_loop3A_341, %parallel_loop3A_342] : memref<512x32xf32, #tpu.memory_space<vmem>>[vector<16xi32>, vector<16xi32>], vector<16xf32>,
        %parallel_loop3A_348 = arith.constant 0 : i32
        %parallel_loop3A_349 = arith.constant 0 : i32
        %parallel_loop3A_350 = arith.constant 0 : i32
        %parallel_loop3A_351 = arith.constant 0 : i32
        %parallel_loop3A_352 = tpu.memref_slice %arg7[%parallel_loop3A_111, %parallel_loop3A_348, %parallel_loop3A_349, %parallel_loop3A_350, %parallel_loop3A_351] : memref<2x4x4x8x128xf32, #tpu.memory_space<vmem>> -> memref<1x4x4x8x128xf32, #tpu.memory_space<vmem>>
        %parallel_loop3A_353 = tpu.memref_squeeze %parallel_loop3A_352 : memref<1x4x4x8x128xf32, #tpu.memory_space<vmem>> -> memref<4x4x8x128xf32, #tpu.memory_space<vmem>>
        %parallel_loop3A_354 = arith.index_cast %parallel_loop3A_207 : i32 to index
        %parallel_loop3A_355 = arith.index_cast %parallel_loop3A_203 : i32 to index
        %parallel_loop3A_356 = arith.index_cast %parallel_loop3A_209 : i32 to index
        %parallel_loop3A_357 = arith.constant 96 : index
        %parallel_loop3A_358 = tpu.vector_load %parallel_loop3A_353[%parallel_loop3A_354, %parallel_loop3A_355, %parallel_loop3A_356, %parallel_loop3A_357] {strides = array<i32>} : memref<4x4x8x128xf32, #tpu.memory_space<vmem>>, vector<16xf32>,
        tpu.vector_store %parallel_loop3A_353[%parallel_loop3A_354, %parallel_loop3A_355, %parallel_loop3A_356, %parallel_loop3A_357], %parallel_loop3A_347 {strides = array<i32>} : memref<4x4x8x128xf32, #tpu.memory_space<vmem>>, vector<16xf32>,
        %parallel_loop3A_359 = arith.constant 112 : i32
        %parallel_loop3A_360 = arith.addi %parallel_loop3A_211, %parallel_loop3A_359 : i32
        %parallel_loop3A_361 = vector.broadcast %parallel_loop3A_360 : i32 to vector<16xi32>
        %parallel_loop3A_362 = arith.addi %iota3A, %parallel_loop3A_361 : vector<16xi32>
        %parallel_loop3A_363 = vector.broadcast %parallel_loop3A_205 : i32 to vector<16xi32>
        %parallel_loop3A_364 = arith.constant 0 : i32
        %parallel_loop3A_365 = arith.constant 0 : i32
        %parallel_loop3A_366 = tpu.memref_slice %arg6[%parallel_loop3A_110, %parallel_loop3A_364, %parallel_loop3A_365] : memref<2x512x32xf32, #tpu.memory_space<vmem>> -> memref<1x512x32xf32, #tpu.memory_space<vmem>>
        %parallel_loop3A_367 = tpu.memref_squeeze %parallel_loop3A_366 : memref<1x512x32xf32, #tpu.memory_space<vmem>> -> memref<512x32xf32, #tpu.memory_space<vmem>>
        %parallel_loop3A_368 = tpu.vector_load_idx %parallel_loop3A_367[%parallel_loop3A_362, %parallel_loop3A_363] : memref<512x32xf32, #tpu.memory_space<vmem>>[vector<16xi32>, vector<16xi32>], vector<16xf32>,
        %parallel_loop3A_369 = arith.constant 0 : i32
        %parallel_loop3A_370 = arith.constant 0 : i32
        %parallel_loop3A_371 = arith.constant 0 : i32
        %parallel_loop3A_372 = arith.constant 0 : i32
        %parallel_loop3A_373 = tpu.memref_slice %arg7[%parallel_loop3A_111, %parallel_loop3A_369, %parallel_loop3A_370, %parallel_loop3A_371, %parallel_loop3A_372] : memref<2x4x4x8x128xf32, #tpu.memory_space<vmem>> -> memref<1x4x4x8x128xf32, #tpu.memory_space<vmem>>
        %parallel_loop3A_374 = tpu.memref_squeeze %parallel_loop3A_373 : memref<1x4x4x8x128xf32, #tpu.memory_space<vmem>> -> memref<4x4x8x128xf32, #tpu.memory_space<vmem>>
        %parallel_loop3A_375 = arith.index_cast %parallel_loop3A_207 : i32 to index
        %parallel_loop3A_376 = arith.index_cast %parallel_loop3A_203 : i32 to index
        %parallel_loop3A_377 = arith.index_cast %parallel_loop3A_209 : i32 to index
        %parallel_loop3A_378 = arith.constant 112 : index
        %parallel_loop3A_379 = tpu.vector_load %parallel_loop3A_374[%parallel_loop3A_375, %parallel_loop3A_376, %parallel_loop3A_377, %parallel_loop3A_378] {strides = array<i32>} : memref<4x4x8x128xf32, #tpu.memory_space<vmem>>, vector<16xf32>,
        tpu.vector_store %parallel_loop3A_374[%parallel_loop3A_375, %parallel_loop3A_376, %parallel_loop3A_377, %parallel_loop3A_378], %parallel_loop3A_368 {strides = array<i32>} : memref<4x4x8x128xf32, #tpu.memory_space<vmem>>, vector<16xf32>,
      } {sc.loop_unroll_factor = 2 : i64, sc.parallel_access}
      %dma_start3A_112 = arith.constant 0 : i32
      %dma_start3A_113 = arith.constant 0 : i32
      %dma_start3A_114 = arith.constant 0 : i32
      %dma_start3A_115 = arith.constant 0 : i32
      %dma_start3A_116 = arith.constant 0 : i32
      %dma_start3A_117 = tpu.memref_slice %arg7[%dma_start3A_112, %dma_start3A_113, %dma_start3A_114, %dma_start3A_115, %dma_start3A_116] : memref<2x4x4x8x128xf32, #tpu.memory_space<vmem>> -> memref<1x4x4x8x128xf32, #tpu.memory_space<vmem>>
      %dma_start3A_118 = tpu.memref_squeeze %dma_start3A_117 : memref<1x4x4x8x128xf32, #tpu.memory_space<vmem>> -> memref<4x4x8x128xf32, #tpu.memory_space<vmem>>
      %dma_start3A_119 = arith.constant 0 : i32
      %dma_start3A_120 = arith.constant 0 : i32
      %dma_start3A_121 = arith.constant 0 : i32
      %dma_start3A_122 = tpu.memref_slice %arg4[%add3A_90, %dma_start3A_119, %mul3A_4, %dma_start3A_120, %dma_start3A_121] : memref<50x4x128x8x128xf32, #tpu.memory_space<hbm>> -> memref<1x4x4x8x128xf32, #tpu.memory_space<hbm>>
      %dma_start3A_123 = tpu.memref_squeeze %dma_start3A_122 : memref<1x4x4x8x128xf32, #tpu.memory_space<hbm>> -> memref<4x4x8x128xf32, #tpu.memory_space<hbm>>
      %dma_start3A_124 = arith.constant 0 : i32
      %dma_start3A_125 = arith.constant 0 : i32
      %dma_start3A_126 = arith.constant 0 : i32
      %dma_start3A_127 = tpu.memref_slice %arg4[%add3A_90, %dma_start3A_124, %mul3A_4, %dma_start3A_125, %dma_start3A_126] : memref<50x4x128x8x128xf32, #tpu.memory_space<hbm>> -> memref<1x4x4x8x128xf32, #tpu.memory_space<hbm>>
      %dma_start3A_128 = tpu.memref_squeeze %dma_start3A_127 : memref<1x4x4x8x128xf32, #tpu.memory_space<hbm>> -> memref<4x4x8x128xf32, #tpu.memory_space<hbm>>
      %dma_start3A_129 = arith.constant 0 : i32
      %dma_start3A_130 = arith.constant 0 : i32
      %dma_start3A_131 = arith.constant 0 : i32
      %dma_start3A_132 = arith.constant 0 : i32
      %dma_start3A_133 = tpu.memref_slice %arg7[%dma_start3A_112, %dma_start3A_129, %dma_start3A_130, %dma_start3A_131, %dma_start3A_132] : memref<2x4x4x8x128xf32, #tpu.memory_space<vmem>> -> memref<1x4x4x8x128xf32, #tpu.memory_space<vmem>>
      %dma_start3A_134 = tpu.memref_squeeze %dma_start3A_133 : memref<1x4x4x8x128xf32, #tpu.memory_space<vmem>> -> memref<4x4x8x128xf32, #tpu.memory_space<vmem>>
      tpu.enqueue_dma source(%dma_start3A_134 : memref<4x4x8x128xf32, #tpu.memory_space<vmem>>) target(%dma_start3A_128 : memref<4x4x8x128xf32, #tpu.memory_space<hbm>>) target_semaphore(%arg10 : memref<!tpu.dma_semaphore, #tpu.memory_space<semaphore_mem>>)
      %add3A_135 = arith.constant 2 : i32
      %add3A_136 = arith.addi %add3A_90, %add3A_135 : i32
      %lt3A = arith.constant 50 : i32
      %lt3A_137 = arith.cmpi slt, %add3A_136, %lt3A : i32
      %convert_element_type3A_138 = arith.extui %lt3A_137 : i1 to i32
      %cond3A_139 = arith.constant 0 : i32
      %cond3A_140 = arith.cmpi ne, %convert_element_type3A_138, %cond3A_139 : i32
      scf.if %cond3A_140 {
        %add3A_201 = arith.constant 2 : i32
        %add3A_202 = arith.addi %add3A_90, %add3A_201 : i32
        %dma_start3A_203 = arith.constant 0 : i32
        %dma_start3A_204 = arith.constant 0 : i32
        %dma_start3A_205 = arith.constant 0 : i32
        %dma_start3A_206 = tpu.memref_slice %arg6[%dma_start3A_203, %dma_start3A_204, %dma_start3A_205] : memref<2x512x32xf32, #tpu.memory_space<vmem>> -> memref<1x512x32xf32, #tpu.memory_space<vmem>>
        %dma_start3A_207 = tpu.memref_squeeze %dma_start3A_206 : memref<1x512x32xf32, #tpu.memory_space<vmem>> -> memref<512x32xf32, #tpu.memory_space<vmem>>
        %dma_start3A_208 = arith.constant 0 : i32
        %dma_start3A_209 = tpu.memref_slice %arg5[%add3A_202, %dma_start3A_208] : memref<50x512xi32, #tpu.memory_space<vmem>> -> memref<1x512xi32, #tpu.memory_space<vmem>>
        %dma_start3A_210 = tpu.memref_squeeze %dma_start3A_209 : memref<1x512xi32, #tpu.memory_space<vmem>> -> memref<512xi32, #tpu.memory_space<vmem>>
        %dma_start3A_211 = arith.constant 0 : i32
        %dma_start3A_212 = arith.constant 0 : i32
        %dma_start3A_213 = tpu.memref_slice %arg3[%dma_start3A_211, %dma_start3A_212] : memref<1000000x32xf32, #tpu.memory_space<hbm>> -> memref<1000000x32xf32, #tpu.memory_space<hbm>>
        tpu.enqueue_indirect_dma source(%dma_start3A_213 : memref<1000000x32xf32, #tpu.memory_space<hbm>>) target(%dma_start3A_207 : memref<512x32xf32, #tpu.memory_space<vmem>>) offsets(%dma_start3A_210 : memref<512xi32, #tpu.memory_space<vmem>>) semaphore(%arg8 : memref<!tpu.dma_semaphore, #tpu.memory_space<semaphore_mem>>)
      } else {
      }
      %mul3A_141 = arith.constant 2 : i32
      %mul3A_142 = arith.muli %mul3A_141, %scan3A_85 : i32
      %add3A_143 = arith.constant 1 : i32
      %add3A_144 = arith.addi %mul3A_142, %add3A_143 : i32
      %dma_wait3A_145 = arith.constant 1 : i32
      %dma_wait3A_146 = arith.constant 0 : i32
      %dma_wait3A_147 = arith.constant 0 : i32
      %dma_wait3A_148 = tpu.memref_slice %arg6[%dma_wait3A_145, %dma_wait3A_146, %dma_wait3A_147] : memref<2x512x32xf32, #tpu.memory_space<vmem>> -> memref<1x512x32xf32, #tpu.memory_space<vmem>>
      %dma_wait3A_149 = tpu.memref_squeeze %dma_wait3A_148 : memref<1x512x32xf32, #tpu.memory_space<vmem>> -> memref<512x32xf32, #tpu.memory_space<vmem>>
      %dma_wait3A_150 = arith.constant 0 : i32
      %dma_wait3A_151 = arith.constant 0 : i32
      %dma_wait3A_152 = tpu.memref_slice %arg3[%dma_wait3A_150, %dma_wait3A_151] : memref<1000000x32xf32, #tpu.memory_space<hbm>> -> memref<512x32xf32, #tpu.memory_space<hbm>>
      %dma_wait3A_153 = arith.constant 0 : i32
      %dma_wait3A_154 = arith.constant 0 : i32
      %dma_wait3A_155 = tpu.memref_slice %arg6[%dma_wait3A_145, %dma_wait3A_153, %dma_wait3A_154] : memref<2x512x32xf32, #tpu.memory_space<vmem>> -> memref<1x512x32xf32, #tpu.memory_space<vmem>>
      %dma_wait3A_156 = tpu.memref_squeeze %dma_wait3A_155 : memref<1x512x32xf32, #tpu.memory_space<vmem>> -> memref<512x32xf32, #tpu.memory_space<vmem>>
      %dma_wait3A_157 = arith.constant 0 : i32
      %dma_wait3A_158 = arith.constant 0 : i32
      %dma_wait3A_159 = tpu.memref_slice %arg3[%dma_wait3A_157, %dma_wait3A_158] : memref<1000000x32xf32, #tpu.memory_space<hbm>> -> memref<512x32xf32, #tpu.memory_space<hbm>>
      tpu.wait_dma2 semaphore(%arg9 : memref<!tpu.dma_semaphore, #tpu.memory_space<semaphore_mem>>) src(%dma_wait3A_159 : memref<512x32xf32, #tpu.memory_space<hbm>>) dst(%dma_wait3A_156 : memref<512x32xf32, #tpu.memory_space<vmem>>)
      %ge3A_160 = arith.constant 2 : i32
      %ge3A_161 = arith.cmpi sge, %add3A_144, %ge3A_160 : i32
      %convert_element_type3A_162 = arith.extui %ge3A_161 : i1 to i32
      %cond3A_163 = arith.constant 0 : i32
      %cond3A_164 = arith.cmpi ne, %convert_element_type3A_162, %cond3A_163 : i32
      scf.if %cond3A_164 {
        %dma_wait3A_201 = arith.constant 1 : i32
        %dma_wait3A_202 = arith.constant 0 : i32
        %dma_wait3A_203 = arith.constant 0 : i32
        %dma_wait3A_204 = arith.constant 0 : i32
        %dma_wait3A_205 = arith.constant 0 : i32
        %dma_wait3A_206 = arith.constant 0 : i32
        %dma_wait3A_207 = tpu.memref_slice %arg7[%dma_wait3A_201, %dma_wait3A_203, %dma_wait3A_204, %dma_wait3A_205, %dma_wait3A_206] : memref<2x4x4x8x128xf32, #tpu.memory_space<vmem>> -> memref<1x4x4x8x128xf32, #tpu.memory_space<vmem>>
        %dma_wait3A_208 = tpu.memref_squeeze %dma_wait3A_207 : memref<1x4x4x8x128xf32, #tpu.memory_space<vmem>> -> memref<4x4x8x128xf32, #tpu.memory_space<vmem>>
        %dma_wait3A_209 = arith.constant 0 : i32
        %dma_wait3A_210 = arith.constant 0 : i32
        %dma_wait3A_211 = arith.constant 0 : i32
        %dma_wait3A_212 = arith.constant 0 : i32
        %dma_wait3A_213 = tpu.memref_slice %arg4[%dma_wait3A_202, %dma_wait3A_209, %dma_wait3A_210, %dma_wait3A_211, %dma_wait3A_212] : memref<50x4x128x8x128xf32, #tpu.memory_space<hbm>> -> memref<1x4x4x8x128xf32, #tpu.memory_space<hbm>>
        %dma_wait3A_214 = tpu.memref_squeeze %dma_wait3A_213 : memref<1x4x4x8x128xf32, #tpu.memory_space<hbm>> -> memref<4x4x8x128xf32, #tpu.memory_space<hbm>>
        %dma_wait3A_215 = arith.constant 0 : i32
        %dma_wait3A_216 = arith.constant 0 : i32
        %dma_wait3A_217 = arith.constant 0 : i32
        %dma_wait3A_218 = arith.constant 0 : i32
        %dma_wait3A_219 = tpu.memref_slice %arg4[%dma_wait3A_202, %dma_wait3A_215, %dma_wait3A_216, %dma_wait3A_217, %dma_wait3A_218] : memref<50x4x128x8x128xf32, #tpu.memory_space<hbm>> -> memref<1x4x4x8x128xf32, #tpu.memory_space<hbm>>
        %dma_wait3A_220 = tpu.memref_squeeze %dma_wait3A_219 : memref<1x4x4x8x128xf32, #tpu.memory_space<hbm>> -> memref<4x4x8x128xf32, #tpu.memory_space<hbm>>
        %dma_wait3A_221 = arith.constant 0 : i32
        %dma_wait3A_222 = arith.constant 0 : i32
        %dma_wait3A_223 = arith.constant 0 : i32
        %dma_wait3A_224 = arith.constant 0 : i32
        %dma_wait3A_225 = tpu.memref_slice %arg7[%dma_wait3A_201, %dma_wait3A_221, %dma_wait3A_222, %dma_wait3A_223, %dma_wait3A_224] : memref<2x4x4x8x128xf32, #tpu.memory_space<vmem>> -> memref<1x4x4x8x128xf32, #tpu.memory_space<vmem>>
        %dma_wait3A_226 = tpu.memref_squeeze %dma_wait3A_225 : memref<1x4x4x8x128xf32, #tpu.memory_space<vmem>> -> memref<4x4x8x128xf32, #tpu.memory_space<vmem>>
        tpu.wait_dma2 semaphore(%arg11 : memref<!tpu.dma_semaphore, #tpu.memory_space<semaphore_mem>>) src(%dma_wait3A_226 : memref<4x4x8x128xf32, #tpu.memory_space<vmem>>) dst(%dma_wait3A_220 : memref<4x4x8x128xf32, #tpu.memory_space<hbm>>)
      } else {
      }
      %parallel_loop3A_165 = arith.constant 0 : i32
      %parallel_loop3A_166 = arith.constant 128 : i32
      %parallel_loop3A_167 = arith.constant 1 : i32
      %parallel_loop3A_168 = arith.constant 1 : i32
      %parallel_loop3A_169 = arith.constant 1 : i32
      scf.for %parallel_loop3A_201 = %parallel_loop3A_165 to %parallel_loop3A_166 step %parallel_loop3A_167  : i32 {
        %parallel_loop3A_202 = arith.constant 3 : i32
        %parallel_loop3A_203 = arith.andi %parallel_loop3A_201, %parallel_loop3A_202 : i32
        %parallel_loop3A_204 = arith.constant 2 : i32
        %parallel_loop3A_205 = arith.shrsi %parallel_loop3A_201, %parallel_loop3A_204 : i32
        %parallel_loop3A_206 = arith.constant 3 : i32
        %parallel_loop3A_207 = arith.shrsi %parallel_loop3A_205, %parallel_loop3A_206 : i32
        %parallel_loop3A_208 = arith.constant 7 : i32
        %parallel_loop3A_209 = arith.andi %parallel_loop3A_205, %parallel_loop3A_208 : i32
        %parallel_loop3A_210 = arith.constant 128 : i32
        %parallel_loop3A_211 = arith.muli %parallel_loop3A_203, %parallel_loop3A_210 : i32
        %parallel_loop3A_212 = arith.constant 0 : i32
        %parallel_loop3A_213 = arith.addi %parallel_loop3A_211, %parallel_loop3A_212 : i32
        %parallel_loop3A_214 = vector.broadcast %parallel_loop3A_213 : i32 to vector<16xi32>
        %parallel_loop3A_215 = arith.addi %iota3A, %parallel_loop3A_214 : vector<16xi32>
        %parallel_loop3A_216 = vector.broadcast %parallel_loop3A_205 : i32 to vector<16xi32>
        %parallel_loop3A_217 = arith.constant 0 : i32
        %parallel_loop3A_218 = arith.constant 0 : i32
        %parallel_loop3A_219 = tpu.memref_slice %arg6[%parallel_loop3A_168, %parallel_loop3A_217, %parallel_loop3A_218] : memref<2x512x32xf32, #tpu.memory_space<vmem>> -> memref<1x512x32xf32, #tpu.memory_space<vmem>>
        %parallel_loop3A_220 = tpu.memref_squeeze %parallel_loop3A_219 : memref<1x512x32xf32, #tpu.memory_space<vmem>> -> memref<512x32xf32, #tpu.memory_space<vmem>>
        %parallel_loop3A_221 = tpu.vector_load_idx %parallel_loop3A_220[%parallel_loop3A_215, %parallel_loop3A_216] : memref<512x32xf32, #tpu.memory_space<vmem>>[vector<16xi32>, vector<16xi32>], vector<16xf32>,
        %parallel_loop3A_222 = arith.constant 0 : i32
        %parallel_loop3A_223 = arith.constant 0 : i32
        %parallel_loop3A_224 = arith.constant 0 : i32
        %parallel_loop3A_225 = arith.constant 0 : i32
        %parallel_loop3A_226 = tpu.memref_slice %arg7[%parallel_loop3A_169, %parallel_loop3A_222, %parallel_loop3A_223, %parallel_loop3A_224, %parallel_loop3A_225] : memref<2x4x4x8x128xf32, #tpu.memory_space<vmem>> -> memref<1x4x4x8x128xf32, #tpu.memory_space<vmem>>
        %parallel_loop3A_227 = tpu.memref_squeeze %parallel_loop3A_226 : memref<1x4x4x8x128xf32, #tpu.memory_space<vmem>> -> memref<4x4x8x128xf32, #tpu.memory_space<vmem>>
        %parallel_loop3A_228 = arith.index_cast %parallel_loop3A_207 : i32 to index
        %parallel_loop3A_229 = arith.index_cast %parallel_loop3A_203 : i32 to index
        %parallel_loop3A_230 = arith.index_cast %parallel_loop3A_209 : i32 to index
        %parallel_loop3A_231 = arith.constant 0 : index
        %parallel_loop3A_232 = tpu.vector_load %parallel_loop3A_227[%parallel_loop3A_228, %parallel_loop3A_229, %parallel_loop3A_230, %parallel_loop3A_231] {strides = array<i32>} : memref<4x4x8x128xf32, #tpu.memory_space<vmem>>, vector<16xf32>,
        tpu.vector_store %parallel_loop3A_227[%parallel_loop3A_228, %parallel_loop3A_229, %parallel_loop3A_230, %parallel_loop3A_231], %parallel_loop3A_221 {strides = array<i32>} : memref<4x4x8x128xf32, #tpu.memory_space<vmem>>, vector<16xf32>,
        %parallel_loop3A_233 = arith.constant 16 : i32
        %parallel_loop3A_234 = arith.addi %parallel_loop3A_211, %parallel_loop3A_233 : i32
        %parallel_loop3A_235 = vector.broadcast %parallel_loop3A_234 : i32 to vector<16xi32>
        %parallel_loop3A_236 = arith.addi %iota3A, %parallel_loop3A_235 : vector<16xi32>
        %parallel_loop3A_237 = vector.broadcast %parallel_loop3A_205 : i32 to vector<16xi32>
        %parallel_loop3A_238 = arith.constant 0 : i32
        %parallel_loop3A_239 = arith.constant 0 : i32
        %parallel_loop3A_240 = tpu.memref_slice %arg6[%parallel_loop3A_168, %parallel_loop3A_238, %parallel_loop3A_239] : memref<2x512x32xf32, #tpu.memory_space<vmem>> -> memref<1x512x32xf32, #tpu.memory_space<vmem>>
        %parallel_loop3A_241 = tpu.memref_squeeze %parallel_loop3A_240 : memref<1x512x32xf32, #tpu.memory_space<vmem>> -> memref<512x32xf32, #tpu.memory_space<vmem>>
        %parallel_loop3A_242 = tpu.vector_load_idx %parallel_loop3A_241[%parallel_loop3A_236, %parallel_loop3A_237] : memref<512x32xf32, #tpu.memory_space<vmem>>[vector<16xi32>, vector<16xi32>], vector<16xf32>,
        %parallel_loop3A_243 = arith.constant 0 : i32
        %parallel_loop3A_244 = arith.constant 0 : i32
        %parallel_loop3A_245 = arith.constant 0 : i32
        %parallel_loop3A_246 = arith.constant 0 : i32
        %parallel_loop3A_247 = tpu.memref_slice %arg7[%parallel_loop3A_169, %parallel_loop3A_243, %parallel_loop3A_244, %parallel_loop3A_245, %parallel_loop3A_246] : memref<2x4x4x8x128xf32, #tpu.memory_space<vmem>> -> memref<1x4x4x8x128xf32, #tpu.memory_space<vmem>>
        %parallel_loop3A_248 = tpu.memref_squeeze %parallel_loop3A_247 : memref<1x4x4x8x128xf32, #tpu.memory_space<vmem>> -> memref<4x4x8x128xf32, #tpu.memory_space<vmem>>
        %parallel_loop3A_249 = arith.index_cast %parallel_loop3A_207 : i32 to index
        %parallel_loop3A_250 = arith.index_cast %parallel_loop3A_203 : i32 to index
        %parallel_loop3A_251 = arith.index_cast %parallel_loop3A_209 : i32 to index
        %parallel_loop3A_252 = arith.constant 16 : index
        %parallel_loop3A_253 = tpu.vector_load %parallel_loop3A_248[%parallel_loop3A_249, %parallel_loop3A_250, %parallel_loop3A_251, %parallel_loop3A_252] {strides = array<i32>} : memref<4x4x8x128xf32, #tpu.memory_space<vmem>>, vector<16xf32>,
        tpu.vector_store %parallel_loop3A_248[%parallel_loop3A_249, %parallel_loop3A_250, %parallel_loop3A_251, %parallel_loop3A_252], %parallel_loop3A_242 {strides = array<i32>} : memref<4x4x8x128xf32, #tpu.memory_space<vmem>>, vector<16xf32>,
        %parallel_loop3A_254 = arith.constant 32 : i32
        %parallel_loop3A_255 = arith.addi %parallel_loop3A_211, %parallel_loop3A_254 : i32
        %parallel_loop3A_256 = vector.broadcast %parallel_loop3A_255 : i32 to vector<16xi32>
        %parallel_loop3A_257 = arith.addi %iota3A, %parallel_loop3A_256 : vector<16xi32>
        %parallel_loop3A_258 = vector.broadcast %parallel_loop3A_205 : i32 to vector<16xi32>
        %parallel_loop3A_259 = arith.constant 0 : i32
        %parallel_loop3A_260 = arith.constant 0 : i32
        %parallel_loop3A_261 = tpu.memref_slice %arg6[%parallel_loop3A_168, %parallel_loop3A_259, %parallel_loop3A_260] : memref<2x512x32xf32, #tpu.memory_space<vmem>> -> memref<1x512x32xf32, #tpu.memory_space<vmem>>
        %parallel_loop3A_262 = tpu.memref_squeeze %parallel_loop3A_261 : memref<1x512x32xf32, #tpu.memory_space<vmem>> -> memref<512x32xf32, #tpu.memory_space<vmem>>
        %parallel_loop3A_263 = tpu.vector_load_idx %parallel_loop3A_262[%parallel_loop3A_257, %parallel_loop3A_258] : memref<512x32xf32, #tpu.memory_space<vmem>>[vector<16xi32>, vector<16xi32>], vector<16xf32>,
        %parallel_loop3A_264 = arith.constant 0 : i32
        %parallel_loop3A_265 = arith.constant 0 : i32
        %parallel_loop3A_266 = arith.constant 0 : i32
        %parallel_loop3A_267 = arith.constant 0 : i32
        %parallel_loop3A_268 = tpu.memref_slice %arg7[%parallel_loop3A_169, %parallel_loop3A_264, %parallel_loop3A_265, %parallel_loop3A_266, %parallel_loop3A_267] : memref<2x4x4x8x128xf32, #tpu.memory_space<vmem>> -> memref<1x4x4x8x128xf32, #tpu.memory_space<vmem>>
        %parallel_loop3A_269 = tpu.memref_squeeze %parallel_loop3A_268 : memref<1x4x4x8x128xf32, #tpu.memory_space<vmem>> -> memref<4x4x8x128xf32, #tpu.memory_space<vmem>>
        %parallel_loop3A_270 = arith.index_cast %parallel_loop3A_207 : i32 to index
        %parallel_loop3A_271 = arith.index_cast %parallel_loop3A_203 : i32 to index
        %parallel_loop3A_272 = arith.index_cast %parallel_loop3A_209 : i32 to index
        %parallel_loop3A_273 = arith.constant 32 : index
        %parallel_loop3A_274 = tpu.vector_load %parallel_loop3A_269[%parallel_loop3A_270, %parallel_loop3A_271, %parallel_loop3A_272, %parallel_loop3A_273] {strides = array<i32>} : memref<4x4x8x128xf32, #tpu.memory_space<vmem>>, vector<16xf32>,
        tpu.vector_store %parallel_loop3A_269[%parallel_loop3A_270, %parallel_loop3A_271, %parallel_loop3A_272, %parallel_loop3A_273], %parallel_loop3A_263 {strides = array<i32>} : memref<4x4x8x128xf32, #tpu.memory_space<vmem>>, vector<16xf32>,
        %parallel_loop3A_275 = arith.constant 48 : i32
        %parallel_loop3A_276 = arith.addi %parallel_loop3A_211, %parallel_loop3A_275 : i32
        %parallel_loop3A_277 = vector.broadcast %parallel_loop3A_276 : i32 to vector<16xi32>
        %parallel_loop3A_278 = arith.addi %iota3A, %parallel_loop3A_277 : vector<16xi32>
        %parallel_loop3A_279 = vector.broadcast %parallel_loop3A_205 : i32 to vector<16xi32>
        %parallel_loop3A_280 = arith.constant 0 : i32
        %parallel_loop3A_281 = arith.constant 0 : i32
        %parallel_loop3A_282 = tpu.memref_slice %arg6[%parallel_loop3A_168, %parallel_loop3A_280, %parallel_loop3A_281] : memref<2x512x32xf32, #tpu.memory_space<vmem>> -> memref<1x512x32xf32, #tpu.memory_space<vmem>>
        %parallel_loop3A_283 = tpu.memref_squeeze %parallel_loop3A_282 : memref<1x512x32xf32, #tpu.memory_space<vmem>> -> memref<512x32xf32, #tpu.memory_space<vmem>>
        %parallel_loop3A_284 = tpu.vector_load_idx %parallel_loop3A_283[%parallel_loop3A_278, %parallel_loop3A_279] : memref<512x32xf32, #tpu.memory_space<vmem>>[vector<16xi32>, vector<16xi32>], vector<16xf32>,
        %parallel_loop3A_285 = arith.constant 0 : i32
        %parallel_loop3A_286 = arith.constant 0 : i32
        %parallel_loop3A_287 = arith.constant 0 : i32
        %parallel_loop3A_288 = arith.constant 0 : i32
        %parallel_loop3A_289 = tpu.memref_slice %arg7[%parallel_loop3A_169, %parallel_loop3A_285, %parallel_loop3A_286, %parallel_loop3A_287, %parallel_loop3A_288] : memref<2x4x4x8x128xf32, #tpu.memory_space<vmem>> -> memref<1x4x4x8x128xf32, #tpu.memory_space<vmem>>
        %parallel_loop3A_290 = tpu.memref_squeeze %parallel_loop3A_289 : memref<1x4x4x8x128xf32, #tpu.memory_space<vmem>> -> memref<4x4x8x128xf32, #tpu.memory_space<vmem>>
        %parallel_loop3A_291 = arith.index_cast %parallel_loop3A_207 : i32 to index
        %parallel_loop3A_292 = arith.index_cast %parallel_loop3A_203 : i32 to index
        %parallel_loop3A_293 = arith.index_cast %parallel_loop3A_209 : i32 to index
        %parallel_loop3A_294 = arith.constant 48 : index
        %parallel_loop3A_295 = tpu.vector_load %parallel_loop3A_290[%parallel_loop3A_291, %parallel_loop3A_292, %parallel_loop3A_293, %parallel_loop3A_294] {strides = array<i32>} : memref<4x4x8x128xf32, #tpu.memory_space<vmem>>, vector<16xf32>,
        tpu.vector_store %parallel_loop3A_290[%parallel_loop3A_291, %parallel_loop3A_292, %parallel_loop3A_293, %parallel_loop3A_294], %parallel_loop3A_284 {strides = array<i32>} : memref<4x4x8x128xf32, #tpu.memory_space<vmem>>, vector<16xf32>,
        %parallel_loop3A_296 = arith.constant 64 : i32
        %parallel_loop3A_297 = arith.addi %parallel_loop3A_211, %parallel_loop3A_296 : i32
        %parallel_loop3A_298 = vector.broadcast %parallel_loop3A_297 : i32 to vector<16xi32>
        %parallel_loop3A_299 = arith.addi %iota3A, %parallel_loop3A_298 : vector<16xi32>
        %parallel_loop3A_300 = vector.broadcast %parallel_loop3A_205 : i32 to vector<16xi32>
        %parallel_loop3A_301 = arith.constant 0 : i32
        %parallel_loop3A_302 = arith.constant 0 : i32
        %parallel_loop3A_303 = tpu.memref_slice %arg6[%parallel_loop3A_168, %parallel_loop3A_301, %parallel_loop3A_302] : memref<2x512x32xf32, #tpu.memory_space<vmem>> -> memref<1x512x32xf32, #tpu.memory_space<vmem>>
        %parallel_loop3A_304 = tpu.memref_squeeze %parallel_loop3A_303 : memref<1x512x32xf32, #tpu.memory_space<vmem>> -> memref<512x32xf32, #tpu.memory_space<vmem>>
        %parallel_loop3A_305 = tpu.vector_load_idx %parallel_loop3A_304[%parallel_loop3A_299, %parallel_loop3A_300] : memref<512x32xf32, #tpu.memory_space<vmem>>[vector<16xi32>, vector<16xi32>], vector<16xf32>,
        %parallel_loop3A_306 = arith.constant 0 : i32
        %parallel_loop3A_307 = arith.constant 0 : i32
        %parallel_loop3A_308 = arith.constant 0 : i32
        %parallel_loop3A_309 = arith.constant 0 : i32
        %parallel_loop3A_310 = tpu.memref_slice %arg7[%parallel_loop3A_169, %parallel_loop3A_306, %parallel_loop3A_307, %parallel_loop3A_308, %parallel_loop3A_309] : memref<2x4x4x8x128xf32, #tpu.memory_space<vmem>> -> memref<1x4x4x8x128xf32, #tpu.memory_space<vmem>>
        %parallel_loop3A_311 = tpu.memref_squeeze %parallel_loop3A_310 : memref<1x4x4x8x128xf32, #tpu.memory_space<vmem>> -> memref<4x4x8x128xf32, #tpu.memory_space<vmem>>
        %parallel_loop3A_312 = arith.index_cast %parallel_loop3A_207 : i32 to index
        %parallel_loop3A_313 = arith.index_cast %parallel_loop3A_203 : i32 to index
        %parallel_loop3A_314 = arith.index_cast %parallel_loop3A_209 : i32 to index
        %parallel_loop3A_315 = arith.constant 64 : index
        %parallel_loop3A_316 = tpu.vector_load %parallel_loop3A_311[%parallel_loop3A_312, %parallel_loop3A_313, %parallel_loop3A_314, %parallel_loop3A_315] {strides = array<i32>} : memref<4x4x8x128xf32, #tpu.memory_space<vmem>>, vector<16xf32>,
        tpu.vector_store %parallel_loop3A_311[%parallel_loop3A_312, %parallel_loop3A_313, %parallel_loop3A_314, %parallel_loop3A_315], %parallel_loop3A_305 {strides = array<i32>} : memref<4x4x8x128xf32, #tpu.memory_space<vmem>>, vector<16xf32>,
        %parallel_loop3A_317 = arith.constant 80 : i32
        %parallel_loop3A_318 = arith.addi %parallel_loop3A_211, %parallel_loop3A_317 : i32
        %parallel_loop3A_319 = vector.broadcast %parallel_loop3A_318 : i32 to vector<16xi32>
        %parallel_loop3A_320 = arith.addi %iota3A, %parallel_loop3A_319 : vector<16xi32>
        %parallel_loop3A_321 = vector.broadcast %parallel_loop3A_205 : i32 to vector<16xi32>
        %parallel_loop3A_322 = arith.constant 0 : i32
        %parallel_loop3A_323 = arith.constant 0 : i32
        %parallel_loop3A_324 = tpu.memref_slice %arg6[%parallel_loop3A_168, %parallel_loop3A_322, %parallel_loop3A_323] : memref<2x512x32xf32, #tpu.memory_space<vmem>> -> memref<1x512x32xf32, #tpu.memory_space<vmem>>
        %parallel_loop3A_325 = tpu.memref_squeeze %parallel_loop3A_324 : memref<1x512x32xf32, #tpu.memory_space<vmem>> -> memref<512x32xf32, #tpu.memory_space<vmem>>
        %parallel_loop3A_326 = tpu.vector_load_idx %parallel_loop3A_325[%parallel_loop3A_320, %parallel_loop3A_321] : memref<512x32xf32, #tpu.memory_space<vmem>>[vector<16xi32>, vector<16xi32>], vector<16xf32>,
        %parallel_loop3A_327 = arith.constant 0 : i32
        %parallel_loop3A_328 = arith.constant 0 : i32
        %parallel_loop3A_329 = arith.constant 0 : i32
        %parallel_loop3A_330 = arith.constant 0 : i32
        %parallel_loop3A_331 = tpu.memref_slice %arg7[%parallel_loop3A_169, %parallel_loop3A_327, %parallel_loop3A_328, %parallel_loop3A_329, %parallel_loop3A_330] : memref<2x4x4x8x128xf32, #tpu.memory_space<vmem>> -> memref<1x4x4x8x128xf32, #tpu.memory_space<vmem>>
        %parallel_loop3A_332 = tpu.memref_squeeze %parallel_loop3A_331 : memref<1x4x4x8x128xf32, #tpu.memory_space<vmem>> -> memref<4x4x8x128xf32, #tpu.memory_space<vmem>>
        %parallel_loop3A_333 = arith.index_cast %parallel_loop3A_207 : i32 to index
        %parallel_loop3A_334 = arith.index_cast %parallel_loop3A_203 : i32 to index
        %parallel_loop3A_335 = arith.index_cast %parallel_loop3A_209 : i32 to index
        %parallel_loop3A_336 = arith.constant 80 : index
        %parallel_loop3A_337 = tpu.vector_load %parallel_loop3A_332[%parallel_loop3A_333, %parallel_loop3A_334, %parallel_loop3A_335, %parallel_loop3A_336] {strides = array<i32>} : memref<4x4x8x128xf32, #tpu.memory_space<vmem>>, vector<16xf32>,
        tpu.vector_store %parallel_loop3A_332[%parallel_loop3A_333, %parallel_loop3A_334, %parallel_loop3A_335, %parallel_loop3A_336], %parallel_loop3A_326 {strides = array<i32>} : memref<4x4x8x128xf32, #tpu.memory_space<vmem>>, vector<16xf32>,
        %parallel_loop3A_338 = arith.constant 96 : i32
        %parallel_loop3A_339 = arith.addi %parallel_loop3A_211, %parallel_loop3A_338 : i32
        %parallel_loop3A_340 = vector.broadcast %parallel_loop3A_339 : i32 to vector<16xi32>
        %parallel_loop3A_341 = arith.addi %iota3A, %parallel_loop3A_340 : vector<16xi32>
        %parallel_loop3A_342 = vector.broadcast %parallel_loop3A_205 : i32 to vector<16xi32>
        %parallel_loop3A_343 = arith.constant 0 : i32
        %parallel_loop3A_344 = arith.constant 0 : i32
        %parallel_loop3A_345 = tpu.memref_slice %arg6[%parallel_loop3A_168, %parallel_loop3A_343, %parallel_loop3A_344] : memref<2x512x32xf32, #tpu.memory_space<vmem>> -> memref<1x512x32xf32, #tpu.memory_space<vmem>>
        %parallel_loop3A_346 = tpu.memref_squeeze %parallel_loop3A_345 : memref<1x512x32xf32, #tpu.memory_space<vmem>> -> memref<512x32xf32, #tpu.memory_space<vmem>>
        %parallel_loop3A_347 = tpu.vector_load_idx %parallel_loop3A_346[%parallel_loop3A_341, %parallel_loop3A_342] : memref<512x32xf32, #tpu.memory_space<vmem>>[vector<16xi32>, vector<16xi32>], vector<16xf32>,
        %parallel_loop3A_348 = arith.constant 0 : i32
        %parallel_loop3A_349 = arith.constant 0 : i32
        %parallel_loop3A_350 = arith.constant 0 : i32
        %parallel_loop3A_351 = arith.constant 0 : i32
        %parallel_loop3A_352 = tpu.memref_slice %arg7[%parallel_loop3A_169, %parallel_loop3A_348, %parallel_loop3A_349, %parallel_loop3A_350, %parallel_loop3A_351] : memref<2x4x4x8x128xf32, #tpu.memory_space<vmem>> -> memref<1x4x4x8x128xf32, #tpu.memory_space<vmem>>
        %parallel_loop3A_353 = tpu.memref_squeeze %parallel_loop3A_352 : memref<1x4x4x8x128xf32, #tpu.memory_space<vmem>> -> memref<4x4x8x128xf32, #tpu.memory_space<vmem>>
        %parallel_loop3A_354 = arith.index_cast %parallel_loop3A_207 : i32 to index
        %parallel_loop3A_355 = arith.index_cast %parallel_loop3A_203 : i32 to index
        %parallel_loop3A_356 = arith.index_cast %parallel_loop3A_209 : i32 to index
        %parallel_loop3A_357 = arith.constant 96 : index
        %parallel_loop3A_358 = tpu.vector_load %parallel_loop3A_353[%parallel_loop3A_354, %parallel_loop3A_355, %parallel_loop3A_356, %parallel_loop3A_357] {strides = array<i32>} : memref<4x4x8x128xf32, #tpu.memory_space<vmem>>, vector<16xf32>,
        tpu.vector_store %parallel_loop3A_353[%parallel_loop3A_354, %parallel_loop3A_355, %parallel_loop3A_356, %parallel_loop3A_357], %parallel_loop3A_347 {strides = array<i32>} : memref<4x4x8x128xf32, #tpu.memory_space<vmem>>, vector<16xf32>,
        %parallel_loop3A_359 = arith.constant 112 : i32
        %parallel_loop3A_360 = arith.addi %parallel_loop3A_211, %parallel_loop3A_359 : i32
        %parallel_loop3A_361 = vector.broadcast %parallel_loop3A_360 : i32 to vector<16xi32>
        %parallel_loop3A_362 = arith.addi %iota3A, %parallel_loop3A_361 : vector<16xi32>
        %parallel_loop3A_363 = vector.broadcast %parallel_loop3A_205 : i32 to vector<16xi32>
        %parallel_loop3A_364 = arith.constant 0 : i32
        %parallel_loop3A_365 = arith.constant 0 : i32
        %parallel_loop3A_366 = tpu.memref_slice %arg6[%parallel_loop3A_168, %parallel_loop3A_364, %parallel_loop3A_365] : memref<2x512x32xf32, #tpu.memory_space<vmem>> -> memref<1x512x32xf32, #tpu.memory_space<vmem>>
        %parallel_loop3A_367 = tpu.memref_squeeze %parallel_loop3A_366 : memref<1x512x32xf32, #tpu.memory_space<vmem>> -> memref<512x32xf32, #tpu.memory_space<vmem>>
        %parallel_loop3A_368 = tpu.vector_load_idx %parallel_loop3A_367[%parallel_loop3A_362, %parallel_loop3A_363] : memref<512x32xf32, #tpu.memory_space<vmem>>[vector<16xi32>, vector<16xi32>], vector<16xf32>,
        %parallel_loop3A_369 = arith.constant 0 : i32
        %parallel_loop3A_370 = arith.constant 0 : i32
        %parallel_loop3A_371 = arith.constant 0 : i32
        %parallel_loop3A_372 = arith.constant 0 : i32
        %parallel_loop3A_373 = tpu.memref_slice %arg7[%parallel_loop3A_169, %parallel_loop3A_369, %parallel_loop3A_370, %parallel_loop3A_371, %parallel_loop3A_372] : memref<2x4x4x8x128xf32, #tpu.memory_space<vmem>> -> memref<1x4x4x8x128xf32, #tpu.memory_space<vmem>>
        %parallel_loop3A_374 = tpu.memref_squeeze %parallel_loop3A_373 : memref<1x4x4x8x128xf32, #tpu.memory_space<vmem>> -> memref<4x4x8x128xf32, #tpu.memory_space<vmem>>
        %parallel_loop3A_375 = arith.index_cast %parallel_loop3A_207 : i32 to index
        %parallel_loop3A_376 = arith.index_cast %parallel_loop3A_203 : i32 to index
        %parallel_loop3A_377 = arith.index_cast %parallel_loop3A_209 : i32 to index
        %parallel_loop3A_378 = arith.constant 112 : index
        %parallel_loop3A_379 = tpu.vector_load %parallel_loop3A_374[%parallel_loop3A_375, %parallel_loop3A_376, %parallel_loop3A_377, %parallel_loop3A_378] {strides = array<i32>} : memref<4x4x8x128xf32, #tpu.memory_space<vmem>>, vector<16xf32>,
        tpu.vector_store %parallel_loop3A_374[%parallel_loop3A_375, %parallel_loop3A_376, %parallel_loop3A_377, %parallel_loop3A_378], %parallel_loop3A_368 {strides = array<i32>} : memref<4x4x8x128xf32, #tpu.memory_space<vmem>>, vector<16xf32>,
      } {sc.loop_unroll_factor = 2 : i64, sc.parallel_access}
      %dma_start3A_170 = arith.constant 1 : i32
      %dma_start3A_171 = arith.constant 0 : i32
      %dma_start3A_172 = arith.constant 0 : i32
      %dma_start3A_173 = arith.constant 0 : i32
      %dma_start3A_174 = arith.constant 0 : i32
      %dma_start3A_175 = tpu.memref_slice %arg7[%dma_start3A_170, %dma_start3A_171, %dma_start3A_172, %dma_start3A_173, %dma_start3A_174] : memref<2x4x4x8x128xf32, #tpu.memory_space<vmem>> -> memref<1x4x4x8x128xf32, #tpu.memory_space<vmem>>
      %dma_start3A_176 = tpu.memref_squeeze %dma_start3A_175 : memref<1x4x4x8x128xf32, #tpu.memory_space<vmem>> -> memref<4x4x8x128xf32, #tpu.memory_space<vmem>>
      %dma_start3A_177 = arith.constant 0 : i32
      %dma_start3A_178 = arith.constant 0 : i32
      %dma_start3A_179 = arith.constant 0 : i32
      %dma_start3A_180 = tpu.memref_slice %arg4[%add3A_144, %dma_start3A_177, %mul3A_4, %dma_start3A_178, %dma_start3A_179] : memref<50x4x128x8x128xf32, #tpu.memory_space<hbm>> -> memref<1x4x4x8x128xf32, #tpu.memory_space<hbm>>
      %dma_start3A_181 = tpu.memref_squeeze %dma_start3A_180 : memref<1x4x4x8x128xf32, #tpu.memory_space<hbm>> -> memref<4x4x8x128xf32, #tpu.memory_space<hbm>>
      %dma_start3A_182 = arith.constant 0 : i32
      %dma_start3A_183 = arith.constant 0 : i32
      %dma_start3A_184 = arith.constant 0 : i32
      %dma_start3A_185 = tpu.memref_slice %arg4[%add3A_144, %dma_start3A_182, %mul3A_4, %dma_start3A_183, %dma_start3A_184] : memref<50x4x128x8x128xf32, #tpu.memory_space<hbm>> -> memref<1x4x4x8x128xf32, #tpu.memory_space<hbm>>
      %dma_start3A_186 = tpu.memref_squeeze %dma_start3A_185 : memref<1x4x4x8x128xf32, #tpu.memory_space<hbm>> -> memref<4x4x8x128xf32, #tpu.memory_space<hbm>>
      %dma_start3A_187 = arith.constant 0 : i32
      %dma_start3A_188 = arith.constant 0 : i32
      %dma_start3A_189 = arith.constant 0 : i32
      %dma_start3A_190 = arith.constant 0 : i32
      %dma_start3A_191 = tpu.memref_slice %arg7[%dma_start3A_170, %dma_start3A_187, %dma_start3A_188, %dma_start3A_189, %dma_start3A_190] : memref<2x4x4x8x128xf32, #tpu.memory_space<vmem>> -> memref<1x4x4x8x128xf32, #tpu.memory_space<vmem>>
      %dma_start3A_192 = tpu.memref_squeeze %dma_start3A_191 : memref<1x4x4x8x128xf32, #tpu.memory_space<vmem>> -> memref<4x4x8x128xf32, #tpu.memory_space<vmem>>
      tpu.enqueue_dma source(%dma_start3A_192 : memref<4x4x8x128xf32, #tpu.memory_space<vmem>>) target(%dma_start3A_186 : memref<4x4x8x128xf32, #tpu.memory_space<hbm>>) target_semaphore(%arg11 : memref<!tpu.dma_semaphore, #tpu.memory_space<semaphore_mem>>)
      %add3A_193 = arith.constant 2 : i32
      %add3A_194 = arith.addi %add3A_144, %add3A_193 : i32
      %lt3A_195 = arith.constant 50 : i32
      %lt3A_196 = arith.cmpi slt, %add3A_194, %lt3A_195 : i32
      %convert_element_type3A_197 = arith.extui %lt3A_196 : i1 to i32
      %cond3A_198 = arith.constant 0 : i32
      %cond3A_199 = arith.cmpi ne, %convert_element_type3A_197, %cond3A_198 : i32
      scf.if %cond3A_199 {
        %add3A_201 = arith.constant 2 : i32
        %add3A_202 = arith.addi %add3A_144, %add3A_201 : i32
        %dma_start3A_203 = arith.constant 1 : i32
        %dma_start3A_204 = arith.constant 0 : i32
        %dma_start3A_205 = arith.constant 0 : i32
        %dma_start3A_206 = tpu.memref_slice %arg6[%dma_start3A_203, %dma_start3A_204, %dma_start3A_205] : memref<2x512x32xf32, #tpu.memory_space<vmem>> -> memref<1x512x32xf32, #tpu.memory_space<vmem>>
        %dma_start3A_207 = tpu.memref_squeeze %dma_start3A_206 : memref<1x512x32xf32, #tpu.memory_space<vmem>> -> memref<512x32xf32, #tpu.memory_space<vmem>>
        %dma_start3A_208 = arith.constant 0 : i32
        %dma_start3A_209 = tpu.memref_slice %arg5[%add3A_202, %dma_start3A_208] : memref<50x512xi32, #tpu.memory_space<vmem>> -> memref<1x512xi32, #tpu.memory_space<vmem>>
        %dma_start3A_210 = tpu.memref_squeeze %dma_start3A_209 : memref<1x512xi32, #tpu.memory_space<vmem>> -> memref<512xi32, #tpu.memory_space<vmem>>
        %dma_start3A_211 = arith.constant 0 : i32
        %dma_start3A_212 = arith.constant 0 : i32
        %dma_start3A_213 = tpu.memref_slice %arg3[%dma_start3A_211, %dma_start3A_212] : memref<1000000x32xf32, #tpu.memory_space<hbm>> -> memref<1000000x32xf32, #tpu.memory_space<hbm>>
        tpu.enqueue_indirect_dma source(%dma_start3A_213 : memref<1000000x32xf32, #tpu.memory_space<hbm>>) target(%dma_start3A_207 : memref<512x32xf32, #tpu.memory_space<vmem>>) offsets(%dma_start3A_210 : memref<512xi32, #tpu.memory_space<vmem>>) semaphore(%arg9 : memref<!tpu.dma_semaphore, #tpu.memory_space<semaphore_mem>>)
      } else {
      }
      %scan3A_200 = arith.constant 0 : i32
      scf.yield %scan3A_200 : i32
    }
    %scan3A_33 = arith.constant 25 : i32
    %dma_wait3A = arith.constant 0 : i32
    %dma_wait3A_34 = arith.constant 0 : i32
    %dma_wait3A_35 = arith.constant 0 : i32
    %dma_wait3A_36 = arith.constant 0 : i32
    %dma_wait3A_37 = arith.constant 0 : i32
    %dma_wait3A_38 = arith.constant 0 : i32
    %dma_wait3A_39 = tpu.memref_slice %arg7[%dma_wait3A, %dma_wait3A_35, %dma_wait3A_36, %dma_wait3A_37, %dma_wait3A_38] : memref<2x4x4x8x128xf32, #tpu.memory_space<vmem>> -> memref<1x4x4x8x128xf32, #tpu.memory_space<vmem>>
    %dma_wait3A_40 = tpu.memref_squeeze %dma_wait3A_39 : memref<1x4x4x8x128xf32, #tpu.memory_space<vmem>> -> memref<4x4x8x128xf32, #tpu.memory_space<vmem>>
    %dma_wait3A_41 = arith.constant 0 : i32
    %dma_wait3A_42 = arith.constant 0 : i32
    %dma_wait3A_43 = arith.constant 0 : i32
    %dma_wait3A_44 = arith.constant 0 : i32
    %dma_wait3A_45 = tpu.memref_slice %arg4[%dma_wait3A_34, %dma_wait3A_41, %dma_wait3A_42, %dma_wait3A_43, %dma_wait3A_44] : memref<50x4x128x8x128xf32, #tpu.memory_space<hbm>> -> memref<1x4x4x8x128xf32, #tpu.memory_space<hbm>>
    %dma_wait3A_46 = tpu.memref_squeeze %dma_wait3A_45 : memref<1x4x4x8x128xf32, #tpu.memory_space<hbm>> -> memref<4x4x8x128xf32, #tpu.memory_space<hbm>>
    %dma_wait3A_47 = arith.constant 0 : i32
    %dma_wait3A_48 = arith.constant 0 : i32
    %dma_wait3A_49 = arith.constant 0 : i32
    %dma_wait3A_50 = arith.constant 0 : i32
    %dma_wait3A_51 = tpu.memref_slice %arg4[%dma_wait3A_34, %dma_wait3A_47, %dma_wait3A_48, %dma_wait3A_49, %dma_wait3A_50] : memref<50x4x128x8x128xf32, #tpu.memory_space<hbm>> -> memref<1x4x4x8x128xf32, #tpu.memory_space<hbm>>
    %dma_wait3A_52 = tpu.memref_squeeze %dma_wait3A_51 : memref<1x4x4x8x128xf32, #tpu.memory_space<hbm>> -> memref<4x4x8x128xf32, #tpu.memory_space<hbm>>
    %dma_wait3A_53 = arith.constant 0 : i32
    %dma_wait3A_54 = arith.constant 0 : i32
    %dma_wait3A_55 = arith.constant 0 : i32
    %dma_wait3A_56 = arith.constant 0 : i32
    %dma_wait3A_57 = tpu.memref_slice %arg7[%dma_wait3A, %dma_wait3A_53, %dma_wait3A_54, %dma_wait3A_55, %dma_wait3A_56] : memref<2x4x4x8x128xf32, #tpu.memory_space<vmem>> -> memref<1x4x4x8x128xf32, #tpu.memory_space<vmem>>
    %dma_wait3A_58 = tpu.memref_squeeze %dma_wait3A_57 : memref<1x4x4x8x128xf32, #tpu.memory_space<vmem>> -> memref<4x4x8x128xf32, #tpu.memory_space<vmem>>
    tpu.wait_dma2 semaphore(%arg10 : memref<!tpu.dma_semaphore, #tpu.memory_space<semaphore_mem>>) src(%dma_wait3A_58 : memref<4x4x8x128xf32, #tpu.memory_space<vmem>>) dst(%dma_wait3A_52 : memref<4x4x8x128xf32, #tpu.memory_space<hbm>>)
    %dma_wait3A_59 = arith.constant 1 : i32
    %dma_wait3A_60 = arith.constant 0 : i32
    %dma_wait3A_61 = arith.constant 0 : i32
    %dma_wait3A_62 = arith.constant 0 : i32
    %dma_wait3A_63 = arith.constant 0 : i32
    %dma_wait3A_64 = arith.constant 0 : i32
    %dma_wait3A_65 = tpu.memref_slice %arg7[%dma_wait3A_59, %dma_wait3A_61, %dma_wait3A_62, %dma_wait3A_63, %dma_wait3A_64] : memref<2x4x4x8x128xf32, #tpu.memory_space<vmem>> -> memref<1x4x4x8x128xf32, #tpu.memory_space<vmem>>
    %dma_wait3A_66 = tpu.memref_squeeze %dma_wait3A_65 : memref<1x4x4x8x128xf32, #tpu.memory_space<vmem>> -> memref<4x4x8x128xf32, #tpu.memory_space<vmem>>
    %dma_wait3A_67 = arith.constant 0 : i32
    %dma_wait3A_68 = arith.constant 0 : i32
    %dma_wait3A_69 = arith.constant 0 : i32
    %dma_wait3A_70 = arith.constant 0 : i32
    %dma_wait3A_71 = tpu.memref_slice %arg4[%dma_wait3A_60, %dma_wait3A_67, %dma_wait3A_68, %dma_wait3A_69, %dma_wait3A_70] : memref<50x4x128x8x128xf32, #tpu.memory_space<hbm>> -> memref<1x4x4x8x128xf32, #tpu.memory_space<hbm>>
    %dma_wait3A_72 = tpu.memref_squeeze %dma_wait3A_71 : memref<1x4x4x8x128xf32, #tpu.memory_space<hbm>> -> memref<4x4x8x128xf32, #tpu.memory_space<hbm>>
    %dma_wait3A_73 = arith.constant 0 : i32
    %dma_wait3A_74 = arith.constant 0 : i32
    %dma_wait3A_75 = arith.constant 0 : i32
    %dma_wait3A_76 = arith.constant 0 : i32
    %dma_wait3A_77 = tpu.memref_slice %arg4[%dma_wait3A_60, %dma_wait3A_73, %dma_wait3A_74, %dma_wait3A_75, %dma_wait3A_76] : memref<50x4x128x8x128xf32, #tpu.memory_space<hbm>> -> memref<1x4x4x8x128xf32, #tpu.memory_space<hbm>>
    %dma_wait3A_78 = tpu.memref_squeeze %dma_wait3A_77 : memref<1x4x4x8x128xf32, #tpu.memory_space<hbm>> -> memref<4x4x8x128xf32, #tpu.memory_space<hbm>>
    %dma_wait3A_79 = arith.constant 0 : i32
    %dma_wait3A_80 = arith.constant 0 : i32
    %dma_wait3A_81 = arith.constant 0 : i32
    %dma_wait3A_82 = arith.constant 0 : i32
    %dma_wait3A_83 = tpu.memref_slice %arg7[%dma_wait3A_59, %dma_wait3A_79, %dma_wait3A_80, %dma_wait3A_81, %dma_wait3A_82] : memref<2x4x4x8x128xf32, #tpu.memory_space<vmem>> -> memref<1x4x4x8x128xf32, #tpu.memory_space<vmem>>
    %dma_wait3A_84 = tpu.memref_squeeze %dma_wait3A_83 : memref<1x4x4x8x128xf32, #tpu.memory_space<vmem>> -> memref<4x4x8x128xf32, #tpu.memory_space<vmem>>
    tpu.wait_dma2 semaphore(%arg11 : memref<!tpu.dma_semaphore, #tpu.memory_space<semaphore_mem>>) src(%dma_wait3A_84 : memref<4x4x8x128xf32, #tpu.memory_space<vmem>>) dst(%dma_wait3A_78 : memref<4x4x8x128xf32, #tpu.memory_space<hbm>>)
    return
  }
}

#map = affine_map<(d0, d1) -> (0, 0, 0)>
#map1 = affine_map<(d0, d1) -> (0)>
module attributes {stable_mosaic.version = 14 : i64} {
  func.func @_convert_kernel(%arg0: i32, %arg1: i32, %arg2: memref<4x8x1000000xf32, #tpu.memory_space<hbm>>, %arg3: memref<2048xf32, #tpu.memory_space<hbm>>, %arg4: memref<32000000xf32, #tpu.memory_space<hbm>>, %arg5: memref<4x8x128xf32, #tpu.memory_space<vmem>>, %arg6: memref<4x8x128xf32, #tpu.memory_space<vmem>>, %arg7: memref<4096xf32, #tpu.memory_space<vmem>>, %arg8: memref<4096xf32, #tpu.memory_space<vmem>>, %arg9: memref<!tpu.dma_semaphore, #tpu.memory_space<semaphore_mem>>, %arg10: memref<!tpu.dma_semaphore, #tpu.memory_space<semaphore_mem>>, %arg11: memref<!tpu.dma_semaphore, #tpu.memory_space<semaphore_mem>>, %arg12: memref<!tpu.dma_semaphore, #tpu.memory_space<semaphore_mem>>) attributes {dimension_semantics = [#tpu.dimension_semantics<core_parallel>, #tpu.dimension_semantics<subcore_parallel>], iteration_bounds = array<i64: 2, 16>, scalar_prefetch = 0 : i64, scratch_operands = 8 : i64, tpu.core_type = #tpu.core_type<sc_vector_subcore>, window_params = [{transform_indices = #map}, {transform_indices = #map1}, {transform_indices = #map1}]} {
    %mul3A = arith.constant 2 : i32
    %mul3A_0 = arith.muli %arg1, %mul3A : i32
    %add3A = arith.addi %mul3A_0, %arg0 : i32
    %mul3A_1 = arith.constant 244 : i32
    %mul3A_2 = arith.muli %add3A, %mul3A_1 : i32
    %iota3A = tpu.iota {dimensions = array<i32: 0>} : vector<16xi32>
    %mul3A_3 = arith.constant 32 : i32
    %mul3A_4 = vector.broadcast %mul3A_3 : i32 to vector<16xi32>
    %mul3A_5 = arith.muli %iota3A, %mul3A_4 : vector<16xi32>
    %add3A_6 = arith.constant 0 : i32
    %add3A_7 = arith.addi %mul3A_2, %add3A_6 : i32
    %mul3A_8 = arith.constant 128 : i32
    %mul3A_9 = arith.muli %add3A_7, %mul3A_8 : i32
    %dma_start3A = arith.constant 0 : i32
    %dma_start3A_10 = arith.constant 0 : i32
    %dma_start3A_11 = tpu.memref_slice %arg2[%dma_start3A, %dma_start3A_10, %mul3A_9] : memref<4x8x1000000xf32, #tpu.memory_space<hbm>> -> memref<4x8x128xf32, #tpu.memory_space<hbm>>
    %dma_start3A_12 = arith.constant 0 : i32
    %dma_start3A_13 = arith.constant 0 : i32
    %dma_start3A_14 = tpu.memref_slice %arg2[%dma_start3A_12, %dma_start3A_13, %mul3A_9] : memref<4x8x1000000xf32, #tpu.memory_space<hbm>> -> memref<4x8x128xf32, #tpu.memory_space<hbm>>
    tpu.enqueue_dma source(%dma_start3A_14 : memref<4x8x128xf32, #tpu.memory_space<hbm>>) target(%arg5 : memref<4x8x128xf32, #tpu.memory_space<vmem>>) target_semaphore(%arg9 : memref<!tpu.dma_semaphore, #tpu.memory_space<semaphore_mem>>)
    %add3A_15 = arith.constant 1 : i32
    %add3A_16 = arith.addi %mul3A_2, %add3A_15 : i32
    %mul3A_17 = arith.constant 128 : i32
    %mul3A_18 = arith.muli %add3A_16, %mul3A_17 : i32
    %dma_start3A_19 = arith.constant 0 : i32
    %dma_start3A_20 = arith.constant 0 : i32
    %dma_start3A_21 = tpu.memref_slice %arg2[%dma_start3A_19, %dma_start3A_20, %mul3A_18] : memref<4x8x1000000xf32, #tpu.memory_space<hbm>> -> memref<4x8x128xf32, #tpu.memory_space<hbm>>
    %dma_start3A_22 = arith.constant 0 : i32
    %dma_start3A_23 = arith.constant 0 : i32
    %dma_start3A_24 = tpu.memref_slice %arg2[%dma_start3A_22, %dma_start3A_23, %mul3A_18] : memref<4x8x1000000xf32, #tpu.memory_space<hbm>> -> memref<4x8x128xf32, #tpu.memory_space<hbm>>
    tpu.enqueue_dma source(%dma_start3A_24 : memref<4x8x128xf32, #tpu.memory_space<hbm>>) target(%arg6 : memref<4x8x128xf32, #tpu.memory_space<vmem>>) target_semaphore(%arg10 : memref<!tpu.dma_semaphore, #tpu.memory_space<semaphore_mem>>)
    %scan3A = arith.constant 0 : i32
    %scan3A_25 = arith.constant 0 : i32
    %scan3A_26 = arith.constant 122 : i32
    %scan3A_27 = arith.addi %scan3A_25, %scan3A_26 : i32
    %scan3A_28 = arith.constant 1 : i32
    %scan3A_29 = scf.for %scan3A_44 = %scan3A_25 to %scan3A_27 step %scan3A_28 iter_args(%scan3A_45 = %scan3A) -> (i32)  : i32 {
      %mul3A_46 = arith.constant 2 : i32
      %mul3A_47 = arith.muli %mul3A_46, %scan3A_44 : i32
      %add3A_48 = arith.constant 0 : i32
      %add3A_49 = arith.addi %mul3A_47, %add3A_48 : i32
      %dma_wait3A_50 = arith.constant 0 : i32
      %dma_wait3A_51 = arith.constant 0 : i32
      %dma_wait3A_52 = arith.constant 0 : i32
      %dma_wait3A_53 = tpu.memref_slice %arg2[%dma_wait3A_50, %dma_wait3A_51, %dma_wait3A_52] : memref<4x8x1000000xf32, #tpu.memory_space<hbm>> -> memref<4x8x128xf32, #tpu.memory_space<hbm>>
      %dma_wait3A_54 = arith.constant 0 : i32
      %dma_wait3A_55 = arith.constant 0 : i32
      %dma_wait3A_56 = arith.constant 0 : i32
      %dma_wait3A_57 = tpu.memref_slice %arg2[%dma_wait3A_54, %dma_wait3A_55, %dma_wait3A_56] : memref<4x8x1000000xf32, #tpu.memory_space<hbm>> -> memref<4x8x128xf32, #tpu.memory_space<hbm>>
      tpu.wait_dma2 semaphore(%arg9 : memref<!tpu.dma_semaphore, #tpu.memory_space<semaphore_mem>>) src(%dma_wait3A_57 : memref<4x8x128xf32, #tpu.memory_space<hbm>>) dst(%arg5 : memref<4x8x128xf32, #tpu.memory_space<vmem>>)
      %ge3A = arith.constant 2 : i32
      %ge3A_58 = arith.cmpi sge, %add3A_49, %ge3A : i32
      %convert_element_type3A_59 = arith.extui %ge3A_58 : i1 to i32
      %cond3A_60 = arith.constant 0 : i32
      %cond3A_61 = arith.cmpi ne, %convert_element_type3A_59, %cond3A_60 : i32
      scf.if %cond3A_61 {
        %dma_wait3A_109 = arith.constant 0 : i32
        %dma_wait3A_110 = tpu.memref_slice %arg4[%dma_wait3A_109] : memref<32000000xf32, #tpu.memory_space<hbm>> -> memref<4096xf32, #tpu.memory_space<hbm>>
        %dma_wait3A_111 = arith.constant 0 : i32
        %dma_wait3A_112 = tpu.memref_slice %arg4[%dma_wait3A_111] : memref<32000000xf32, #tpu.memory_space<hbm>> -> memref<4096xf32, #tpu.memory_space<hbm>>
        tpu.wait_dma2 semaphore(%arg11 : memref<!tpu.dma_semaphore, #tpu.memory_space<semaphore_mem>>) src(%arg7 : memref<4096xf32, #tpu.memory_space<vmem>>) dst(%dma_wait3A_112 : memref<4096xf32, #tpu.memory_space<hbm>>)
      } else {
      }
      %parallel_loop3A = arith.constant 0 : i32
      %parallel_loop3A_62 = arith.constant 32 : i32
      %parallel_loop3A_63 = arith.constant 1 : i32
      scf.for %parallel_loop3A_109 = %parallel_loop3A to %parallel_loop3A_62 step %parallel_loop3A_63  : i32 {
        %parallel_loop3A_110 = arith.constant 3 : i32
        %parallel_loop3A_111 = arith.shrsi %parallel_loop3A_109, %parallel_loop3A_110 : i32
        %parallel_loop3A_112 = arith.constant 7 : i32
        %parallel_loop3A_113 = arith.andi %parallel_loop3A_109, %parallel_loop3A_112 : i32
        %parallel_loop3A_114 = arith.constant 8 : i32
        %parallel_loop3A_115 = arith.muli %parallel_loop3A_114, %parallel_loop3A_111 : i32
        %parallel_loop3A_116 = arith.addi %parallel_loop3A_115, %parallel_loop3A_113 : i32
        %parallel_loop3A_117 = arith.index_cast %parallel_loop3A_111 : i32 to index
        %parallel_loop3A_118 = arith.index_cast %parallel_loop3A_113 : i32 to index
        %parallel_loop3A_119 = arith.constant 0 : index
        %parallel_loop3A_120 = tpu.vector_load %arg5[%parallel_loop3A_117, %parallel_loop3A_118, %parallel_loop3A_119] {strides = array<i32>} : memref<4x8x128xf32, #tpu.memory_space<vmem>>, vector<16xf32>,
        %parallel_loop3A_121 = arith.constant 0 : i32
        %parallel_loop3A_122 = arith.addi %parallel_loop3A_121, %parallel_loop3A_116 : i32
        %parallel_loop3A_123 = vector.broadcast %parallel_loop3A_122 : i32 to vector<16xi32>
        %parallel_loop3A_124 = arith.addi %mul3A_5, %parallel_loop3A_123 : vector<16xi32>
        tpu.vector_store_idx %arg7[%parallel_loop3A_124], %parallel_loop3A_120 : memref<4096xf32, #tpu.memory_space<vmem>>[vector<16xi32>], vector<16xf32>,
        %parallel_loop3A_125 = arith.index_cast %parallel_loop3A_111 : i32 to index
        %parallel_loop3A_126 = arith.index_cast %parallel_loop3A_113 : i32 to index
        %parallel_loop3A_127 = arith.constant 16 : index
        %parallel_loop3A_128 = tpu.vector_load %arg5[%parallel_loop3A_125, %parallel_loop3A_126, %parallel_loop3A_127] {strides = array<i32>} : memref<4x8x128xf32, #tpu.memory_space<vmem>>, vector<16xf32>,
        %parallel_loop3A_129 = arith.constant 512 : i32
        %parallel_loop3A_130 = arith.addi %parallel_loop3A_129, %parallel_loop3A_116 : i32
        %parallel_loop3A_131 = vector.broadcast %parallel_loop3A_130 : i32 to vector<16xi32>
        %parallel_loop3A_132 = arith.addi %mul3A_5, %parallel_loop3A_131 : vector<16xi32>
        tpu.vector_store_idx %arg7[%parallel_loop3A_132], %parallel_loop3A_128 : memref<4096xf32, #tpu.memory_space<vmem>>[vector<16xi32>], vector<16xf32>,
        %parallel_loop3A_133 = arith.index_cast %parallel_loop3A_111 : i32 to index
        %parallel_loop3A_134 = arith.index_cast %parallel_loop3A_113 : i32 to index
        %parallel_loop3A_135 = arith.constant 32 : index
        %parallel_loop3A_136 = tpu.vector_load %arg5[%parallel_loop3A_133, %parallel_loop3A_134, %parallel_loop3A_135] {strides = array<i32>} : memref<4x8x128xf32, #tpu.memory_space<vmem>>, vector<16xf32>,
        %parallel_loop3A_137 = arith.constant 1024 : i32
        %parallel_loop3A_138 = arith.addi %parallel_loop3A_137, %parallel_loop3A_116 : i32
        %parallel_loop3A_139 = vector.broadcast %parallel_loop3A_138 : i32 to vector<16xi32>
        %parallel_loop3A_140 = arith.addi %mul3A_5, %parallel_loop3A_139 : vector<16xi32>
        tpu.vector_store_idx %arg7[%parallel_loop3A_140], %parallel_loop3A_136 : memref<4096xf32, #tpu.memory_space<vmem>>[vector<16xi32>], vector<16xf32>,
        %parallel_loop3A_141 = arith.index_cast %parallel_loop3A_111 : i32 to index
        %parallel_loop3A_142 = arith.index_cast %parallel_loop3A_113 : i32 to index
        %parallel_loop3A_143 = arith.constant 48 : index
        %parallel_loop3A_144 = tpu.vector_load %arg5[%parallel_loop3A_141, %parallel_loop3A_142, %parallel_loop3A_143] {strides = array<i32>} : memref<4x8x128xf32, #tpu.memory_space<vmem>>, vector<16xf32>,
        %parallel_loop3A_145 = arith.constant 1536 : i32
        %parallel_loop3A_146 = arith.addi %parallel_loop3A_145, %parallel_loop3A_116 : i32
        %parallel_loop3A_147 = vector.broadcast %parallel_loop3A_146 : i32 to vector<16xi32>
        %parallel_loop3A_148 = arith.addi %mul3A_5, %parallel_loop3A_147 : vector<16xi32>
        tpu.vector_store_idx %arg7[%parallel_loop3A_148], %parallel_loop3A_144 : memref<4096xf32, #tpu.memory_space<vmem>>[vector<16xi32>], vector<16xf32>,
        %parallel_loop3A_149 = arith.index_cast %parallel_loop3A_111 : i32 to index
        %parallel_loop3A_150 = arith.index_cast %parallel_loop3A_113 : i32 to index
        %parallel_loop3A_151 = arith.constant 64 : index
        %parallel_loop3A_152 = tpu.vector_load %arg5[%parallel_loop3A_149, %parallel_loop3A_150, %parallel_loop3A_151] {strides = array<i32>} : memref<4x8x128xf32, #tpu.memory_space<vmem>>, vector<16xf32>,
        %parallel_loop3A_153 = arith.constant 2048 : i32
        %parallel_loop3A_154 = arith.addi %parallel_loop3A_153, %parallel_loop3A_116 : i32
        %parallel_loop3A_155 = vector.broadcast %parallel_loop3A_154 : i32 to vector<16xi32>
        %parallel_loop3A_156 = arith.addi %mul3A_5, %parallel_loop3A_155 : vector<16xi32>
        tpu.vector_store_idx %arg7[%parallel_loop3A_156], %parallel_loop3A_152 : memref<4096xf32, #tpu.memory_space<vmem>>[vector<16xi32>], vector<16xf32>,
        %parallel_loop3A_157 = arith.index_cast %parallel_loop3A_111 : i32 to index
        %parallel_loop3A_158 = arith.index_cast %parallel_loop3A_113 : i32 to index
        %parallel_loop3A_159 = arith.constant 80 : index
        %parallel_loop3A_160 = tpu.vector_load %arg5[%parallel_loop3A_157, %parallel_loop3A_158, %parallel_loop3A_159] {strides = array<i32>} : memref<4x8x128xf32, #tpu.memory_space<vmem>>, vector<16xf32>,
        %parallel_loop3A_161 = arith.constant 2560 : i32
        %parallel_loop3A_162 = arith.addi %parallel_loop3A_161, %parallel_loop3A_116 : i32
        %parallel_loop3A_163 = vector.broadcast %parallel_loop3A_162 : i32 to vector<16xi32>
        %parallel_loop3A_164 = arith.addi %mul3A_5, %parallel_loop3A_163 : vector<16xi32>
        tpu.vector_store_idx %arg7[%parallel_loop3A_164], %parallel_loop3A_160 : memref<4096xf32, #tpu.memory_space<vmem>>[vector<16xi32>], vector<16xf32>,
        %parallel_loop3A_165 = arith.index_cast %parallel_loop3A_111 : i32 to index
        %parallel_loop3A_166 = arith.index_cast %parallel_loop3A_113 : i32 to index
        %parallel_loop3A_167 = arith.constant 96 : index
        %parallel_loop3A_168 = tpu.vector_load %arg5[%parallel_loop3A_165, %parallel_loop3A_166, %parallel_loop3A_167] {strides = array<i32>} : memref<4x8x128xf32, #tpu.memory_space<vmem>>, vector<16xf32>,
        %parallel_loop3A_169 = arith.constant 3072 : i32
        %parallel_loop3A_170 = arith.addi %parallel_loop3A_169, %parallel_loop3A_116 : i32
        %parallel_loop3A_171 = vector.broadcast %parallel_loop3A_170 : i32 to vector<16xi32>
        %parallel_loop3A_172 = arith.addi %mul3A_5, %parallel_loop3A_171 : vector<16xi32>
        tpu.vector_store_idx %arg7[%parallel_loop3A_172], %parallel_loop3A_168 : memref<4096xf32, #tpu.memory_space<vmem>>[vector<16xi32>], vector<16xf32>,
        %parallel_loop3A_173 = arith.index_cast %parallel_loop3A_111 : i32 to index
        %parallel_loop3A_174 = arith.index_cast %parallel_loop3A_113 : i32 to index
        %parallel_loop3A_175 = arith.constant 112 : index
        %parallel_loop3A_176 = tpu.vector_load %arg5[%parallel_loop3A_173, %parallel_loop3A_174, %parallel_loop3A_175] {strides = array<i32>} : memref<4x8x128xf32, #tpu.memory_space<vmem>>, vector<16xf32>,
        %parallel_loop3A_177 = arith.constant 3584 : i32
        %parallel_loop3A_178 = arith.addi %parallel_loop3A_177, %parallel_loop3A_116 : i32
        %parallel_loop3A_179 = vector.broadcast %parallel_loop3A_178 : i32 to vector<16xi32>
        %parallel_loop3A_180 = arith.addi %mul3A_5, %parallel_loop3A_179 : vector<16xi32>
        tpu.vector_store_idx %arg7[%parallel_loop3A_180], %parallel_loop3A_176 : memref<4096xf32, #tpu.memory_space<vmem>>[vector<16xi32>], vector<16xf32>,
      } {sc.loop_unroll_factor = 2 : i64, sc.parallel_access}
      %add3A_64 = arith.addi %mul3A_2, %add3A_49 : i32
      %mul3A_65 = arith.constant 4096 : i32
      %mul3A_66 = arith.muli %add3A_64, %mul3A_65 : i32
      %dma_start3A_67 = tpu.memref_slice %arg4[%mul3A_66] : memref<32000000xf32, #tpu.memory_space<hbm>> -> memref<4096xf32, #tpu.memory_space<hbm>>
      %dma_start3A_68 = tpu.memref_slice %arg4[%mul3A_66] : memref<32000000xf32, #tpu.memory_space<hbm>> -> memref<4096xf32, #tpu.memory_space<hbm>>
      tpu.enqueue_dma source(%arg7 : memref<4096xf32, #tpu.memory_space<vmem>>) target(%dma_start3A_68 : memref<4096xf32, #tpu.memory_space<hbm>>) target_semaphore(%arg11 : memref<!tpu.dma_semaphore, #tpu.memory_space<semaphore_mem>>)
      %add3A_69 = arith.constant 2 : i32
      %add3A_70 = arith.addi %add3A_49, %add3A_69 : i32
      %lt3A_71 = arith.constant 244 : i32
      %lt3A_72 = arith.cmpi slt, %add3A_70, %lt3A_71 : i32
      %convert_element_type3A_73 = arith.extui %lt3A_72 : i1 to i32
      %cond3A_74 = arith.constant 0 : i32
      %cond3A_75 = arith.cmpi ne, %convert_element_type3A_73, %cond3A_74 : i32
      scf.if %cond3A_75 {
        %add3A_109 = arith.constant 2 : i32
        %add3A_110 = arith.addi %add3A_49, %add3A_109 : i32
        %add3A_111 = arith.addi %mul3A_2, %add3A_110 : i32
        %mul3A_112 = arith.constant 128 : i32
        %mul3A_113 = arith.muli %add3A_111, %mul3A_112 : i32
        %dma_start3A_114 = arith.constant 0 : i32
        %dma_start3A_115 = arith.constant 0 : i32
        %dma_start3A_116 = tpu.memref_slice %arg2[%dma_start3A_114, %dma_start3A_115, %mul3A_113] : memref<4x8x1000000xf32, #tpu.memory_space<hbm>> -> memref<4x8x128xf32, #tpu.memory_space<hbm>>
        %dma_start3A_117 = arith.constant 0 : i32
        %dma_start3A_118 = arith.constant 0 : i32
        %dma_start3A_119 = tpu.memref_slice %arg2[%dma_start3A_117, %dma_start3A_118, %mul3A_113] : memref<4x8x1000000xf32, #tpu.memory_space<hbm>> -> memref<4x8x128xf32, #tpu.memory_space<hbm>>
        tpu.enqueue_dma source(%dma_start3A_119 : memref<4x8x128xf32, #tpu.memory_space<hbm>>) target(%arg5 : memref<4x8x128xf32, #tpu.memory_space<vmem>>) target_semaphore(%arg9 : memref<!tpu.dma_semaphore, #tpu.memory_space<semaphore_mem>>)
      } else {
      }
      %mul3A_76 = arith.constant 2 : i32
      %mul3A_77 = arith.muli %mul3A_76, %scan3A_44 : i32
      %add3A_78 = arith.constant 1 : i32
      %add3A_79 = arith.addi %mul3A_77, %add3A_78 : i32
      %dma_wait3A_80 = arith.constant 0 : i32
      %dma_wait3A_81 = arith.constant 0 : i32
      %dma_wait3A_82 = arith.constant 0 : i32
      %dma_wait3A_83 = tpu.memref_slice %arg2[%dma_wait3A_80, %dma_wait3A_81, %dma_wait3A_82] : memref<4x8x1000000xf32, #tpu.memory_space<hbm>> -> memref<4x8x128xf32, #tpu.memory_space<hbm>>
      %dma_wait3A_84 = arith.constant 0 : i32
      %dma_wait3A_85 = arith.constant 0 : i32
      %dma_wait3A_86 = arith.constant 0 : i32
      %dma_wait3A_87 = tpu.memref_slice %arg2[%dma_wait3A_84, %dma_wait3A_85, %dma_wait3A_86] : memref<4x8x1000000xf32, #tpu.memory_space<hbm>> -> memref<4x8x128xf32, #tpu.memory_space<hbm>>
      tpu.wait_dma2 semaphore(%arg10 : memref<!tpu.dma_semaphore, #tpu.memory_space<semaphore_mem>>) src(%dma_wait3A_87 : memref<4x8x128xf32, #tpu.memory_space<hbm>>) dst(%arg6 : memref<4x8x128xf32, #tpu.memory_space<vmem>>)
      %ge3A_88 = arith.constant 2 : i32
      %ge3A_89 = arith.cmpi sge, %add3A_79, %ge3A_88 : i32
      %convert_element_type3A_90 = arith.extui %ge3A_89 : i1 to i32
      %cond3A_91 = arith.constant 0 : i32
      %cond3A_92 = arith.cmpi ne, %convert_element_type3A_90, %cond3A_91 : i32
      scf.if %cond3A_92 {
        %dma_wait3A_109 = arith.constant 0 : i32
        %dma_wait3A_110 = tpu.memref_slice %arg4[%dma_wait3A_109] : memref<32000000xf32, #tpu.memory_space<hbm>> -> memref<4096xf32, #tpu.memory_space<hbm>>
        %dma_wait3A_111 = arith.constant 0 : i32
        %dma_wait3A_112 = tpu.memref_slice %arg4[%dma_wait3A_111] : memref<32000000xf32, #tpu.memory_space<hbm>> -> memref<4096xf32, #tpu.memory_space<hbm>>
        tpu.wait_dma2 semaphore(%arg12 : memref<!tpu.dma_semaphore, #tpu.memory_space<semaphore_mem>>) src(%arg8 : memref<4096xf32, #tpu.memory_space<vmem>>) dst(%dma_wait3A_112 : memref<4096xf32, #tpu.memory_space<hbm>>)
      } else {
      }
      %parallel_loop3A_93 = arith.constant 0 : i32
      %parallel_loop3A_94 = arith.constant 32 : i32
      %parallel_loop3A_95 = arith.constant 1 : i32
      scf.for %parallel_loop3A_109 = %parallel_loop3A_93 to %parallel_loop3A_94 step %parallel_loop3A_95  : i32 {
        %parallel_loop3A_110 = arith.constant 3 : i32
        %parallel_loop3A_111 = arith.shrsi %parallel_loop3A_109, %parallel_loop3A_110 : i32
        %parallel_loop3A_112 = arith.constant 7 : i32
        %parallel_loop3A_113 = arith.andi %parallel_loop3A_109, %parallel_loop3A_112 : i32
        %parallel_loop3A_114 = arith.constant 8 : i32
        %parallel_loop3A_115 = arith.muli %parallel_loop3A_114, %parallel_loop3A_111 : i32
        %parallel_loop3A_116 = arith.addi %parallel_loop3A_115, %parallel_loop3A_113 : i32
        %parallel_loop3A_117 = arith.index_cast %parallel_loop3A_111 : i32 to index
        %parallel_loop3A_118 = arith.index_cast %parallel_loop3A_113 : i32 to index
        %parallel_loop3A_119 = arith.constant 0 : index
        %parallel_loop3A_120 = tpu.vector_load %arg6[%parallel_loop3A_117, %parallel_loop3A_118, %parallel_loop3A_119] {strides = array<i32>} : memref<4x8x128xf32, #tpu.memory_space<vmem>>, vector<16xf32>,
        %parallel_loop3A_121 = arith.constant 0 : i32
        %parallel_loop3A_122 = arith.addi %parallel_loop3A_121, %parallel_loop3A_116 : i32
        %parallel_loop3A_123 = vector.broadcast %parallel_loop3A_122 : i32 to vector<16xi32>
        %parallel_loop3A_124 = arith.addi %mul3A_5, %parallel_loop3A_123 : vector<16xi32>
        tpu.vector_store_idx %arg8[%parallel_loop3A_124], %parallel_loop3A_120 : memref<4096xf32, #tpu.memory_space<vmem>>[vector<16xi32>], vector<16xf32>,
        %parallel_loop3A_125 = arith.index_cast %parallel_loop3A_111 : i32 to index
        %parallel_loop3A_126 = arith.index_cast %parallel_loop3A_113 : i32 to index
        %parallel_loop3A_127 = arith.constant 16 : index
        %parallel_loop3A_128 = tpu.vector_load %arg6[%parallel_loop3A_125, %parallel_loop3A_126, %parallel_loop3A_127] {strides = array<i32>} : memref<4x8x128xf32, #tpu.memory_space<vmem>>, vector<16xf32>,
        %parallel_loop3A_129 = arith.constant 512 : i32
        %parallel_loop3A_130 = arith.addi %parallel_loop3A_129, %parallel_loop3A_116 : i32
        %parallel_loop3A_131 = vector.broadcast %parallel_loop3A_130 : i32 to vector<16xi32>
        %parallel_loop3A_132 = arith.addi %mul3A_5, %parallel_loop3A_131 : vector<16xi32>
        tpu.vector_store_idx %arg8[%parallel_loop3A_132], %parallel_loop3A_128 : memref<4096xf32, #tpu.memory_space<vmem>>[vector<16xi32>], vector<16xf32>,
        %parallel_loop3A_133 = arith.index_cast %parallel_loop3A_111 : i32 to index
        %parallel_loop3A_134 = arith.index_cast %parallel_loop3A_113 : i32 to index
        %parallel_loop3A_135 = arith.constant 32 : index
        %parallel_loop3A_136 = tpu.vector_load %arg6[%parallel_loop3A_133, %parallel_loop3A_134, %parallel_loop3A_135] {strides = array<i32>} : memref<4x8x128xf32, #tpu.memory_space<vmem>>, vector<16xf32>,
        %parallel_loop3A_137 = arith.constant 1024 : i32
        %parallel_loop3A_138 = arith.addi %parallel_loop3A_137, %parallel_loop3A_116 : i32
        %parallel_loop3A_139 = vector.broadcast %parallel_loop3A_138 : i32 to vector<16xi32>
        %parallel_loop3A_140 = arith.addi %mul3A_5, %parallel_loop3A_139 : vector<16xi32>
        tpu.vector_store_idx %arg8[%parallel_loop3A_140], %parallel_loop3A_136 : memref<4096xf32, #tpu.memory_space<vmem>>[vector<16xi32>], vector<16xf32>,
        %parallel_loop3A_141 = arith.index_cast %parallel_loop3A_111 : i32 to index
        %parallel_loop3A_142 = arith.index_cast %parallel_loop3A_113 : i32 to index
        %parallel_loop3A_143 = arith.constant 48 : index
        %parallel_loop3A_144 = tpu.vector_load %arg6[%parallel_loop3A_141, %parallel_loop3A_142, %parallel_loop3A_143] {strides = array<i32>} : memref<4x8x128xf32, #tpu.memory_space<vmem>>, vector<16xf32>,
        %parallel_loop3A_145 = arith.constant 1536 : i32
        %parallel_loop3A_146 = arith.addi %parallel_loop3A_145, %parallel_loop3A_116 : i32
        %parallel_loop3A_147 = vector.broadcast %parallel_loop3A_146 : i32 to vector<16xi32>
        %parallel_loop3A_148 = arith.addi %mul3A_5, %parallel_loop3A_147 : vector<16xi32>
        tpu.vector_store_idx %arg8[%parallel_loop3A_148], %parallel_loop3A_144 : memref<4096xf32, #tpu.memory_space<vmem>>[vector<16xi32>], vector<16xf32>,
        %parallel_loop3A_149 = arith.index_cast %parallel_loop3A_111 : i32 to index
        %parallel_loop3A_150 = arith.index_cast %parallel_loop3A_113 : i32 to index
        %parallel_loop3A_151 = arith.constant 64 : index
        %parallel_loop3A_152 = tpu.vector_load %arg6[%parallel_loop3A_149, %parallel_loop3A_150, %parallel_loop3A_151] {strides = array<i32>} : memref<4x8x128xf32, #tpu.memory_space<vmem>>, vector<16xf32>,
        %parallel_loop3A_153 = arith.constant 2048 : i32
        %parallel_loop3A_154 = arith.addi %parallel_loop3A_153, %parallel_loop3A_116 : i32
        %parallel_loop3A_155 = vector.broadcast %parallel_loop3A_154 : i32 to vector<16xi32>
        %parallel_loop3A_156 = arith.addi %mul3A_5, %parallel_loop3A_155 : vector<16xi32>
        tpu.vector_store_idx %arg8[%parallel_loop3A_156], %parallel_loop3A_152 : memref<4096xf32, #tpu.memory_space<vmem>>[vector<16xi32>], vector<16xf32>,
        %parallel_loop3A_157 = arith.index_cast %parallel_loop3A_111 : i32 to index
        %parallel_loop3A_158 = arith.index_cast %parallel_loop3A_113 : i32 to index
        %parallel_loop3A_159 = arith.constant 80 : index
        %parallel_loop3A_160 = tpu.vector_load %arg6[%parallel_loop3A_157, %parallel_loop3A_158, %parallel_loop3A_159] {strides = array<i32>} : memref<4x8x128xf32, #tpu.memory_space<vmem>>, vector<16xf32>,
        %parallel_loop3A_161 = arith.constant 2560 : i32
        %parallel_loop3A_162 = arith.addi %parallel_loop3A_161, %parallel_loop3A_116 : i32
        %parallel_loop3A_163 = vector.broadcast %parallel_loop3A_162 : i32 to vector<16xi32>
        %parallel_loop3A_164 = arith.addi %mul3A_5, %parallel_loop3A_163 : vector<16xi32>
        tpu.vector_store_idx %arg8[%parallel_loop3A_164], %parallel_loop3A_160 : memref<4096xf32, #tpu.memory_space<vmem>>[vector<16xi32>], vector<16xf32>,
        %parallel_loop3A_165 = arith.index_cast %parallel_loop3A_111 : i32 to index
        %parallel_loop3A_166 = arith.index_cast %parallel_loop3A_113 : i32 to index
        %parallel_loop3A_167 = arith.constant 96 : index
        %parallel_loop3A_168 = tpu.vector_load %arg6[%parallel_loop3A_165, %parallel_loop3A_166, %parallel_loop3A_167] {strides = array<i32>} : memref<4x8x128xf32, #tpu.memory_space<vmem>>, vector<16xf32>,
        %parallel_loop3A_169 = arith.constant 3072 : i32
        %parallel_loop3A_170 = arith.addi %parallel_loop3A_169, %parallel_loop3A_116 : i32
        %parallel_loop3A_171 = vector.broadcast %parallel_loop3A_170 : i32 to vector<16xi32>
        %parallel_loop3A_172 = arith.addi %mul3A_5, %parallel_loop3A_171 : vector<16xi32>
        tpu.vector_store_idx %arg8[%parallel_loop3A_172], %parallel_loop3A_168 : memref<4096xf32, #tpu.memory_space<vmem>>[vector<16xi32>], vector<16xf32>,
        %parallel_loop3A_173 = arith.index_cast %parallel_loop3A_111 : i32 to index
        %parallel_loop3A_174 = arith.index_cast %parallel_loop3A_113 : i32 to index
        %parallel_loop3A_175 = arith.constant 112 : index
        %parallel_loop3A_176 = tpu.vector_load %arg6[%parallel_loop3A_173, %parallel_loop3A_174, %parallel_loop3A_175] {strides = array<i32>} : memref<4x8x128xf32, #tpu.memory_space<vmem>>, vector<16xf32>,
        %parallel_loop3A_177 = arith.constant 3584 : i32
        %parallel_loop3A_178 = arith.addi %parallel_loop3A_177, %parallel_loop3A_116 : i32
        %parallel_loop3A_179 = vector.broadcast %parallel_loop3A_178 : i32 to vector<16xi32>
        %parallel_loop3A_180 = arith.addi %mul3A_5, %parallel_loop3A_179 : vector<16xi32>
        tpu.vector_store_idx %arg8[%parallel_loop3A_180], %parallel_loop3A_176 : memref<4096xf32, #tpu.memory_space<vmem>>[vector<16xi32>], vector<16xf32>,
      } {sc.loop_unroll_factor = 2 : i64, sc.parallel_access}
      %add3A_96 = arith.addi %mul3A_2, %add3A_79 : i32
      %mul3A_97 = arith.constant 4096 : i32
      %mul3A_98 = arith.muli %add3A_96, %mul3A_97 : i32
      %dma_start3A_99 = tpu.memref_slice %arg4[%mul3A_98] : memref<32000000xf32, #tpu.memory_space<hbm>> -> memref<4096xf32, #tpu.memory_space<hbm>>
      %dma_start3A_100 = tpu.memref_slice %arg4[%mul3A_98] : memref<32000000xf32, #tpu.memory_space<hbm>> -> memref<4096xf32, #tpu.memory_space<hbm>>
      tpu.enqueue_dma source(%arg8 : memref<4096xf32, #tpu.memory_space<vmem>>) target(%dma_start3A_100 : memref<4096xf32, #tpu.memory_space<hbm>>) target_semaphore(%arg12 : memref<!tpu.dma_semaphore, #tpu.memory_space<semaphore_mem>>)
      %add3A_101 = arith.constant 2 : i32
      %add3A_102 = arith.addi %add3A_79, %add3A_101 : i32
      %lt3A_103 = arith.constant 244 : i32
      %lt3A_104 = arith.cmpi slt, %add3A_102, %lt3A_103 : i32
      %convert_element_type3A_105 = arith.extui %lt3A_104 : i1 to i32
      %cond3A_106 = arith.constant 0 : i32
      %cond3A_107 = arith.cmpi ne, %convert_element_type3A_105, %cond3A_106 : i32
      scf.if %cond3A_107 {
        %add3A_109 = arith.constant 2 : i32
        %add3A_110 = arith.addi %add3A_79, %add3A_109 : i32
        %add3A_111 = arith.addi %mul3A_2, %add3A_110 : i32
        %mul3A_112 = arith.constant 128 : i32
        %mul3A_113 = arith.muli %add3A_111, %mul3A_112 : i32
        %dma_start3A_114 = arith.constant 0 : i32
        %dma_start3A_115 = arith.constant 0 : i32
        %dma_start3A_116 = tpu.memref_slice %arg2[%dma_start3A_114, %dma_start3A_115, %mul3A_113] : memref<4x8x1000000xf32, #tpu.memory_space<hbm>> -> memref<4x8x128xf32, #tpu.memory_space<hbm>>
        %dma_start3A_117 = arith.constant 0 : i32
        %dma_start3A_118 = arith.constant 0 : i32
        %dma_start3A_119 = tpu.memref_slice %arg2[%dma_start3A_117, %dma_start3A_118, %mul3A_113] : memref<4x8x1000000xf32, #tpu.memory_space<hbm>> -> memref<4x8x128xf32, #tpu.memory_space<hbm>>
        tpu.enqueue_dma source(%dma_start3A_119 : memref<4x8x128xf32, #tpu.memory_space<hbm>>) target(%arg6 : memref<4x8x128xf32, #tpu.memory_space<vmem>>) target_semaphore(%arg10 : memref<!tpu.dma_semaphore, #tpu.memory_space<semaphore_mem>>)
      } else {
      }
      %scan3A_108 = arith.constant 0 : i32
      scf.yield %scan3A_108 : i32
    }
    %scan3A_30 = arith.constant 122 : i32
    %dma_wait3A = arith.constant 0 : i32
    %dma_wait3A_31 = tpu.memref_slice %arg4[%dma_wait3A] : memref<32000000xf32, #tpu.memory_space<hbm>> -> memref<4096xf32, #tpu.memory_space<hbm>>
    %dma_wait3A_32 = arith.constant 0 : i32
    %dma_wait3A_33 = tpu.memref_slice %arg4[%dma_wait3A_32] : memref<32000000xf32, #tpu.memory_space<hbm>> -> memref<4096xf32, #tpu.memory_space<hbm>>
    tpu.wait_dma2 semaphore(%arg11 : memref<!tpu.dma_semaphore, #tpu.memory_space<semaphore_mem>>) src(%arg7 : memref<4096xf32, #tpu.memory_space<vmem>>) dst(%dma_wait3A_33 : memref<4096xf32, #tpu.memory_space<hbm>>)
    %dma_wait3A_34 = arith.constant 0 : i32
    %dma_wait3A_35 = tpu.memref_slice %arg4[%dma_wait3A_34] : memref<32000000xf32, #tpu.memory_space<hbm>> -> memref<4096xf32, #tpu.memory_space<hbm>>
    %dma_wait3A_36 = arith.constant 0 : i32
    %dma_wait3A_37 = tpu.memref_slice %arg4[%dma_wait3A_36] : memref<32000000xf32, #tpu.memory_space<hbm>> -> memref<4096xf32, #tpu.memory_space<hbm>>
    tpu.wait_dma2 semaphore(%arg12 : memref<!tpu.dma_semaphore, #tpu.memory_space<semaphore_mem>>) src(%arg8 : memref<4096xf32, #tpu.memory_space<vmem>>) dst(%dma_wait3A_37 : memref<4096xf32, #tpu.memory_space<hbm>>)
    %lt3A = arith.constant 4 : i32
    %lt3A_38 = arith.cmpi slt, %add3A, %lt3A : i32
    %convert_element_type3A = arith.extui %lt3A_38 : i1 to i32
    %cond3A = arith.constant 0 : i32
    %cond3A_39 = arith.cmpi ne, %convert_element_type3A, %cond3A : i32
    scf.if %cond3A_39 {
      %add3A_44 = arith.constant 7808 : i32
      %add3A_45 = arith.addi %add3A_44, %add3A : i32
      %mul3A_46 = arith.constant 128 : i32
      %mul3A_47 = arith.muli %add3A_45, %mul3A_46 : i32
      "tpu.region"() ({
        %run_scoped3A = tpu.sem_alloc : memref<!tpu.dma_semaphore, #tpu.memory_space<semaphore_mem>>
        %dma_start3A_52 = arith.constant 0 : i32
        %dma_start3A_53 = arith.constant 0 : i32
        %dma_start3A_54 = tpu.memref_slice %arg2[%dma_start3A_52, %dma_start3A_53, %mul3A_47] : memref<4x8x1000000xf32, #tpu.memory_space<hbm>> -> memref<4x8x128xf32, #tpu.memory_space<hbm>>
        %dma_start3A_55 = arith.constant 0 : i32
        %dma_start3A_56 = arith.constant 0 : i32
        %dma_start3A_57 = tpu.memref_slice %arg2[%dma_start3A_55, %dma_start3A_56, %mul3A_47] : memref<4x8x1000000xf32, #tpu.memory_space<hbm>> -> memref<4x8x128xf32, #tpu.memory_space<hbm>>
        tpu.enqueue_dma source(%dma_start3A_57 : memref<4x8x128xf32, #tpu.memory_space<hbm>>) target(%arg5 : memref<4x8x128xf32, #tpu.memory_space<vmem>>) target_semaphore(%run_scoped3A : memref<!tpu.dma_semaphore, #tpu.memory_space<semaphore_mem>>)
        %dma_wait3A_58 = arith.constant 0 : i32
        %dma_wait3A_59 = arith.constant 0 : i32
        %dma_wait3A_60 = tpu.memref_slice %arg2[%dma_wait3A_58, %dma_wait3A_59, %mul3A_47] : memref<4x8x1000000xf32, #tpu.memory_space<hbm>> -> memref<4x8x128xf32, #tpu.memory_space<hbm>>
        %dma_wait3A_61 = arith.constant 0 : i32
        %dma_wait3A_62 = arith.constant 0 : i32
        %dma_wait3A_63 = tpu.memref_slice %arg2[%dma_wait3A_61, %dma_wait3A_62, %mul3A_47] : memref<4x8x1000000xf32, #tpu.memory_space<hbm>> -> memref<4x8x128xf32, #tpu.memory_space<hbm>>
        tpu.wait_dma2 semaphore(%run_scoped3A : memref<!tpu.dma_semaphore, #tpu.memory_space<semaphore_mem>>) src(%dma_wait3A_63 : memref<4x8x128xf32, #tpu.memory_space<hbm>>) dst(%arg5 : memref<4x8x128xf32, #tpu.memory_space<vmem>>)
        tpu.yield
      }) : () -> ()
      %parallel_loop3A = arith.constant 0 : i32
      %parallel_loop3A_48 = arith.constant 32 : i32
      %parallel_loop3A_49 = arith.constant 1 : i32
      scf.for %parallel_loop3A_52 = %parallel_loop3A to %parallel_loop3A_48 step %parallel_loop3A_49  : i32 {
        %parallel_loop3A_53 = arith.constant 3 : i32
        %parallel_loop3A_54 = arith.shrsi %parallel_loop3A_52, %parallel_loop3A_53 : i32
        %parallel_loop3A_55 = arith.constant 7 : i32
        %parallel_loop3A_56 = arith.andi %parallel_loop3A_52, %parallel_loop3A_55 : i32
        %parallel_loop3A_57 = arith.constant 8 : i32
        %parallel_loop3A_58 = arith.muli %parallel_loop3A_57, %parallel_loop3A_54 : i32
        %parallel_loop3A_59 = arith.addi %parallel_loop3A_58, %parallel_loop3A_56 : i32
        %parallel_loop3A_60 = arith.index_cast %parallel_loop3A_54 : i32 to index
        %parallel_loop3A_61 = arith.index_cast %parallel_loop3A_56 : i32 to index
        %parallel_loop3A_62 = arith.constant 0 : index
        %parallel_loop3A_63 = tpu.vector_load %arg5[%parallel_loop3A_60, %parallel_loop3A_61, %parallel_loop3A_62] {strides = array<i32>} : memref<4x8x128xf32, #tpu.memory_space<vmem>>, vector<16xf32>,
        %parallel_loop3A_64 = arith.constant 0 : i32
        %parallel_loop3A_65 = arith.addi %parallel_loop3A_64, %parallel_loop3A_59 : i32
        %parallel_loop3A_66 = vector.broadcast %parallel_loop3A_65 : i32 to vector<16xi32>
        %parallel_loop3A_67 = arith.addi %mul3A_5, %parallel_loop3A_66 : vector<16xi32>
        tpu.vector_store_idx %arg7[%parallel_loop3A_67], %parallel_loop3A_63 : memref<4096xf32, #tpu.memory_space<vmem>>[vector<16xi32>], vector<16xf32>,
        %parallel_loop3A_68 = arith.index_cast %parallel_loop3A_54 : i32 to index
        %parallel_loop3A_69 = arith.index_cast %parallel_loop3A_56 : i32 to index
        %parallel_loop3A_70 = arith.constant 16 : index
        %parallel_loop3A_71 = tpu.vector_load %arg5[%parallel_loop3A_68, %parallel_loop3A_69, %parallel_loop3A_70] {strides = array<i32>} : memref<4x8x128xf32, #tpu.memory_space<vmem>>, vector<16xf32>,
        %parallel_loop3A_72 = arith.constant 512 : i32
        %parallel_loop3A_73 = arith.addi %parallel_loop3A_72, %parallel_loop3A_59 : i32
        %parallel_loop3A_74 = vector.broadcast %parallel_loop3A_73 : i32 to vector<16xi32>
        %parallel_loop3A_75 = arith.addi %mul3A_5, %parallel_loop3A_74 : vector<16xi32>
        tpu.vector_store_idx %arg7[%parallel_loop3A_75], %parallel_loop3A_71 : memref<4096xf32, #tpu.memory_space<vmem>>[vector<16xi32>], vector<16xf32>,
        %parallel_loop3A_76 = arith.index_cast %parallel_loop3A_54 : i32 to index
        %parallel_loop3A_77 = arith.index_cast %parallel_loop3A_56 : i32 to index
        %parallel_loop3A_78 = arith.constant 32 : index
        %parallel_loop3A_79 = tpu.vector_load %arg5[%parallel_loop3A_76, %parallel_loop3A_77, %parallel_loop3A_78] {strides = array<i32>} : memref<4x8x128xf32, #tpu.memory_space<vmem>>, vector<16xf32>,
        %parallel_loop3A_80 = arith.constant 1024 : i32
        %parallel_loop3A_81 = arith.addi %parallel_loop3A_80, %parallel_loop3A_59 : i32
        %parallel_loop3A_82 = vector.broadcast %parallel_loop3A_81 : i32 to vector<16xi32>
        %parallel_loop3A_83 = arith.addi %mul3A_5, %parallel_loop3A_82 : vector<16xi32>
        tpu.vector_store_idx %arg7[%parallel_loop3A_83], %parallel_loop3A_79 : memref<4096xf32, #tpu.memory_space<vmem>>[vector<16xi32>], vector<16xf32>,
        %parallel_loop3A_84 = arith.index_cast %parallel_loop3A_54 : i32 to index
        %parallel_loop3A_85 = arith.index_cast %parallel_loop3A_56 : i32 to index
        %parallel_loop3A_86 = arith.constant 48 : index
        %parallel_loop3A_87 = tpu.vector_load %arg5[%parallel_loop3A_84, %parallel_loop3A_85, %parallel_loop3A_86] {strides = array<i32>} : memref<4x8x128xf32, #tpu.memory_space<vmem>>, vector<16xf32>,
        %parallel_loop3A_88 = arith.constant 1536 : i32
        %parallel_loop3A_89 = arith.addi %parallel_loop3A_88, %parallel_loop3A_59 : i32
        %parallel_loop3A_90 = vector.broadcast %parallel_loop3A_89 : i32 to vector<16xi32>
        %parallel_loop3A_91 = arith.addi %mul3A_5, %parallel_loop3A_90 : vector<16xi32>
        tpu.vector_store_idx %arg7[%parallel_loop3A_91], %parallel_loop3A_87 : memref<4096xf32, #tpu.memory_space<vmem>>[vector<16xi32>], vector<16xf32>,
        %parallel_loop3A_92 = arith.index_cast %parallel_loop3A_54 : i32 to index
        %parallel_loop3A_93 = arith.index_cast %parallel_loop3A_56 : i32 to index
        %parallel_loop3A_94 = arith.constant 64 : index
        %parallel_loop3A_95 = tpu.vector_load %arg5[%parallel_loop3A_92, %parallel_loop3A_93, %parallel_loop3A_94] {strides = array<i32>} : memref<4x8x128xf32, #tpu.memory_space<vmem>>, vector<16xf32>,
        %parallel_loop3A_96 = arith.constant 2048 : i32
        %parallel_loop3A_97 = arith.addi %parallel_loop3A_96, %parallel_loop3A_59 : i32
        %parallel_loop3A_98 = vector.broadcast %parallel_loop3A_97 : i32 to vector<16xi32>
        %parallel_loop3A_99 = arith.addi %mul3A_5, %parallel_loop3A_98 : vector<16xi32>
        tpu.vector_store_idx %arg7[%parallel_loop3A_99], %parallel_loop3A_95 : memref<4096xf32, #tpu.memory_space<vmem>>[vector<16xi32>], vector<16xf32>,
        %parallel_loop3A_100 = arith.index_cast %parallel_loop3A_54 : i32 to index
        %parallel_loop3A_101 = arith.index_cast %parallel_loop3A_56 : i32 to index
        %parallel_loop3A_102 = arith.constant 80 : index
        %parallel_loop3A_103 = tpu.vector_load %arg5[%parallel_loop3A_100, %parallel_loop3A_101, %parallel_loop3A_102] {strides = array<i32>} : memref<4x8x128xf32, #tpu.memory_space<vmem>>, vector<16xf32>,
        %parallel_loop3A_104 = arith.constant 2560 : i32
        %parallel_loop3A_105 = arith.addi %parallel_loop3A_104, %parallel_loop3A_59 : i32
        %parallel_loop3A_106 = vector.broadcast %parallel_loop3A_105 : i32 to vector<16xi32>
        %parallel_loop3A_107 = arith.addi %mul3A_5, %parallel_loop3A_106 : vector<16xi32>
        tpu.vector_store_idx %arg7[%parallel_loop3A_107], %parallel_loop3A_103 : memref<4096xf32, #tpu.memory_space<vmem>>[vector<16xi32>], vector<16xf32>,
        %parallel_loop3A_108 = arith.index_cast %parallel_loop3A_54 : i32 to index
        %parallel_loop3A_109 = arith.index_cast %parallel_loop3A_56 : i32 to index
        %parallel_loop3A_110 = arith.constant 96 : index
        %parallel_loop3A_111 = tpu.vector_load %arg5[%parallel_loop3A_108, %parallel_loop3A_109, %parallel_loop3A_110] {strides = array<i32>} : memref<4x8x128xf32, #tpu.memory_space<vmem>>, vector<16xf32>,
        %parallel_loop3A_112 = arith.constant 3072 : i32
        %parallel_loop3A_113 = arith.addi %parallel_loop3A_112, %parallel_loop3A_59 : i32
        %parallel_loop3A_114 = vector.broadcast %parallel_loop3A_113 : i32 to vector<16xi32>
        %parallel_loop3A_115 = arith.addi %mul3A_5, %parallel_loop3A_114 : vector<16xi32>
        tpu.vector_store_idx %arg7[%parallel_loop3A_115], %parallel_loop3A_111 : memref<4096xf32, #tpu.memory_space<vmem>>[vector<16xi32>], vector<16xf32>,
        %parallel_loop3A_116 = arith.index_cast %parallel_loop3A_54 : i32 to index
        %parallel_loop3A_117 = arith.index_cast %parallel_loop3A_56 : i32 to index
        %parallel_loop3A_118 = arith.constant 112 : index
        %parallel_loop3A_119 = tpu.vector_load %arg5[%parallel_loop3A_116, %parallel_loop3A_117, %parallel_loop3A_118] {strides = array<i32>} : memref<4x8x128xf32, #tpu.memory_space<vmem>>, vector<16xf32>,
        %parallel_loop3A_120 = arith.constant 3584 : i32
        %parallel_loop3A_121 = arith.addi %parallel_loop3A_120, %parallel_loop3A_59 : i32
        %parallel_loop3A_122 = vector.broadcast %parallel_loop3A_121 : i32 to vector<16xi32>
        %parallel_loop3A_123 = arith.addi %mul3A_5, %parallel_loop3A_122 : vector<16xi32>
        tpu.vector_store_idx %arg7[%parallel_loop3A_123], %parallel_loop3A_119 : memref<4096xf32, #tpu.memory_space<vmem>>[vector<16xi32>], vector<16xf32>,
      } {sc.loop_unroll_factor = 2 : i64, sc.parallel_access}
      %mul3A_50 = arith.constant 4096 : i32
      %mul3A_51 = arith.muli %add3A_45, %mul3A_50 : i32
      "tpu.region"() ({
        %run_scoped3A = tpu.sem_alloc : memref<!tpu.dma_semaphore, #tpu.memory_space<semaphore_mem>>
        %dma_start3A_52 = tpu.memref_slice %arg4[%mul3A_51] : memref<32000000xf32, #tpu.memory_space<hbm>> -> memref<4096xf32, #tpu.memory_space<hbm>>
        %dma_start3A_53 = tpu.memref_slice %arg4[%mul3A_51] : memref<32000000xf32, #tpu.memory_space<hbm>> -> memref<4096xf32, #tpu.memory_space<hbm>>
        tpu.enqueue_dma source(%arg7 : memref<4096xf32, #tpu.memory_space<vmem>>) target(%dma_start3A_53 : memref<4096xf32, #tpu.memory_space<hbm>>) target_semaphore(%run_scoped3A : memref<!tpu.dma_semaphore, #tpu.memory_space<semaphore_mem>>)
        %dma_wait3A_54 = tpu.memref_slice %arg4[%mul3A_51] : memref<32000000xf32, #tpu.memory_space<hbm>> -> memref<4096xf32, #tpu.memory_space<hbm>>
        %dma_wait3A_55 = tpu.memref_slice %arg4[%mul3A_51] : memref<32000000xf32, #tpu.memory_space<hbm>> -> memref<4096xf32, #tpu.memory_space<hbm>>
        tpu.wait_dma2 semaphore(%run_scoped3A : memref<!tpu.dma_semaphore, #tpu.memory_space<semaphore_mem>>) src(%arg7 : memref<4096xf32, #tpu.memory_space<vmem>>) dst(%dma_wait3A_55 : memref<4096xf32, #tpu.memory_space<hbm>>)
        tpu.yield
      }) : () -> ()
    } else {
    }
    %eq3A = arith.constant 4 : i32
    %eq3A_40 = arith.cmpi eq, %add3A, %eq3A : i32
    %convert_element_type3A_41 = arith.extui %eq3A_40 : i1 to i32
    %cond3A_42 = arith.constant 0 : i32
    %cond3A_43 = arith.cmpi ne, %convert_element_type3A_41, %cond3A_42 : i32
    scf.if %cond3A_43 {
      "tpu.region"() ({
        %run_scoped3A = tpu.sem_alloc : memref<!tpu.dma_semaphore, #tpu.memory_space<semaphore_mem>>
        %dma_start3A_44 = arith.constant 31997952 : i32
        %dma_start3A_45 = tpu.memref_slice %arg4[%dma_start3A_44] : memref<32000000xf32, #tpu.memory_space<hbm>> -> memref<2048xf32, #tpu.memory_space<hbm>>
        tpu.enqueue_dma source(%arg3 : memref<2048xf32, #tpu.memory_space<hbm>>) target(%dma_start3A_45 : memref<2048xf32, #tpu.memory_space<hbm>>) target_semaphore(%run_scoped3A : memref<!tpu.dma_semaphore, #tpu.memory_space<semaphore_mem>>)
        %dma_wait3A_46 = arith.constant 31997952 : i32
        %dma_wait3A_47 = tpu.memref_slice %arg4[%dma_wait3A_46] : memref<32000000xf32, #tpu.memory_space<hbm>> -> memref<2048xf32, #tpu.memory_space<hbm>>
        tpu.wait_dma2 semaphore(%run_scoped3A : memref<!tpu.dma_semaphore, #tpu.memory_space<semaphore_mem>>) src(%arg3 : memref<2048xf32, #tpu.memory_space<hbm>>) dst(%dma_wait3A_47 : memref<2048xf32, #tpu.memory_space<hbm>>)
        tpu.yield
      }) : () -> ()
    } else {
    }
    return
  }
}

</mosaic_0001>

<sc_bundles>
// kernel: kernel.4.cloned.1.call-start
scs
__scs_entry_jumppad:
0x0: {  	(pc) =	sbr.rel $0x88, $3  }
0x1: {  	(tag) =	ssettag $0x0;
	lr =	simm.s32 $0x1  }
0x2: {  	[smem:$0x3F9F] =	sst lr;
	_ =	strace $0xD0000000  }
0x3: {  	_ = 	snop  }
0x4: {  	_ = 	snop  }
0x5: {  	_ = 	snop  }
0x6: {  	_ = 	snop  }
0x7: {  	_ = 	snop  }
__scs_overlays_trampoline_lowered:
0x8: {  	[smem:$0x3FAE] =	sst s0  }
0x9: {  	[smem:$0x3FAF] =	sst s1  }
0xa: {  	[smem:$0x3FB0] =	sst s2  }
0xb: {  	[smem:$0x3FB1] =	sst s3  }
0xc: {  	[smem:$0x3FB2] =	sst s4  }
0xd: {  	[smem:$0x3FB3] =	sst s5  }
0xe: {  	[smem:$0x3FB4] =	sst s6  }
0xf: {  	[smem:$0x3FB5] =	sst s7  }
0x10: {  	[smem:$0x3FB6] =	sst s8  }
0x11: {  	[smem:$0x3FB7] =	sst s9;
	s0 =	simm.s32 @!p0 $0x0  }
0x12: {  	s1 =	sld [smem:$0x3F9D];
	s0 =	simm.s32 @p0 $0x1  }
0x13: {  	[smem:$0x3FB8] =	sst s0;
	s0 =	simm.s32 @!p1 $0x0  }
0x14: {  	s2 =	sld [smem:$0x3F9C];
	s0 =	simm.s32 @p1 $0x1  }
0x15: {  	[smem:$0x3FB9] =	sst s0;
	s0 =	simm.s32 @!p2 $0x0  }
0x16: {  	s3 =	sld [smem:$0x3FDB];
	s0 =	simm.s32 @p2 $0x1  }
0x17: {  	s4 =	simm.s32 $0x1BF5;
	[smem:$0x3FBB] =	sst s0  }
0x18: {  	s0 =	sld [smem:$0x3F9E];
	_ =	swait.ge [sflag:s4], $0x0  }
0x19: {  	s7 =	sld [smem:$0x3F9F]  }
0x1a: {  	s8 =	sadd.s32 $0xFFFFE003, lr  }
0x1b: {  	s9 =	sadd.s32 $0xFFFFFEF7, lr;
	s5 =	simm.s32 $0xFFFFFFFF;
	p2 =	slt.u32 s8, $0xFFFFF086  }
0x1c: {  	p1 =	slt.u32 s9, $0xF7A;
	s5 =	simm.s32 @!p2 $0x0  }
0x1d: {  	s5 =	simm.s32 @p1 $0x1;
	p0 =	seq.s32 s7, s2  }
0x1e: {  	s7 =	smul.u32 @!p0 $0xF7A, s2;
	p2 =	seq.s32 @!p0 s5, $0x0  }
0x1f: {  	s9 =	smul.u32 $0xF7A, s1;
	s8 =	simm.s32 @!p0 $0x1BF5;
	p2 =	por !p2, p0  }
0x20: {  	[sflag:s8] =	ssyncset.s32 @!p0 $0xFFFFF086;
	s6 =	sadd.s32 @!p0 s3, s7;
	s7 =	simm.s32 @!p0 $0x108  }
0x21: {  	s3 =	sadd.s32 s3, s9;
	s6 =	sadd.s32 @!p0 $0x88, s6;
	s7 =	simm.s32 @p2 $0x1082  }
0x22: {  	[simem:s7], [sflag:s8] =	dma.local @!p0 [hbm:s6], $0xF7A  }
0x23: {  	s9 =	sor.u32 $0xD0000000, s2;
	s6 =	simm.s32 $0x108;
	_ =	swait.ge @!p0 [sflag:s8], $0x0  }
0x24: {  	s3 =	sadd.s32 $0x88, s3;
	s6 =	simm.s32 @!p1 $0x1082;
	[sflag:s4] =	ssyncset.s32 $0xFFFFF086  }
0x25: {  	[simem:s6], [sflag:s4] =	dma.local [hbm:s3], $0xF7A  }
0x26: {  	[smem:$0x3F9F] =	sst s1;
	(tag) =	ssettag s2;
	_ =	strace s9  }
0x27: {  	s1 =	sld [smem:$0x3FAF]  }
0x28: {  	s2 =	sld [smem:$0x3FB0]  }
0x29: {  	s4 =	sld [smem:$0x3FB2]  }
0x2a: {  	p0 =	seq.s32 s5, $0x0;
	s5 =	sld [smem:$0x3FB3]  }
0x2b: {  	s6 =	sld [smem:$0x3FB4]  }
0x2c: {  	s7 =	sld [smem:$0x3FB5]  }
0x2d: {  	s3 =	simm.s32 $0x108;
	s8 =	sld [smem:$0x3FB6]  }
0x2e: {  	s3 =	simm.s32 @!p0 $0x1082;
	s9 =	sld [smem:$0x3FB7]  }
0x2f: {  	lr =	sadd.s32 s0, s3;
	s0 =	sld [smem:$0x3FAE]  }
0x30: {  	s3 =	sld [smem:$0x3FB1]  }
0x31: {  	[smem:$0x3FBA] =	sst s10  }
0x32: {  	s10 =	sld [smem:$0x3FB8];
	_ =	sdelay $0x3  }
0x33: {  	p0 =	seq.s32 s10, $0x1;
	s10 =	sld [smem:$0x3FBA];
	_ =	sdelay $0x3  }
0x34: {  	[smem:$0x3FBA] =	sst s10  }
0x35: {  	s10 =	sld [smem:$0x3FB9];
	_ =	sdelay $0x3  }
0x36: {  	p1 =	seq.s32 s10, $0x1;
	s10 =	sld [smem:$0x3FBA];
	_ =	sdelay $0x3  }
0x37: {  	[smem:$0x3FBA] =	sst s10  }
0x38: {  	s10 =	sld [smem:$0x3FBB]  }
0x39: {  	_ = 	snop;
	(pc) =	sbr.ind lr, $3  }
0x3a: {  	_ = 	snop  }
0x3b: {  	_ = 	snop  }
0x3c: {  	p2 =	seq.s32 s10, $0x1;
	s10 =	sld [smem:$0x3FBA]  }
0x3d: {  	_ =	shalt  }
0x3e: {  	_ =	shalt  }
0x3f: {  	_ =	shalt  }
0x40: {  	_ =	shalt  }
0x41: {  	_ =	shalt  }
0x42: {  	_ =	shalt  }
0x43: {  	_ =	shalt  }
0x44: {  	_ =	shalt  }
0x45: {  	_ =	shalt  }
0x46: {  	_ =	shalt  }
0x47: {  	_ =	shalt  }
0x48: {  	_ =	shalt  }
0x49: {  	_ =	shalt  }
0x4a: {  	_ =	shalt  }
0x4b: {  	_ =	shalt  }
0x4c: {  	_ =	shalt  }
0x4d: {  	_ =	shalt  }
0x4e: {  	_ =	shalt  }
0x4f: {  	_ =	shalt  }
0x50: {  	_ =	shalt  }
0x51: {  	_ =	shalt  }
0x52: {  	_ =	shalt  }
0x53: {  	_ =	shalt  }
0x54: {  	_ =	shalt  }
0x55: {  	_ =	shalt  }
0x56: {  	_ =	shalt  }
0x57: {  	_ =	shalt  }
0x58: {  	_ =	shalt  }
0x59: {  	_ =	shalt  }
0x5a: {  	_ =	shalt  }
0x5b: {  	_ =	shalt  }
0x5c: {  	_ =	shalt  }
0x5d: {  	_ =	shalt  }
0x5e: {  	_ =	shalt  }
0x5f: {  	_ =	shalt  }
0x60: {  	_ =	shalt  }
0x61: {  	_ =	shalt  }
0x62: {  	_ =	shalt  }
0x63: {  	_ =	shalt  }
0x64: {  	_ =	shalt  }
0x65: {  	_ =	shalt  }
0x66: {  	_ =	shalt  }
0x67: {  	_ =	shalt  }
0x68: {  	_ =	shalt  }
0x69: {  	_ =	shalt  }
0x6a: {  	_ =	shalt  }
0x6b: {  	_ =	shalt  }
0x6c: {  	_ =	shalt  }
0x6d: {  	_ =	shalt  }
0x6e: {  	_ =	shalt  }
0x6f: {  	_ =	shalt  }
0x70: {  	_ =	shalt  }
0x71: {  	_ =	shalt  }
0x72: {  	_ =	shalt  }
0x73: {  	_ =	shalt  }
0x74: {  	_ =	shalt  }
0x75: {  	_ =	shalt  }
0x76: {  	_ =	shalt  }
0x77: {  	_ =	shalt  }
0x78: {  	_ =	shalt  }
0x79: {  	_ =	shalt  }
0x7a: {  	_ =	shalt  }
0x7b: {  	_ =	shalt  }
0x7c: {  	_ =	shalt  }
0x7d: {  	_ =	shalt  }
0x7e: {  	_ =	shalt  }
0x7f: {  	_ =	shalt  }
0x80: {  	_ =	shalt  }
0x81: {  	_ =	shalt  }
0x82: {  	_ =	shalt  }
0x83: {  	_ =	shalt  }
0x84: {  	_ =	shalt  }
0x85: {  	_ =	shalt  }
0x86: {  	_ =	shalt  }
0x87: {  	_ =	shalt  }
.Lfunc_end0:
.L_simem_size_0:
called_computation_lowered:
.L_overlay_start_0:
0x88: {  	s2 =	sld [smem:$0x3FD9]  }
0x89: {  	s3 =	sld [smem:$0x3FFE];
	_ =	sdelay $0x1  }
0x8a: {  	s1 =	srdreg.scid  }
0x8b: {  	s0 =	sand.u32 $0x1, s1  }
0x8c: {  	s17 =	sshll.u32 s0, $0xA;
	s2 =	sadd.s32 s3, s2  }
0x8d: {  	s2 =	sadd.s32 s2, s17  }
0x8e: {  	[smem:$0x3FC6] =	sst s2  }
0x8f: {  	_ = 	snop  }
0x90: {  	s2 =	sld [smem:$0x3FC8]  }
0x91: {  	s18 =	sld [smem:$0x3FD0];
	(tm) =	ssettm $0x1  }
0x92: {  	s4 =	sld [smem:$0x3FFB];
	_ =	sdelay $0x3  }
0x93: {  	_ =	strace s4  }
0x94: {  	s4 =	sld [smem:$0x3FFC];
	_ =	sdelay $0x3  }
0x95: {  	_ =	strace s4  }
0x96: {  	s4 =	sld [smem:$0x3FFD];
	_ =	sdelay $0x3  }
0x97: {  	_ =	strace s4  }
0x98: {  	_ =	strace $0x8FFFFFFF  }
0x99: {  	s19 =	sld [smem:$0x3FDB];
	_ =	sdelay $0x1  }
0x9a: {  	s5 =	simm.s32 $_scs_section_size  }
0x9b: {  	s6 =	simm.s32 $_size__tile_overlayer_lowered;
	s7 =	simm.s32 $_tile_overlayer_lowered  }
0x9c: {  	s22 =	simm.s32 $0x1BFF;
	s21 =	sshll.u32 s7, $0x1;
	s4 =	sadd.s32 s5, s19  }
0x9d: {  	s8 =	simm.s32 $0x0;
	s20 =	sshll.u32 s6, $0x1;
	s6 =	sadd.s32 s21, s4  }
0x9e: {  	[timem:s8], [sflag:s22] =	dma.local [hbm:s6], s20  }
0x9f: {  	_ =	swait.ge [sflag:s22], s20  }
0xa0: {  	s5 =	ssub.s32 $0x0, s20;
	[sflag:s22] =	ssyncset.done $0x0  }
0xa1: {  	[sflag:s22] =	ssyncadd.s32 s5;
	_ =	sdelay $0x1  }
0xa2: {  	s23 =	simm.s32 $0x1B8B  }
0xa3: {  	_ =	swait.ge [sflag:s23], $0x1  }
0xa4: {  	[sflag:s23] =	ssyncset.done $0x0  }
0xa5: {  	s25 =	simm.s32 $0x1B8E;
	s24 =	sld [smem:$0x3FFE];
	[sflag:s23] =	ssyncadd.s32 $0xFFFFFFFF  }
0xa6: {  	s26 =	simm.s32 $execute0_lowered;
	[smem:$0x3FD2] =	sst s25  }
0xa7: {  	s6 =	sshll.u32 s26, $0x1;
	_ =	strace $0x80000046;
	[dreg:$0x1] =	wrdreg $0xFFFFFFFF  }
0xa8: {  	s28 =	simm.s32 $_size_execute0_lowered;
	s4 =	sadd.s32 s4, s6;
	[dreg:$0x0] =	wrdreg $0x0  }
0xa9: {  	s6 =	sshll.u32 s28, $0x1;
	[dreg:$0x2] =	wrdreg s4  }
0xaa: {  	[dreg:$0x3] =	wrdreg s6  }
0xab: {  	[dreg:$0x4] =	wrdreg $0xC0  }
0xac: {  	_ =	task [dreg:s8], $0x5FFFF  }
0xad: {  	[dreg:$0x1] =	wrdreg $0xFFFFFFFF  }
0xae: {  	[dreg:$0x0] =	wrdreg $0x60  }
0xaf: {  	[dreg:$0x2] =	wrdreg s2  }
0xb0: {  	[dreg:$0x3] =	wrdreg s18  }
0xb1: {  	[dreg:$0x4] =	wrdreg s24  }
0xb2: {  	[dreg:$0x5] =	wrdreg $0x9  }
0xb3: {  	_ =	task.clear_ibuf [dreg:s8], $0x6FFFF;
	_ =	strace $0x90000046  }
0xb4: {  	s29 =	simm.s32 $0x9;
	_ =	strace $0x80000048  }
0xb5: {  	_ =	swait.ge [sflag:s29], $0x1  }
0xb6: {  	[sflag:s29] =	ssyncadd.s32 $0xFFFFFFFF  }
0xb7: {  	_ =	strace $0x90000048  }
0xb8: {  	_ =	sfence  }
0xb9: {  	s30 =	sld [smem:$0x0];
	_ =	sdelay $0x2  }
0xba: {  	s31 =	sshll.u32 s1, $0xD;
	s1 =	sshrl.u32 s1, $0x2  }
0xbb: {  	s3 =	sand.u32 $0x4000, s31;
	s1 =	sadd.s32 s1, s30  }
0xbc: {  	s0 =	sor.u32 s3, s0;
	s1 =	sshll.u32 s1, $0x11  }
0xbd: {  	s0 =	sor.u32 s1, s0  }
0xbe: {  	s0 =	sadd.s32 $0x8F2B, s0  }
0xbf: {  	[sflag:s0] =	ssyncadd.remote.s32 $0x1  }
0xc0: {  	_ =	sfence.sel $0xFFFF  }
0xc1: {  	[dreg:$0x0] =	wrdreg $0xFFFFFFFF;
	(pc) =	sbr.abs _section_cstart, $3  }
0xc2: {  	[dreg:$0x1] =	wrdreg $0xFFFFFFFF  }
0xc3: {  	_ =	task.clear_ibuf [dreg:s8], $0x2FFFF;
	_ =	strace $0x9FFFFFFF  }
0xc4: {  	(tm) =	ssettm $0x7FFFFFFF  }
0xc5: {  	_ =	shalt  }
tec
execute0_lowered:
.L_overlay_start_1:
0x0: {  	(tag) =	ssettag $0x1  }
0x1: {  	s1 =	rddreg [dreg:$0x0];
	s0 =	srdreg.scid  }
0x2: {  	s13 =	stileid.u32;
	s2 =	rddreg [dreg:$0x2]  }
0x3: {  	s4 =	simm.s32 $0x0;
	s16 =	simm.s32 $0x400;
	s17 =	simm.s32 $0x7A1400  }
0x4: {  	s18 =	simm.s32 $0x1000;
	s19 =	simm.s32 $0x1;
	s20 =	simm.s32 $0x2000  }
0x5: {  	s21 =	simm.s32 $0x2;
	s22 =	simm.s32 $0x4;
	s23 =	simm.s32 $0x3000  }
0x6: {  	s24 =	simm.s32 $0x3;
	s25 =	simm.s32 $0x5;
	s26 =	simm.s32 $0x0  }
0x7: {  	s0 =	sand.u32 $0x1, s0;
	s3 =	sshll.u32 s13, $0x1;
	[smem:$0x7FF] =	sst s4  }
0x8: {  	s6 =	sadd.s32 $0xA00, s2;
	s2 =	sadd.s32 $0x3D1200, s2;
	p0 =	sgt.u32 s13, $0x1  }
0x9: {  	s3 =	sor.u32 s0, s3;
	s0 =	ssub.s32 $0x2, s0;
	_ =	strace $0x80000047  }
0xa: {  	[dreg:$0x7] =	wrdreg s2;
	s7 =	smul.u32 $0x7A00, s3;
	s8 =	sshrl.u32 s0, $0x1  }
0xb: {  	s5 =	smul.u32 $0xF4, s3;
	s31 =	sor.u32 $0x1E80, s3;
	p1 =	sne.s32 s3, $0x4  }
.Ltmp0:
0xc: {  	s0 =	ssub.s32 s0, s8;
	s12 =	sshll.u32 s31, $0x7;
	(pc) =	sbr.rel .LBB2_1-.Ltmp0, $4  }
0xd: {  	s8 =	sshll.u32 s31, $0x9;
	s7 =	sadd.s32 s1, s7;
	s12 =	sadd.s32 s1, s12  }
0xe: {  	v0 =	vlaneseq.u32;
	s9 =	sor.u32 $0x2, s5;
	s8 =	sadd.s32 s6, s8;
	[dreg:$0x5] =	wrdreg s12  }
0xf: {  	v0 =	vmul.u32 $0x20, v0;
	s10 =	sor.u32 $0x1, s5;
	s30 =	sadd.s32 $0x80, s7;
	[dreg:$0x6] =	wrdreg s8  }
0x10: {  	s11 =	sor.u32 $0x3, s5;
	s15 =	smax.u32 s0, $0x1;
	[dreg:$0x4] =	wrdreg s30  }
.LBB2_16:
0x11: {  	s0 =	stileid.u32  }
0x12: {  	s2 =	rddreg [dreg:$0x1];
	s26 =	sadd.s32 $0x1, s26;
	s0 =	sshll.u32 @!p1 s0, $0x6  }
0x13: {  	s3 =	rddreg [dreg:$0x7];
	p2 =	sne.s32 s26, s15;
	s0 =	sor.u32 @!p1 $0x1C05, s0  }
0x14: {  	[hbm:s3], [sflag:s0] =	dma.local @!p1 [hbm:s2], $0x100  }
.Ltmp1:
0x15: {  	_ = 	snop;
	(pc) =	sbr.rel @!p2 .LBB2_17-.Ltmp1, $4  }
0x16: {  	s0 =	simm.s32 @!p1 $0x5  }
0x17: {  	_ =	swait.ge @!p1 [sflag:s0], $0x100  }
0x18: {  	[sflag:s0] =	ssyncset.done @!p1 $0x0  }
0x19: {  	[sflag:s0] =	ssyncadd.s32 @!p1 $0xFFFFFF00  }
.LBB2_1:
0x1a: {  	[tilespmem:s4], [sflag:$0x1] =	stream.strided.gather [hbm4b:s7+s16], $0x1000, s17, s16, $0x38;
	[tilespmem:$0x4000] =	vst v63  }
0x1b: {  	s0 =	rddreg [dreg:$0x4];
	s28 =	simm.s32 $0x0  }
0x1c: {  	[tilespmem:s18], [sflag:$0x2] =	stream.strided.gather [hbm4b:s0+s16], $0x1000, s17, s16, $0x38;
	[tilespmem:$0x4000] =	vst v63  }
.LBB2_2:
0x1d: {  	_ =	swait.ge [sflag:s19], $0x1000  }
0x1e: {  	p2 =	seq.s32 s28, $0x0;
	[sflag:s19] =	ssyncset.done $0x0  }
0x1f: {  	s0 =	simm.s32 @!p2 $0x3;
	[sflag:s19] =	ssyncadd.s32 $0xFFFFF000  }
0x20: {  	_ =	swait.ge @!p2 [sflag:s0], $0x1000  }
0x21: {  	[sflag:s0] =	ssyncset.done @!p2 $0x0  }
0x22: {  	s12 =	simm.s32 $0x80;
	s8 =	simm.s32 $0x1;
	[sflag:s0] =	ssyncadd.s32 @!p2 $0xFFFFF000  }
0x23: {  	s2 =	simm.s32 $0x0;
	v2 =	vor.u32 s8, v0;
	v1 =	vld [tilespmem:s12+$0x0]  }
0x24: {  	v4 =	vor.u32 s2, v0;
	v3 =	vld [tilespmem:s12+$0xFFFFFF80];
	_ =	sdelay $0x3  }
0x25: {  	s13 =	simm.s32 $0x201;
	[tilespmem:v2+s20+$0x0] =	vst.idx.msk $0xffff, v1  }
0x26: {  	s14 =	simm.s32 $0x200;
	[tilespmem:v4+s20+$0x0] =	vst.idx.msk $0xffff, v3;
	v2 =	vor.u32 s13, v0;
	v1 =	vld [tilespmem:s12+$0x10]  }
0x27: {  	v4 =	vor.u32 s14, v0;
	v3 =	vld [tilespmem:s12+$0xFFFFFF90];
	_ =	sdelay $0x3  }
0x28: {  	s2 =	simm.s32 $0x401;
	[tilespmem:v2+s20+$0x0] =	vst.idx.msk $0xffff, v1  }
0x29: {  	s3 =	simm.s32 $0x400;
	[tilespmem:v4+s20+$0x0] =	vst.idx.msk $0xffff, v3;
	v2 =	vor.u32 s2, v0;
	v1 =	vld [tilespmem:s12+$0x20]  }
0x2a: {  	v4 =	vor.u32 s3, v0;
	v3 =	vld [tilespmem:s12+$0xFFFFFFA0]  }
0x2b: {  	s31 =	simm.s32 $0x180;
	s8 =	simm.s32 $0x3  }
0x2c: {  	v6 =	vor.u32 s8, v0;
	v5 =	vld [tilespmem:s31+$0x0]  }
0x2d: {  	s30 =	simm.s32 $0x2  }
0x2e: {  	v8 =	vor.u32 s30, v0;
	v7 =	vld [tilespmem:s31+$0xFFFFFF80];
	s13 =	simm.s32 $0x601;
	[tilespmem:v2+s20+$0x0] =	vst.idx.msk $0xffff, v1  }
0x2f: {  	s14 =	simm.s32 $0x600;
	[tilespmem:v4+s20+$0x0] =	vst.idx.msk $0xffff, v3;
	v2 =	vor.u32 s13, v0;
	v1 =	vld [tilespmem:s12+$0x30]  }
0x30: {  	v4 =	vor.u32 s14, v0;
	v3 =	vld [tilespmem:s12+$0xFFFFFFB0]  }
0x31: {  	[tilespmem:v6+s20+$0x0] =	vst.idx.msk $0xffff, v5;
	s3 =	simm.s32 $0x203  }
0x32: {  	v5 =	vld [tilespmem:s31+$0x10];
	v6 =	vor.u32 s3, v0  }
0x33: {  	s8 =	simm.s32 $0x202;
	[tilespmem:v8+s20+$0x0] =	vst.idx.msk $0xffff, v7  }
0x34: {  	v8 =	vor.u32 s8, v0;
	v7 =	vld [tilespmem:s31+$0xFFFFFF90];
	s13 =	simm.s32 $0x801;
	[tilespmem:v2+s20+$0x0] =	vst.idx.msk $0xffff, v1  }
0x35: {  	s14 =	simm.s32 $0x800;
	[tilespmem:v4+s20+$0x0] =	vst.idx.msk $0xffff, v3;
	v2 =	vor.u32 s13, v0;
	v1 =	vld [tilespmem:s12+$0x40]  }
0x36: {  	v4 =	vor.u32 s14, v0;
	v3 =	vld [tilespmem:s12+$0xFFFFFFC0]  }
0x37: {  	s2 =	simm.s32 $0x403;
	[tilespmem:v6+s20+$0x0] =	vst.idx.msk $0xffff, v5  }
0x38: {  	v6 =	vor.u32 s2, v0;
	v5 =	vld [tilespmem:s31+$0x20]  }
0x39: {  	[tilespmem:v8+s20+$0x0] =	vst.idx.msk $0xffff, v7;
	s3 =	simm.s32 $0x402  }
0x3a: {  	s8 =	simm.s32 $0xA01;
	v7 =	vld [tilespmem:s31+$0xFFFFFFA0];
	v8 =	vor.u32 s3, v0;
	[tilespmem:v2+s20+$0x0] =	vst.idx.msk $0xffff, v1  }
0x3b: {  	s3 =	simm.s32 $0xA00;
	[tilespmem:v4+s20+$0x0] =	vst.idx.msk $0xffff, v3;
	v2 =	vor.u32 s8, v0;
	v1 =	vld [tilespmem:s12+$0x50]  }
0x3c: {  	s2 =	simm.s32 $0x280;
	s13 =	simm.s32 $0x5;
	v4 =	vor.u32 s3, v0;
	v3 =	vld [tilespmem:s12+$0xFFFFFFD0]  }
0x3d: {  	v9 =	vld [tilespmem:s2+$0x0];
	[tilespmem:v6+s20+$0x0] =	vst.idx.msk $0xffff, v5;
	s14 =	simm.s32 $0x603;
	v10 =	vor.u32 s13, v0  }
0x3e: {  	v5 =	vld [tilespmem:s31+$0x30];
	v6 =	vor.u32 s14, v0;
	s3 =	simm.s32 $0x4  }
0x3f: {  	v11 =	vld [tilespmem:s2+$0xFFFFFF80];
	[tilespmem:v8+s20+$0x0] =	vst.idx.msk $0xffff, v7;
	s8 =	simm.s32 $0x602;
	v12 =	vor.u32 s3, v0  }
0x40: {  	v7 =	vld [tilespmem:s31+$0xFFFFFFB0];
	s13 =	simm.s32 $0xC01;
	v8 =	vor.u32 s8, v0;
	[tilespmem:v2+s20+$0x0] =	vst.idx.msk $0xffff, v1  }
0x41: {  	s14 =	simm.s32 $0xC00;
	[tilespmem:v4+s20+$0x0] =	vst.idx.msk $0xffff, v3;
	v2 =	vor.u32 s13, v0;
	v1 =	vld [tilespmem:s12+$0x60]  }
0x42: {  	[tilespmem:v10+s20+$0x0] =	vst.idx.msk $0xffff, v9;
	v4 =	vor.u32 s14, v0;
	v3 =	vld [tilespmem:s12+$0xFFFFFFE0]  }
0x43: {  	[tilespmem:v6+s20+$0x0] =	vst.idx.msk $0xffff, v5;
	v9 =	vld [tilespmem:s2+$0x10];
	s13 =	simm.s32 $0x205  }
0x44: {  	v5 =	vld [tilespmem:s31+$0x40];
	[tilespmem:v12+s20+$0x0] =	vst.idx.msk $0xffff, v11;
	s14 =	simm.s32 $0x204;
	v10 =	vor.u32 s13, v0  }
0x45: {  	[tilespmem:v8+s20+$0x0] =	vst.idx.msk $0xffff, v7;
	v11 =	vld [tilespmem:s2+$0xFFFFFF90];
	v63 =	vor.u32 s14, v0;
	s13 =	simm.s32 $0x803  }
0x46: {  	s14 =	simm.s32 $0x802;
	v13 =	vld [tilespmem:s31+$0xFFFFFFC0];
	v6 =	vor.u32 s13, v0;
	[tilespmem:v2+s20+$0x0] =	vst.idx.msk $0xffff, v1  }
0x47: {  	s8 =	simm.s32 $0xE01;
	v14 =	vor.u32 s14, v0;
	[tilespmem:v4+s20+$0x0] =	vst.idx.msk $0xffff, v3;
	v15 =	vld [tilespmem:s12+$0x70]  }
0x48: {  	v16 =	vor.u32 s8, v0;
	v1 =	vld [tilespmem:s12+$0xFFFFFFF0];
	s12 =	simm.s32 $0xE00  }
0x49: {  	s13 =	simm.s32 $0x405;
	[tilespmem:v10+s20+$0x0] =	vst.idx.msk $0xffff, v9;
	v3 =	vor.u32 s12, v0  }
0x4a: {  	s14 =	simm.s32 $0x404;
	[tilespmem:v63+s20+$0x0] =	vst.idx.msk $0xffff, v11;
	v9 =	vor.u32 s13, v0;
	v7 =	vld [tilespmem:s2+$0x20]  }
0x4b: {  	v10 =	vor.u32 s14, v0;
	s13 =	simm.s32 $0xA03;
	v8 =	vld [tilespmem:s2+$0xFFFFFFA0];
	[tilespmem:v6+s20+$0x0] =	vst.idx.msk $0xffff, v5  }
0x4c: {  	s29 =	sshll.u32 s28, $0x1;
	s0 =	simm.s32 $0x8;
	s14 =	simm.s32 $0xA02;
	[tilespmem:v14+s20+$0x0] =	vst.idx.msk $0xffff, v13;
	v4 =	vor.u32 s13, v0;
	v2 =	vld [tilespmem:s31+$0x50]  }
0x4d: {  	s8 =	simm.s32 $0x7;
	s13 =	simm.s32 $0x380;
	v6 =	vor.u32 s14, v0;
	s12 =	simm.s32 $0x6;
	v5 =	vld [tilespmem:s31+$0xFFFFFFD0];
	[tilespmem:v16+s20+$0x0] =	vst.idx.msk $0xffff, v15  }
.LBB2_3:
0x4e: {  	p3 =	slt.u32 s0, $0x1E;
	v11 =	vld [tilespmem:s13+$0x0];
	v12 =	vor.u32 s8, v0;
	[tilespmem:v3+s20+$0x0] =	vst.idx.msk $0xffff, v1  }
0x4f: {  	v3 =	vor.u32 s12, v0;
	s8 =	sadd.s32 $0x601, s3;
	v1 =	vld [tilespmem:s13+$0xFFFFFF80];
	[tilespmem:v9+s20+$0x0] =	vst.idx.msk $0xffff, v7  }
0x50: {  	s14 =	sadd.s32 $0x600, s3;
	[tilespmem:v10+s20+$0x0] =	vst.idx.msk $0xffff, v8;
	v7 =	vld [tilespmem:s2+$0x30];
	v8 =	vor.u32 s8, v0  }
0x51: {  	v10 =	vor.u32 s14, v0;
	s8 =	sadd.s32 $0xC01, s30;
	v9 =	vld [tilespmem:s2+$0xFFFFFFB0];
	[tilespmem:v4+s20+$0x0] =	vst.idx.msk $0xffff, v2  }
0x52: {  	s14 =	sadd.s32 $0xC00, s30;
	v4 =	vor.u32 s8, v0;
	[tilespmem:v6+s20+$0x0] =	vst.idx.msk $0xffff, v5;
	v2 =	vld [tilespmem:s31+$0x60]  }
0x53: {  	s8 =	sadd.s32 $0x201, s12;
	v6 =	vor.u32 s14, v0;
	[tilespmem:v12+s20+$0x0] =	vst.idx.msk $0xffff, v11;
	v5 =	vld [tilespmem:s31+$0xFFFFFFE0]  }
0x54: {  	s14 =	sadd.s32 $0x200, s12;
	[tilespmem:v3+s20+$0x0] =	vst.idx.msk $0xffff, v1;
	v1 =	vld [tilespmem:s13+$0x10];
	v3 =	vor.u32 s8, v0  }
0x55: {  	v12 =	vor.u32 s14, v0;
	s8 =	sadd.s32 $0x801, s3;
	v11 =	vld [tilespmem:s13+$0xFFFFFF90];
	[tilespmem:v8+s20+$0x0] =	vst.idx.msk $0xffff, v7  }
0x56: {  	s14 =	sadd.s32 $0x800, s3;
	v14 =	vor.u32 s8, v0;
	[tilespmem:v10+s20+$0x0] =	vst.idx.msk $0xffff, v9;
	v13 =	vld [tilespmem:s2+$0x40]  }
0x57: {  	v16 =	vor.u32 s14, v0;
	s8 =	sadd.s32 $0xE01, s30;
	v15 =	vld [tilespmem:s2+$0xFFFFFFC0];
	[tilespmem:v4+s20+$0x0] =	vst.idx.msk $0xffff, v2  }
0x58: {  	s14 =	sadd.s32 $0xE00, s30;
	s30 =	smov.u32 s3;
	s3 =	smov.u32 s12;
	v18 =	vor.u32 s8, v0;
	[tilespmem:v6+s20+$0x0] =	vst.idx.msk $0xffff, v5;
	v17 =	vld [tilespmem:s31+$0x70]  }
.Ltmp2:
0x59: {  	s12 =	smov.u32 s0;
	s8 =	sadd.s32 $0x401, s3;
	[tilespmem:v3+s20+$0x0] =	vst.idx.msk $0xffff, v1;
	v1 =	vld [tilespmem:s31+$0xFFFFFFF0];
	v3 =	vor.u32 s14, v0;
	(pc) =	sbr.rel @p3 .LBB2_3-.Ltmp2, $4  }
0x5a: {  	v9 =	vor.u32 s8, v0;
	s14 =	sadd.s32 $0x400, s3;
	s31 =	smov.u32 s2;
	s2 =	smov.u32 s13;
	[tilespmem:v12+s20+$0x0] =	vst.idx.msk $0xffff, v11;
	v7 =	vld [tilespmem:s13+$0x20]  }
0x5b: {  	s8 =	sadd.s32 $0xA01, s30;
	v10 =	vor.u32 s14, v0;
	v8 =	vld [tilespmem:s13+$0xFFFFFFA0];
	[tilespmem:v14+s20+$0x0] =	vst.idx.msk $0xffff, v13  }
0x5c: {  	v4 =	vor.u32 s8, v0;
	s14 =	sadd.s32 $0xA00, s30;
	[tilespmem:v16+s20+$0x0] =	vst.idx.msk $0xffff, v15;
	v2 =	vld [tilespmem:s31+$0x50]  }
0x5d: {  	s0 =	sadd.s32 $0x2, s0;
	s8 =	sadd.s32 $0x1, s12;
	s13 =	sadd.s32 $0x100, s13;
	v6 =	vor.u32 s14, v0;
	v5 =	vld [tilespmem:s31+$0xFFFFFFD0];
	[tilespmem:v18+s20+$0x0] =	vst.idx.msk $0xffff, v17  }
0x5e: {  	v11 =	vld [tilespmem:s13+$0x0];
	v12 =	vor.u32 s8, v0  }
0x5f: {  	v13 =	vld [tilespmem:s13+$0xFFFFFF80];
	v14 =	vor.u32 s12, v0;
	_ =	sdelay $0x3  }
0x60: {  	s0 =	sadd.s32 $0x201, s12;
	[tilespmem:v12+s20+$0x0] =	vst.idx.msk $0xffff, v11  }
0x61: {  	s14 =	sadd.s32 $0x200, s12;
	v32 =	vor.u32 s0, v0;
	[tilespmem:v14+s20+$0x0] =	vst.idx.msk $0xffff, v13;
	v11 =	vld [tilespmem:s13+$0x10]  }
0x62: {  	v33 =	vor.u32 s14, v0;
	v13 =	vld [tilespmem:s13+$0xFFFFFF90];
	_ =	sdelay $0x3  }
0x63: {  	s8 =	sadd.s32 $0x401, s12;
	[tilespmem:v32+s20+$0x0] =	vst.idx.msk $0xffff, v11  }
0x64: {  	s14 =	sadd.s32 $0x400, s12;
	v34 =	vor.u32 s8, v0;
	[tilespmem:v33+s20+$0x0] =	vst.idx.msk $0xffff, v13;
	v11 =	vld [tilespmem:s13+$0x20]  }
0x65: {  	v35 =	vor.u32 s14, v0;
	v13 =	vld [tilespmem:s13+$0xFFFFFFA0]  }
0x66: {  	[tilespmem:v10+s20+$0x0] =	vst.idx.msk $0xffff, v8;
	s14 =	sadd.s32 $0x600, s3  }
0x67: {  	v37 =	vld [tilespmem:s2+$0xFFFFFFB0];
	v38 =	vor.u32 s14, v0  }
0x68: {  	[tilespmem:v9+s20+$0x0] =	vst.idx.msk $0xffff, v7;
	s8 =	sadd.s32 $0x601, s3  }
0x69: {  	v7 =	vld [tilespmem:s2+$0x30];
	v36 =	vor.u32 s8, v0;
	s8 =	sadd.s32 $0x601, s12;
	[tilespmem:v34+s20+$0x0] =	vst.idx.msk $0xffff, v11  }
0x6a: {  	s14 =	sadd.s32 $0x600, s12;
	v39 =	vor.u32 s8, v0;
	[tilespmem:v35+s20+$0x0] =	vst.idx.msk $0xffff, v13;
	v11 =	vld [tilespmem:s13+$0x30]  }
0x6b: {  	v40 =	vor.u32 s14, v0;
	v13 =	vld [tilespmem:s13+$0xFFFFFFB0]  }
0x6c: {  	s14 =	sadd.s32 $0x800, s3;
	[tilespmem:v38+s20+$0x0] =	vst.idx.msk $0xffff, v37  }
0x6d: {  	v42 =	vor.u32 s14, v0;
	v9 =	vld [tilespmem:s2+$0xFFFFFFC0]  }
0x6e: {  	s8 =	sadd.s32 $0x801, s3;
	[tilespmem:v36+s20+$0x0] =	vst.idx.msk $0xffff, v7  }
0x6f: {  	v41 =	vor.u32 s8, v0;
	s8 =	sadd.s32 $0x801, s12;
	v7 =	vld [tilespmem:s2+$0x40];
	[tilespmem:v39+s20+$0x0] =	vst.idx.msk $0xffff, v11  }
0x70: {  	s14 =	sadd.s32 $0x800, s12;
	v43 =	vor.u32 s8, v0;
	[tilespmem:v40+s20+$0x0] =	vst.idx.msk $0xffff, v13;
	v11 =	vld [tilespmem:s13+$0x40]  }
0x71: {  	v44 =	vor.u32 s14, v0;
	v13 =	vld [tilespmem:s13+$0xFFFFFFC0]  }
0x72: {  	s14 =	sadd.s32 $0xA00, s3;
	[tilespmem:v42+s20+$0x0] =	vst.idx.msk $0xffff, v9  }
0x73: {  	[tilespmem:v3+s20+$0x0] =	vst.idx.msk $0xffff, v1;
	v46 =	vor.u32 s14, v0;
	v45 =	vld [tilespmem:s2+$0xFFFFFFD0]  }
0x74: {  	s8 =	sadd.s32 $0xA01, s3;
	[tilespmem:v41+s20+$0x0] =	vst.idx.msk $0xffff, v7  }
0x75: {  	v3 =	vor.u32 s8, v0;
	s8 =	sadd.s32 $0xA01, s12;
	v1 =	vld [tilespmem:s2+$0x50];
	[tilespmem:v43+s20+$0x0] =	vst.idx.msk $0xffff, v11  }
0x76: {  	s14 =	sadd.s32 $0xA00, s12;
	v48 =	vor.u32 s8, v0;
	[tilespmem:v44+s20+$0x0] =	vst.idx.msk $0xffff, v13;
	v47 =	vld [tilespmem:s13+$0x50]  }
0x77: {  	s0 =	sadd.s32 $0xC01, s30;
	[tilespmem:v4+s20+$0x0] =	vst.idx.msk $0xffff, v2;
	v49 =	vor.u32 s14, v0;
	s14 =	sadd.s32 $0xC00, s30;
	v2 =	vld [tilespmem:s13+$0xFFFFFFD0]  }
0x78: {  	v51 =	vor.u32 s0, v0;
	v50 =	vld [tilespmem:s31+$0x60];
	v53 =	vor.u32 s14, v0;
	s14 =	sadd.s32 $0xC00, s3;
	[tilespmem:v46+s20+$0x0] =	vst.idx.msk $0xffff, v45  }
0x79: {  	[tilespmem:v6+s20+$0x0] =	vst.idx.msk $0xffff, v5;
	v54 =	vor.u32 s14, v0;
	v7 =	vld [tilespmem:s2+$0xFFFFFFE0]  }
0x7a: {  	v52 =	vld [tilespmem:s31+$0xFFFFFFE0];
	s8 =	sadd.s32 $0xC01, s3;
	[tilespmem:v3+s20+$0x0] =	vst.idx.msk $0xffff, v1  }
0x7b: {  	s14 =	sadd.s32 $0xC01, s12;
	v3 =	vor.u32 s8, v0;
	v1 =	vld [tilespmem:s2+$0x60];
	[tilespmem:v48+s20+$0x0] =	vst.idx.msk $0xffff, v47  }
0x7c: {  	v55 =	vor.u32 s14, v0;
	s8 =	sadd.s32 $0xC00, s12;
	[tilespmem:v49+s20+$0x0] =	vst.idx.msk $0xffff, v2;
	v2 =	vld [tilespmem:s13+$0x60]  }
0x7d: {  	[tilespmem:v51+s20+$0x0] =	vst.idx.msk $0xffff, v50;
	s14 =	sadd.s32 $0xE01, s30;
	v57 =	vor.u32 s8, v0;
	v56 =	vld [tilespmem:s13+$0xFFFFFFE0]  }
0x7e: {  	v58 =	vld [tilespmem:s31+$0x70];
	v59 =	vor.u32 s14, v0;
	s8 =	sadd.s32 $0xE00, s3;
	[tilespmem:v54+s20+$0x0] =	vst.idx.msk $0xffff, v7  }
0x7f: {  	s30 =	sadd.s32 $0xE00, s30;
	[tilespmem:v53+s20+$0x0] =	vst.idx.msk $0xffff, v52;
	v61 =	vor.u32 s8, v0;
	v7 =	vld [tilespmem:s2+$0xFFFFFFF0]  }
0x80: {  	v60 =	vor.u32 s30, v0;
	[tilespmem:v3+s20+$0x0] =	vst.idx.msk $0xffff, v1;
	v11 =	vld [tilespmem:s31+$0xFFFFFFF0];
	s31 =	sadd.s32 $0xE01, s3  }
0x81: {  	s14 =	sadd.s32 $0xE01, s12;
	v1 =	vld [tilespmem:s2+$0x70];
	v3 =	vor.u32 s31, v0;
	[tilespmem:v55+s20+$0x0] =	vst.idx.msk $0xffff, v2  }
0x82: {  	s30 =	sadd.s32 $0xE00, s12;
	v62 =	vor.u32 s14, v0;
	[tilespmem:v57+s20+$0x0] =	vst.idx.msk $0xffff, v56;
	v2 =	vld [tilespmem:s13+$0x70]  }
0x83: {  	v63 =	vor.u32 s30, v0;
	[tilespmem:v59+s20+$0x0] =	vst.idx.msk $0xffff, v58;
	v5 =	vld [tilespmem:s13+$0xFFFFFFF0]  }
0x84: {  	p3 =	sne.s32 s28, $0x79;
	[tilespmem:v61+s20+$0x0] =	vst.idx.msk $0xffff, v7  }
.Ltmp3:
0x85: {  	[tilespmem:v60+s20+$0x0] =	vst.idx.msk $0xffff, v11;
	(pc) =	sbr.rel @p3 .LBB2_6-.Ltmp3, $4  }
0x86: {  	s31 =	sadd.s32 s5, s29;
	[tilespmem:v3+s20+$0x0] =	vst.idx.msk $0xffff, v1  }
0x87: {  	s0 =	sshll.u32 s31, $0x9;
	[tilespmem:v62+s20+$0x0] =	vst.idx.msk $0xffff, v2  }
0x88: {  	s0 =	sadd.s32 s6, s0;
	[tilespmem:v63+s20+$0x0] =	vst.idx.msk $0xffff, v5  }
0x89: {  	[hbm4b:s0+s4] =	stream.linear.scatter [tilespmem:s20], [sflag:$0x3], $0x1000, $0x38;
	[tilespmem:$0x4000] =	vst v63  }
.Ltmp4:
0x8a: {  	(pc) =	sbr.rel .LBB2_7-.Ltmp4, $4  }
0x8b: {  	_ = 	snop  }
0x8c: {  	_ =	swait.ge [sflag:s21], $0x1000  }
0x8d: {  	[sflag:s21] =	ssyncset.done $0x0  }
0x8e: {  	[sflag:s21] =	ssyncadd.s32 $0xFFFFF000  }
.LBB2_6:
0x8f: {  	s0 =	sadd.s32 s29, s9  }
0x90: {  	s0 =	sshll.u32 s0, $0x7  }
0x91: {  	s0 =	sand.u32 $0x1FFFFF00, s0  }
.Ltmp5:
0x92: {  	s0 =	sadd.s32 s1, s0;
	(pc) =	sbr.rel @p2 .LBB2_8-.Ltmp5, $4  }
0x93: {  	[tilespmem:s4], [sflag:$0x1] =	stream.strided.gather [hbm4b:s0+s16], $0x1000, s17, s16, $0x38;
	[tilespmem:$0x4000] =	vst v63  }
0x94: {  	_ =	swait.ge [sflag:s21], $0x1000  }
0x95: {  	[sflag:s21] =	ssyncset.done $0x0  }
0x96: {  	[sflag:s21] =	ssyncadd.s32 $0xFFFFF000  }
.LBB2_7:
0x97: {  	_ =	swait.ge [sflag:s22], $0x1000  }
0x98: {  	[sflag:s22] =	ssyncset.done $0x0  }
0x99: {  	[sflag:s22] =	ssyncadd.s32 $0xFFFFF000  }
.LBB2_8:
0x9a: {  	s12 =	simm.s32 $0x1080;
	s0 =	simm.s32 $0x1  }
0x9b: {  	s2 =	simm.s32 $0x0;
	v1 =	vld [tilespmem:s12+$0x0];
	v2 =	vor.u32 s0, v0  }
0x9c: {  	v3 =	vld [tilespmem:s12+$0xFFFFFF80];
	v4 =	vor.u32 s2, v0;
	_ =	sdelay $0x3  }
0x9d: {  	s13 =	simm.s32 $0x201;
	[tilespmem:v2+s23+$0x0] =	vst.idx.msk $0xffff, v1  }
0x9e: {  	s14 =	simm.s32 $0x200;
	[tilespmem:v4+s23+$0x0] =	vst.idx.msk $0xffff, v3;
	v2 =	vor.u32 s13, v0;
	v1 =	vld [tilespmem:s12+$0x10]  }
0x9f: {  	v4 =	vor.u32 s14, v0;
	v3 =	vld [tilespmem:s12+$0xFFFFFF90];
	_ =	sdelay $0x3  }
0xa0: {  	s2 =	simm.s32 $0x401;
	[tilespmem:v2+s23+$0x0] =	vst.idx.msk $0xffff, v1  }
0xa1: {  	s3 =	simm.s32 $0x400;
	[tilespmem:v4+s23+$0x0] =	vst.idx.msk $0xffff, v3;
	v2 =	vor.u32 s2, v0;
	v1 =	vld [tilespmem:s12+$0x20]  }
0xa2: {  	v4 =	vor.u32 s3, v0;
	v3 =	vld [tilespmem:s12+$0xFFFFFFA0]  }
0xa3: {  	s8 =	simm.s32 $0x3;
	s31 =	simm.s32 $0x1180  }
0xa4: {  	v5 =	vld [tilespmem:s31+$0x0];
	v6 =	vor.u32 s8, v0  }
0xa5: {  	s30 =	simm.s32 $0x2  }
0xa6: {  	v7 =	vld [tilespmem:s31+$0xFFFFFF80];
	v8 =	vor.u32 s30, v0;
	s13 =	simm.s32 $0x601;
	[tilespmem:v2+s23+$0x0] =	vst.idx.msk $0xffff, v1  }
0xa7: {  	s14 =	simm.s32 $0x600;
	[tilespmem:v4+s23+$0x0] =	vst.idx.msk $0xffff, v3;
	v2 =	vor.u32 s13, v0;
	v1 =	vld [tilespmem:s12+$0x30]  }
0xa8: {  	v4 =	vor.u32 s14, v0;
	v3 =	vld [tilespmem:s12+$0xFFFFFFB0]  }
0xa9: {  	[tilespmem:v6+s23+$0x0] =	vst.idx.msk $0xffff, v5;
	s3 =	simm.s32 $0x203  }
0xaa: {  	v5 =	vld [tilespmem:s31+$0x10];
	v6 =	vor.u32 s3, v0  }
0xab: {  	s8 =	simm.s32 $0x202;
	[tilespmem:v8+s23+$0x0] =	vst.idx.msk $0xffff, v7  }
0xac: {  	v8 =	vor.u32 s8, v0;
	v7 =	vld [tilespmem:s31+$0xFFFFFF90];
	s13 =	simm.s32 $0x801;
	[tilespmem:v2+s23+$0x0] =	vst.idx.msk $0xffff, v1  }
0xad: {  	s14 =	simm.s32 $0x800;
	[tilespmem:v4+s23+$0x0] =	vst.idx.msk $0xffff, v3;
	v2 =	vor.u32 s13, v0;
	v1 =	vld [tilespmem:s12+$0x40]  }
0xae: {  	v4 =	vor.u32 s14, v0;
	v3 =	vld [tilespmem:s12+$0xFFFFFFC0]  }
0xaf: {  	s2 =	simm.s32 $0x403;
	[tilespmem:v6+s23+$0x0] =	vst.idx.msk $0xffff, v5  }
0xb0: {  	v6 =	vor.u32 s2, v0;
	v5 =	vld [tilespmem:s31+$0x20]  }
0xb1: {  	[tilespmem:v8+s23+$0x0] =	vst.idx.msk $0xffff, v7;
	s3 =	simm.s32 $0x402  }
0xb2: {  	s8 =	simm.s32 $0xA01;
	v7 =	vld [tilespmem:s31+$0xFFFFFFA0];
	v8 =	vor.u32 s3, v0;
	[tilespmem:v2+s23+$0x0] =	vst.idx.msk $0xffff, v1  }
0xb3: {  	s3 =	simm.s32 $0xA00;
	[tilespmem:v4+s23+$0x0] =	vst.idx.msk $0xffff, v3;
	v2 =	vor.u32 s8, v0;
	v1 =	vld [tilespmem:s12+$0x50]  }
0xb4: {  	s2 =	simm.s32 $0x1280;
	s13 =	simm.s32 $0x5;
	v4 =	vor.u32 s3, v0;
	v3 =	vld [tilespmem:s12+$0xFFFFFFD0]  }
0xb5: {  	v9 =	vld [tilespmem:s2+$0x0];
	[tilespmem:v6+s23+$0x0] =	vst.idx.msk $0xffff, v5;
	s14 =	simm.s32 $0x603;
	v10 =	vor.u32 s13, v0  }
0xb6: {  	v5 =	vld [tilespmem:s31+$0x30];
	v6 =	vor.u32 s14, v0;
	s3 =	simm.s32 $0x4  }
0xb7: {  	v11 =	vld [tilespmem:s2+$0xFFFFFF80];
	[tilespmem:v8+s23+$0x0] =	vst.idx.msk $0xffff, v7;
	s8 =	simm.s32 $0x602;
	v12 =	vor.u32 s3, v0  }
0xb8: {  	v7 =	vld [tilespmem:s31+$0xFFFFFFB0];
	s13 =	simm.s32 $0xC01;
	v8 =	vor.u32 s8, v0;
	[tilespmem:v2+s23+$0x0] =	vst.idx.msk $0xffff, v1  }
0xb9: {  	s14 =	simm.s32 $0xC00;
	[tilespmem:v4+s23+$0x0] =	vst.idx.msk $0xffff, v3;
	v2 =	vor.u32 s13, v0;
	v1 =	vld [tilespmem:s12+$0x60]  }
0xba: {  	[tilespmem:v10+s23+$0x0] =	vst.idx.msk $0xffff, v9;
	v4 =	vor.u32 s14, v0;
	v3 =	vld [tilespmem:s12+$0xFFFFFFE0]  }
0xbb: {  	[tilespmem:v6+s23+$0x0] =	vst.idx.msk $0xffff, v5;
	v9 =	vld [tilespmem:s2+$0x10];
	s13 =	simm.s32 $0x205  }
0xbc: {  	v5 =	vld [tilespmem:s31+$0x40];
	[tilespmem:v12+s23+$0x0] =	vst.idx.msk $0xffff, v11;
	s14 =	simm.s32 $0x204;
	v10 =	vor.u32 s13, v0  }
0xbd: {  	[tilespmem:v8+s23+$0x0] =	vst.idx.msk $0xffff, v7;
	v11 =	vld [tilespmem:s2+$0xFFFFFF90];
	v63 =	vor.u32 s14, v0;
	s13 =	simm.s32 $0x803  }
0xbe: {  	s14 =	simm.s32 $0x802;
	v13 =	vld [tilespmem:s31+$0xFFFFFFC0];
	v6 =	vor.u32 s13, v0;
	[tilespmem:v2+s23+$0x0] =	vst.idx.msk $0xffff, v1  }
0xbf: {  	s8 =	simm.s32 $0xE01;
	v14 =	vor.u32 s14, v0;
	[tilespmem:v4+s23+$0x0] =	vst.idx.msk $0xffff, v3;
	v15 =	vld [tilespmem:s12+$0x70]  }
0xc0: {  	v16 =	vor.u32 s8, v0;
	v1 =	vld [tilespmem:s12+$0xFFFFFFF0];
	s12 =	simm.s32 $0xE00  }
0xc1: {  	s13 =	simm.s32 $0x405;
	[tilespmem:v10+s23+$0x0] =	vst.idx.msk $0xffff, v9;
	v3 =	vor.u32 s12, v0  }
0xc2: {  	s14 =	simm.s32 $0x404;
	[tilespmem:v63+s23+$0x0] =	vst.idx.msk $0xffff, v11;
	v9 =	vor.u32 s13, v0;
	v7 =	vld [tilespmem:s2+$0x20]  }
0xc3: {  	v10 =	vor.u32 s14, v0;
	s13 =	simm.s32 $0xA03;
	v8 =	vld [tilespmem:s2+$0xFFFFFFA0];
	[tilespmem:v6+s23+$0x0] =	vst.idx.msk $0xffff, v5  }
0xc4: {  	s0 =	simm.s32 $0x8;
	s14 =	simm.s32 $0xA02;
	[tilespmem:v14+s23+$0x0] =	vst.idx.msk $0xffff, v13;
	v4 =	vor.u32 s13, v0;
	v2 =	vld [tilespmem:s31+$0x50]  }
0xc5: {  	s8 =	simm.s32 $0x7;
	s13 =	simm.s32 $0x1380;
	v6 =	vor.u32 s14, v0;
	s12 =	simm.s32 $0x6;
	v5 =	vld [tilespmem:s31+$0xFFFFFFD0];
	[tilespmem:v16+s23+$0x0] =	vst.idx.msk $0xffff, v15  }
.LBB2_9:
0xc6: {  	p2 =	slt.u32 s0, $0x1E;
	v11 =	vld [tilespmem:s13+$0x0];
	v12 =	vor.u32 s8, v0;
	[tilespmem:v3+s23+$0x0] =	vst.idx.msk $0xffff, v1  }
0xc7: {  	v3 =	vor.u32 s12, v0;
	s8 =	sadd.s32 $0x601, s3;
	v1 =	vld [tilespmem:s13+$0xFFFFFF80];
	[tilespmem:v9+s23+$0x0] =	vst.idx.msk $0xffff, v7  }
0xc8: {  	s14 =	sadd.s32 $0x600, s3;
	[tilespmem:v10+s23+$0x0] =	vst.idx.msk $0xffff, v8;
	v7 =	vld [tilespmem:s2+$0x30];
	v8 =	vor.u32 s8, v0  }
0xc9: {  	v10 =	vor.u32 s14, v0;
	s8 =	sadd.s32 $0xC01, s30;
	v9 =	vld [tilespmem:s2+$0xFFFFFFB0];
	[tilespmem:v4+s23+$0x0] =	vst.idx.msk $0xffff, v2  }
0xca: {  	s14 =	sadd.s32 $0xC00, s30;
	v4 =	vor.u32 s8, v0;
	[tilespmem:v6+s23+$0x0] =	vst.idx.msk $0xffff, v5;
	v2 =	vld [tilespmem:s31+$0x60]  }
0xcb: {  	s8 =	sadd.s32 $0x201, s12;
	v6 =	vor.u32 s14, v0;
	[tilespmem:v12+s23+$0x0] =	vst.idx.msk $0xffff, v11;
	v5 =	vld [tilespmem:s31+$0xFFFFFFE0]  }
0xcc: {  	s14 =	sadd.s32 $0x200, s12;
	[tilespmem:v3+s23+$0x0] =	vst.idx.msk $0xffff, v1;
	v1 =	vld [tilespmem:s13+$0x10];
	v3 =	vor.u32 s8, v0  }
0xcd: {  	v12 =	vor.u32 s14, v0;
	s8 =	sadd.s32 $0x801, s3;
	v11 =	vld [tilespmem:s13+$0xFFFFFF90];
	[tilespmem:v8+s23+$0x0] =	vst.idx.msk $0xffff, v7  }
0xce: {  	s14 =	sadd.s32 $0x800, s3;
	v14 =	vor.u32 s8, v0;
	[tilespmem:v10+s23+$0x0] =	vst.idx.msk $0xffff, v9;
	v13 =	vld [tilespmem:s2+$0x40]  }
0xcf: {  	v16 =	vor.u32 s14, v0;
	s8 =	sadd.s32 $0xE01, s30;
	v15 =	vld [tilespmem:s2+$0xFFFFFFC0];
	[tilespmem:v4+s23+$0x0] =	vst.idx.msk $0xffff, v2  }
0xd0: {  	s14 =	sadd.s32 $0xE00, s30;
	s30 =	smov.u32 s3;
	s3 =	smov.u32 s12;
	v18 =	vor.u32 s8, v0;
	[tilespmem:v6+s23+$0x0] =	vst.idx.msk $0xffff, v5;
	v17 =	vld [tilespmem:s31+$0x70]  }
.Ltmp6:
0xd1: {  	s12 =	smov.u32 s0;
	s8 =	sadd.s32 $0x401, s3;
	[tilespmem:v3+s23+$0x0] =	vst.idx.msk $0xffff, v1;
	v1 =	vld [tilespmem:s31+$0xFFFFFFF0];
	v3 =	vor.u32 s14, v0;
	(pc) =	sbr.rel @p2 .LBB2_9-.Ltmp6, $4  }
0xd2: {  	v9 =	vor.u32 s8, v0;
	s14 =	sadd.s32 $0x400, s3;
	s31 =	smov.u32 s2;
	s2 =	smov.u32 s13;
	[tilespmem:v12+s23+$0x0] =	vst.idx.msk $0xffff, v11;
	v7 =	vld [tilespmem:s13+$0x20]  }
0xd3: {  	s8 =	sadd.s32 $0xA01, s30;
	v10 =	vor.u32 s14, v0;
	v8 =	vld [tilespmem:s13+$0xFFFFFFA0];
	[tilespmem:v14+s23+$0x0] =	vst.idx.msk $0xffff, v13  }
0xd4: {  	v4 =	vor.u32 s8, v0;
	s14 =	sadd.s32 $0xA00, s30;
	[tilespmem:v16+s23+$0x0] =	vst.idx.msk $0xffff, v15;
	v2 =	vld [tilespmem:s31+$0x50]  }
0xd5: {  	s0 =	sadd.s32 $0x2, s0;
	s8 =	sadd.s32 $0x1, s12;
	s13 =	sadd.s32 $0x100, s13;
	v6 =	vor.u32 s14, v0;
	v5 =	vld [tilespmem:s31+$0xFFFFFFD0];
	[tilespmem:v18+s23+$0x0] =	vst.idx.msk $0xffff, v17  }
0xd6: {  	v11 =	vld [tilespmem:s13+$0x0];
	v12 =	vor.u32 s8, v0  }
0xd7: {  	v13 =	vld [tilespmem:s13+$0xFFFFFF80];
	v14 =	vor.u32 s12, v0;
	_ =	sdelay $0x3  }
0xd8: {  	s0 =	sadd.s32 $0x201, s12;
	[tilespmem:v12+s23+$0x0] =	vst.idx.msk $0xffff, v11  }
0xd9: {  	s14 =	sadd.s32 $0x200, s12;
	v32 =	vor.u32 s0, v0;
	[tilespmem:v14+s23+$0x0] =	vst.idx.msk $0xffff, v13;
	v11 =	vld [tilespmem:s13+$0x10]  }
0xda: {  	v33 =	vor.u32 s14, v0;
	v13 =	vld [tilespmem:s13+$0xFFFFFF90];
	_ =	sdelay $0x3  }
0xdb: {  	s8 =	sadd.s32 $0x401, s12;
	[tilespmem:v32+s23+$0x0] =	vst.idx.msk $0xffff, v11  }
0xdc: {  	s14 =	sadd.s32 $0x400, s12;
	v34 =	vor.u32 s8, v0;
	[tilespmem:v33+s23+$0x0] =	vst.idx.msk $0xffff, v13;
	v11 =	vld [tilespmem:s13+$0x20]  }
0xdd: {  	v35 =	vor.u32 s14, v0;
	v13 =	vld [tilespmem:s13+$0xFFFFFFA0]  }
0xde: {  	[tilespmem:v10+s23+$0x0] =	vst.idx.msk $0xffff, v8;
	s14 =	sadd.s32 $0x600, s3  }
0xdf: {  	v37 =	vld [tilespmem:s2+$0xFFFFFFB0];
	v38 =	vor.u32 s14, v0  }
0xe0: {  	[tilespmem:v9+s23+$0x0] =	vst.idx.msk $0xffff, v7;
	s8 =	sadd.s32 $0x601, s3  }
0xe1: {  	v7 =	vld [tilespmem:s2+$0x30];
	v36 =	vor.u32 s8, v0;
	s8 =	sadd.s32 $0x601, s12;
	[tilespmem:v34+s23+$0x0] =	vst.idx.msk $0xffff, v11  }
0xe2: {  	s14 =	sadd.s32 $0x600, s12;
	v39 =	vor.u32 s8, v0;
	[tilespmem:v35+s23+$0x0] =	vst.idx.msk $0xffff, v13;
	v11 =	vld [tilespmem:s13+$0x30]  }
0xe3: {  	v40 =	vor.u32 s14, v0;
	v13 =	vld [tilespmem:s13+$0xFFFFFFB0]  }
0xe4: {  	s14 =	sadd.s32 $0x800, s3;
	[tilespmem:v38+s23+$0x0] =	vst.idx.msk $0xffff, v37  }
0xe5: {  	v42 =	vor.u32 s14, v0;
	v9 =	vld [tilespmem:s2+$0xFFFFFFC0]  }
0xe6: {  	s8 =	sadd.s32 $0x801, s3;
	[tilespmem:v36+s23+$0x0] =	vst.idx.msk $0xffff, v7  }
0xe7: {  	v41 =	vor.u32 s8, v0;
	s8 =	sadd.s32 $0x801, s12;
	v7 =	vld [tilespmem:s2+$0x40];
	[tilespmem:v39+s23+$0x0] =	vst.idx.msk $0xffff, v11  }
0xe8: {  	s14 =	sadd.s32 $0x800, s12;
	v43 =	vor.u32 s8, v0;
	[tilespmem:v40+s23+$0x0] =	vst.idx.msk $0xffff, v13;
	v11 =	vld [tilespmem:s13+$0x40]  }
0xe9: {  	v44 =	vor.u32 s14, v0;
	v13 =	vld [tilespmem:s13+$0xFFFFFFC0]  }
0xea: {  	s14 =	sadd.s32 $0xA00, s3;
	[tilespmem:v42+s23+$0x0] =	vst.idx.msk $0xffff, v9  }
0xeb: {  	[tilespmem:v3+s23+$0x0] =	vst.idx.msk $0xffff, v1;
	v46 =	vor.u32 s14, v0;
	v45 =	vld [tilespmem:s2+$0xFFFFFFD0]  }
0xec: {  	s8 =	sadd.s32 $0xA01, s3;
	[tilespmem:v41+s23+$0x0] =	vst.idx.msk $0xffff, v7  }
0xed: {  	v3 =	vor.u32 s8, v0;
	s8 =	sadd.s32 $0xA01, s12;
	v1 =	vld [tilespmem:s2+$0x50];
	[tilespmem:v43+s23+$0x0] =	vst.idx.msk $0xffff, v11  }
0xee: {  	s14 =	sadd.s32 $0xA00, s12;
	v48 =	vor.u32 s8, v0;
	[tilespmem:v44+s23+$0x0] =	vst.idx.msk $0xffff, v13;
	v47 =	vld [tilespmem:s13+$0x50]  }
0xef: {  	s0 =	sadd.s32 $0xC01, s30;
	[tilespmem:v4+s23+$0x0] =	vst.idx.msk $0xffff, v2;
	v49 =	vor.u32 s14, v0;
	s14 =	sadd.s32 $0xC00, s30;
	v2 =	vld [tilespmem:s13+$0xFFFFFFD0]  }
0xf0: {  	v51 =	vor.u32 s0, v0;
	v50 =	vld [tilespmem:s31+$0x60];
	v53 =	vor.u32 s14, v0;
	s14 =	sadd.s32 $0xC00, s3;
	[tilespmem:v46+s23+$0x0] =	vst.idx.msk $0xffff, v45  }
0xf1: {  	[tilespmem:v6+s23+$0x0] =	vst.idx.msk $0xffff, v5;
	v54 =	vor.u32 s14, v0;
	v7 =	vld [tilespmem:s2+$0xFFFFFFE0]  }
0xf2: {  	v52 =	vld [tilespmem:s31+$0xFFFFFFE0];
	s8 =	sadd.s32 $0xC01, s3;
	[tilespmem:v3+s23+$0x0] =	vst.idx.msk $0xffff, v1  }
0xf3: {  	s14 =	sadd.s32 $0xC01, s12;
	v3 =	vor.u32 s8, v0;
	v1 =	vld [tilespmem:s2+$0x60];
	[tilespmem:v48+s23+$0x0] =	vst.idx.msk $0xffff, v47  }
0xf4: {  	v55 =	vor.u32 s14, v0;
	s8 =	sadd.s32 $0xC00, s12;
	[tilespmem:v49+s23+$0x0] =	vst.idx.msk $0xffff, v2;
	v2 =	vld [tilespmem:s13+$0x60]  }
0xf5: {  	[tilespmem:v51+s23+$0x0] =	vst.idx.msk $0xffff, v50;
	s14 =	sadd.s32 $0xE01, s30;
	v57 =	vor.u32 s8, v0;
	v56 =	vld [tilespmem:s13+$0xFFFFFFE0]  }
0xf6: {  	v58 =	vld [tilespmem:s31+$0x70];
	v59 =	vor.u32 s14, v0;
	s8 =	sadd.s32 $0xE00, s3;
	[tilespmem:v54+s23+$0x0] =	vst.idx.msk $0xffff, v7  }
0xf7: {  	s30 =	sadd.s32 $0xE00, s30;
	[tilespmem:v53+s23+$0x0] =	vst.idx.msk $0xffff, v52;
	v61 =	vor.u32 s8, v0;
	v7 =	vld [tilespmem:s2+$0xFFFFFFF0]  }
0xf8: {  	v60 =	vor.u32 s30, v0;
	[tilespmem:v3+s23+$0x0] =	vst.idx.msk $0xffff, v1;
	v11 =	vld [tilespmem:s31+$0xFFFFFFF0];
	s31 =	sadd.s32 $0xE01, s3  }
0xf9: {  	s14 =	sadd.s32 $0xE01, s12;
	v1 =	vld [tilespmem:s2+$0x70];
	v3 =	vor.u32 s31, v0;
	[tilespmem:v55+s23+$0x0] =	vst.idx.msk $0xffff, v2  }
0xfa: {  	s30 =	sadd.s32 $0xE00, s12;
	v62 =	vor.u32 s14, v0;
	[tilespmem:v57+s23+$0x0] =	vst.idx.msk $0xffff, v56;
	v2 =	vld [tilespmem:s13+$0x70]  }
0xfb: {  	v63 =	vor.u32 s30, v0;
	[tilespmem:v59+s23+$0x0] =	vst.idx.msk $0xffff, v58;
	v5 =	vld [tilespmem:s13+$0xFFFFFFF0]  }
0xfc: {  	p2 =	seq.s32 s28, $0x79;
	[tilespmem:v61+s23+$0x0] =	vst.idx.msk $0xffff, v7  }
.Ltmp7:
0xfd: {  	s31 =	sadd.s32 s29, s10;
	[tilespmem:v60+s23+$0x0] =	vst.idx.msk $0xffff, v11;
	(pc) =	sbr.rel @p2 .LBB2_12-.Ltmp7, $4  }
0xfe: {  	s0 =	sshll.u32 s31, $0x9;
	[tilespmem:v3+s23+$0x0] =	vst.idx.msk $0xffff, v1  }
0xff: {  	s0 =	sand.u32 $0x1FFFFE00, s0;
	[tilespmem:v62+s23+$0x0] =	vst.idx.msk $0xffff, v2  }
0x100: {  	s0 =	sadd.s32 s6, s0;
	[tilespmem:v63+s23+$0x0] =	vst.idx.msk $0xffff, v5  }
0x101: {  	[hbm4b:s0+s4] =	stream.linear.scatter [tilespmem:s23], [sflag:$0x4], $0x1000, $0x38;
	[tilespmem:$0x4000] =	vst v63  }
.Ltmp8:
0x102: {  	s0 =	sadd.s32 s29, s11;
	(pc) =	sbr.rel .LBB2_2-.Ltmp8, $4  }
0x103: {  	s0 =	sshll.u32 s0, $0x7  }
0x104: {  	s0 =	sand.u32 $0x1FFFFF80, s0  }
0x105: {  	s28 =	sadd.s32 $0x1, s28;
	s0 =	sadd.s32 s1, s0  }
0x106: {  	[tilespmem:s18], [sflag:$0x2] =	stream.strided.gather [hbm4b:s0+s16], $0x1000, s17, s16, $0x38;
	[tilespmem:$0x4000] =	vst v63  }
.LBB2_12:
0x107: {  	_ =	swait.ge [sflag:s24], $0x1000  }
.Ltmp9:
0x108: {  	[sflag:s24] =	ssyncset.done $0x0;
	(pc) =	sbr.rel @p0 .LBB2_16-.Ltmp9, $4  }
0x109: {  	[sflag:s24] =	ssyncadd.s32 $0xFFFFF000  }
0x10a: {  	_ =	swait.ge [sflag:s22], $0x1000  }
0x10b: {  	[sflag:s22] =	ssyncset.done $0x0  }
0x10c: {  	[sflag:s22] =	ssyncadd.s32 $0xFFFFF000  }
0x10d: {  	s0 =	simm.s32 $0x0;
	s2 =	rddreg [dreg:$0x5]  }
0x10e: {  	[tilespmem:s0], [sflag:$0x5] =	stream.strided.gather [hbm4b:s2+s16], $0x1000, s17, s16, $0x38;
	[tilespmem:$0x4000] =	vst v63  }
0x10f: {  	_ =	swait.ge [sflag:s25], $0x1000  }
0x110: {  	[sflag:s25] =	ssyncset.done $0x0  }
0x111: {  	s12 =	simm.s32 $0x80;
	s8 =	simm.s32 $0x1;
	[sflag:s25] =	ssyncadd.s32 $0xFFFFF000  }
0x112: {  	v2 =	vor.u32 s8, v0;
	v1 =	vld [tilespmem:s12+$0x0]  }
0x113: {  	v4 =	vor.u32 s0, v0;
	v3 =	vld [tilespmem:s12+$0xFFFFFF80];
	_ =	sdelay $0x3  }
0x114: {  	s13 =	simm.s32 $0x201;
	[tilespmem:v2+s20+$0x0] =	vst.idx.msk $0xffff, v1  }
0x115: {  	s14 =	simm.s32 $0x200;
	[tilespmem:v4+s20+$0x0] =	vst.idx.msk $0xffff, v3;
	v2 =	vor.u32 s13, v0;
	v1 =	vld [tilespmem:s12+$0x10]  }
0x116: {  	v4 =	vor.u32 s14, v0;
	v3 =	vld [tilespmem:s12+$0xFFFFFF90];
	_ =	sdelay $0x3  }
0x117: {  	s30 =	simm.s32 $0x401;
	[tilespmem:v2+s20+$0x0] =	vst.idx.msk $0xffff, v1  }
0x118: {  	s31 =	simm.s32 $0x400;
	[tilespmem:v4+s20+$0x0] =	vst.idx.msk $0xffff, v3;
	v2 =	vor.u32 s30, v0;
	v1 =	vld [tilespmem:s12+$0x20]  }
0x119: {  	v4 =	vor.u32 s31, v0;
	v3 =	vld [tilespmem:s12+$0xFFFFFFA0];
	_ =	sdelay $0x1  }
0x11a: {  	s29 =	simm.s32 $0x180;
	s2 =	simm.s32 $0x3  }
0x11b: {  	s28 =	simm.s32 $0x2;
	v6 =	vor.u32 s2, v0;
	v5 =	vld [tilespmem:s29+$0x0]  }
0x11c: {  	s3 =	simm.s32 $0x601;
	v8 =	vor.u32 s28, v0;
	v7 =	vld [tilespmem:s29+$0xFFFFFF80];
	[tilespmem:v2+s20+$0x0] =	vst.idx.msk $0xffff, v1  }
0x11d: {  	s8 =	simm.s32 $0x600;
	[tilespmem:v4+s20+$0x0] =	vst.idx.msk $0xffff, v3;
	v2 =	vor.u32 s3, v0;
	v1 =	vld [tilespmem:s12+$0x30]  }
0x11e: {  	v4 =	vor.u32 s8, v0;
	v3 =	vld [tilespmem:s12+$0xFFFFFFB0];
	_ =	sdelay $0x1  }
0x11f: {  	[tilespmem:v6+s20+$0x0] =	vst.idx.msk $0xffff, v5;
	s13 =	simm.s32 $0x203  }
0x120: {  	[tilespmem:v8+s20+$0x0] =	vst.idx.msk $0xffff, v7;
	s14 =	simm.s32 $0x202;
	v5 =	vld [tilespmem:s29+$0x10];
	v6 =	vor.u32 s13, v0  }
0x121: {  	v7 =	vld [tilespmem:s29+$0xFFFFFF90];
	v8 =	vor.u32 s14, v0;
	s30 =	simm.s32 $0x801;
	[tilespmem:v2+s20+$0x0] =	vst.idx.msk $0xffff, v1  }
0x122: {  	s31 =	simm.s32 $0x800;
	[tilespmem:v4+s20+$0x0] =	vst.idx.msk $0xffff, v3;
	v2 =	vor.u32 s30, v0;
	v1 =	vld [tilespmem:s12+$0x40]  }
0x123: {  	v4 =	vor.u32 s31, v0;
	v3 =	vld [tilespmem:s12+$0xFFFFFFC0];
	_ =	sdelay $0x1  }
0x124: {  	s2 =	simm.s32 $0x403;
	[tilespmem:v6+s20+$0x0] =	vst.idx.msk $0xffff, v5  }
0x125: {  	[tilespmem:v8+s20+$0x0] =	vst.idx.msk $0xffff, v7;
	v6 =	vor.u32 s2, v0;
	v5 =	vld [tilespmem:s29+$0x20];
	s3 =	simm.s32 $0x402  }
0x126: {  	v7 =	vld [tilespmem:s29+$0xFFFFFFA0];
	s8 =	simm.s32 $0xA01;
	v8 =	vor.u32 s3, v0;
	[tilespmem:v2+s20+$0x0] =	vst.idx.msk $0xffff, v1  }
0x127: {  	s3 =	simm.s32 $0xA00;
	[tilespmem:v4+s20+$0x0] =	vst.idx.msk $0xffff, v3;
	v2 =	vor.u32 s8, v0;
	v1 =	vld [tilespmem:s12+$0x50]  }
0x128: {  	s13 =	simm.s32 $0x5;
	s2 =	simm.s32 $0x280;
	v4 =	vor.u32 s3, v0;
	v3 =	vld [tilespmem:s12+$0xFFFFFFD0]  }
0x129: {  	v10 =	vor.u32 s13, v0;
	v9 =	vld [tilespmem:s2+$0x0];
	s3 =	simm.s32 $0x4  }
0x12a: {  	s14 =	simm.s32 $0x603;
	v11 =	vld [tilespmem:s2+$0xFFFFFF80];
	[tilespmem:v6+s20+$0x0] =	vst.idx.msk $0xffff, v5;
	v12 =	vor.u32 s3, v0  }
0x12b: {  	v6 =	vor.u32 s14, v0;
	v5 =	vld [tilespmem:s29+$0x30];
	[tilespmem:v8+s20+$0x0] =	vst.idx.msk $0xffff, v7;
	s8 =	simm.s32 $0x602  }
0x12c: {  	s30 =	simm.s32 $0xC01;
	v7 =	vld [tilespmem:s29+$0xFFFFFFB0];
	v8 =	vor.u32 s8, v0;
	[tilespmem:v2+s20+$0x0] =	vst.idx.msk $0xffff, v1  }
0x12d: {  	s31 =	simm.s32 $0xC00;
	[tilespmem:v4+s20+$0x0] =	vst.idx.msk $0xffff, v3;
	v2 =	vor.u32 s30, v0;
	v1 =	vld [tilespmem:s12+$0x60]  }
0x12e: {  	s13 =	simm.s32 $0x205;
	[tilespmem:v10+s20+$0x0] =	vst.idx.msk $0xffff, v9;
	v4 =	vor.u32 s31, v0;
	v3 =	vld [tilespmem:s12+$0xFFFFFFE0]  }
0x12f: {  	s14 =	simm.s32 $0x204;
	v10 =	vor.u32 s13, v0;
	v9 =	vld [tilespmem:s2+$0x10];
	[tilespmem:v12+s20+$0x0] =	vst.idx.msk $0xffff, v11  }
0x130: {  	v63 =	vor.u32 s14, v0;
	[tilespmem:v6+s20+$0x0] =	vst.idx.msk $0xffff, v5;
	s30 =	simm.s32 $0x803;
	v11 =	vld [tilespmem:s2+$0xFFFFFF90]  }
0x131: {  	v5 =	vld [tilespmem:s29+$0x40];
	[tilespmem:v8+s20+$0x0] =	vst.idx.msk $0xffff, v7;
	s31 =	simm.s32 $0x802;
	v6 =	vor.u32 s30, v0  }
0x132: {  	s8 =	simm.s32 $0xE01;
	v13 =	vld [tilespmem:s29+$0xFFFFFFC0];
	v14 =	vor.u32 s31, v0;
	[tilespmem:v2+s20+$0x0] =	vst.idx.msk $0xffff, v1  }
0x133: {  	s13 =	simm.s32 $0xE00;
	v16 =	vor.u32 s8, v0;
	[tilespmem:v4+s20+$0x0] =	vst.idx.msk $0xffff, v3;
	v15 =	vld [tilespmem:s12+$0x70]  }
0x134: {  	s14 =	simm.s32 $0x405;
	[tilespmem:v10+s20+$0x0] =	vst.idx.msk $0xffff, v9;
	v3 =	vor.u32 s13, v0;
	v1 =	vld [tilespmem:s12+$0xFFFFFFF0]  }
0x135: {  	v9 =	vor.u32 s14, v0;
	v7 =	vld [tilespmem:s2+$0x20];
	s30 =	simm.s32 $0x404;
	[tilespmem:v63+s20+$0x0] =	vst.idx.msk $0xffff, v11  }
0x136: {  	s31 =	simm.s32 $0xA03;
	v10 =	vor.u32 s30, v0;
	[tilespmem:v6+s20+$0x0] =	vst.idx.msk $0xffff, v5;
	v8 =	vld [tilespmem:s2+$0xFFFFFFA0]  }
0x137: {  	s0 =	simm.s32 $0x8;
	s14 =	simm.s32 $0xA02;
	[tilespmem:v14+s20+$0x0] =	vst.idx.msk $0xffff, v13;
	v4 =	vor.u32 s31, v0;
	v2 =	vld [tilespmem:s29+$0x50]  }
0x138: {  	s8 =	simm.s32 $0x7;
	s13 =	simm.s32 $0x380;
	v6 =	vor.u32 s14, v0;
	s12 =	simm.s32 $0x6;
	v5 =	vld [tilespmem:s29+$0xFFFFFFD0];
	[tilespmem:v16+s20+$0x0] =	vst.idx.msk $0xffff, v15  }
.LBB2_14:
0x139: {  	p2 =	slt.u32 s0, $0x1E;
	v11 =	vld [tilespmem:s13+$0x0];
	v12 =	vor.u32 s8, v0;
	[tilespmem:v3+s20+$0x0] =	vst.idx.msk $0xffff, v1  }
0x13a: {  	v3 =	vor.u32 s12, v0;
	s8 =	sadd.s32 $0x601, s3;
	v1 =	vld [tilespmem:s13+$0xFFFFFF80];
	[tilespmem:v9+s20+$0x0] =	vst.idx.msk $0xffff, v7  }
0x13b: {  	s14 =	sadd.s32 $0x600, s3;
	[tilespmem:v10+s20+$0x0] =	vst.idx.msk $0xffff, v8;
	v7 =	vld [tilespmem:s2+$0x30];
	v8 =	vor.u32 s8, v0  }
0x13c: {  	v10 =	vor.u32 s14, v0;
	s8 =	sadd.s32 $0xC01, s28;
	v9 =	vld [tilespmem:s2+$0xFFFFFFB0];
	[tilespmem:v4+s20+$0x0] =	vst.idx.msk $0xffff, v2  }
0x13d: {  	s14 =	sadd.s32 $0xC00, s28;
	v4 =	vor.u32 s8, v0;
	[tilespmem:v6+s20+$0x0] =	vst.idx.msk $0xffff, v5;
	v2 =	vld [tilespmem:s29+$0x60]  }
0x13e: {  	s8 =	sadd.s32 $0x201, s12;
	v6 =	vor.u32 s14, v0;
	[tilespmem:v12+s20+$0x0] =	vst.idx.msk $0xffff, v11;
	v5 =	vld [tilespmem:s29+$0xFFFFFFE0]  }
0x13f: {  	s14 =	sadd.s32 $0x200, s12;
	[tilespmem:v3+s20+$0x0] =	vst.idx.msk $0xffff, v1;
	v1 =	vld [tilespmem:s13+$0x10];
	v3 =	vor.u32 s8, v0  }
0x140: {  	v12 =	vor.u32 s14, v0;
	s8 =	sadd.s32 $0x801, s3;
	v11 =	vld [tilespmem:s13+$0xFFFFFF90];
	[tilespmem:v8+s20+$0x0] =	vst.idx.msk $0xffff, v7  }
0x141: {  	s14 =	sadd.s32 $0x800, s3;
	v14 =	vor.u32 s8, v0;
	[tilespmem:v10+s20+$0x0] =	vst.idx.msk $0xffff, v9;
	v13 =	vld [tilespmem:s2+$0x40]  }
0x142: {  	v16 =	vor.u32 s14, v0;
	s8 =	sadd.s32 $0xE01, s28;
	v15 =	vld [tilespmem:s2+$0xFFFFFFC0];
	[tilespmem:v4+s20+$0x0] =	vst.idx.msk $0xffff, v2  }
0x143: {  	s14 =	sadd.s32 $0xE00, s28;
	s28 =	smov.u32 s3;
	s3 =	smov.u32 s12;
	v18 =	vor.u32 s8, v0;
	[tilespmem:v6+s20+$0x0] =	vst.idx.msk $0xffff, v5;
	v17 =	vld [tilespmem:s29+$0x70]  }
.Ltmp10:
0x144: {  	s12 =	smov.u32 s0;
	s8 =	sadd.s32 $0x401, s3;
	[tilespmem:v3+s20+$0x0] =	vst.idx.msk $0xffff, v1;
	v1 =	vld [tilespmem:s29+$0xFFFFFFF0];
	v3 =	vor.u32 s14, v0;
	(pc) =	sbr.rel @p2 .LBB2_14-.Ltmp10, $4  }
0x145: {  	v9 =	vor.u32 s8, v0;
	s14 =	sadd.s32 $0x400, s3;
	s29 =	smov.u32 s2;
	s2 =	smov.u32 s13;
	[tilespmem:v12+s20+$0x0] =	vst.idx.msk $0xffff, v11;
	v7 =	vld [tilespmem:s13+$0x20]  }
0x146: {  	s8 =	sadd.s32 $0xA01, s28;
	v10 =	vor.u32 s14, v0;
	v8 =	vld [tilespmem:s13+$0xFFFFFFA0];
	[tilespmem:v14+s20+$0x0] =	vst.idx.msk $0xffff, v13  }
0x147: {  	v4 =	vor.u32 s8, v0;
	s14 =	sadd.s32 $0xA00, s28;
	[tilespmem:v16+s20+$0x0] =	vst.idx.msk $0xffff, v15;
	v2 =	vld [tilespmem:s29+$0x50]  }
0x148: {  	s0 =	sadd.s32 $0x2, s0;
	s8 =	sadd.s32 $0x1, s12;
	s13 =	sadd.s32 $0x100, s13;
	v6 =	vor.u32 s14, v0;
	v5 =	vld [tilespmem:s29+$0xFFFFFFD0];
	[tilespmem:v18+s20+$0x0] =	vst.idx.msk $0xffff, v17  }
0x149: {  	v11 =	vld [tilespmem:s13+$0x0];
	v12 =	vor.u32 s8, v0  }
0x14a: {  	v13 =	vld [tilespmem:s13+$0xFFFFFF80];
	v14 =	vor.u32 s12, v0;
	_ =	sdelay $0x3  }
0x14b: {  	s0 =	sadd.s32 $0x201, s12;
	[tilespmem:v12+s20+$0x0] =	vst.idx.msk $0xffff, v11  }
0x14c: {  	s31 =	sadd.s32 $0x200, s12;
	v32 =	vor.u32 s0, v0;
	[tilespmem:v14+s20+$0x0] =	vst.idx.msk $0xffff, v13;
	v11 =	vld [tilespmem:s13+$0x10]  }
0x14d: {  	v33 =	vor.u32 s31, v0;
	v13 =	vld [tilespmem:s13+$0xFFFFFF90];
	_ =	sdelay $0x3  }
0x14e: {  	s8 =	sadd.s32 $0x401, s12;
	[tilespmem:v32+s20+$0x0] =	vst.idx.msk $0xffff, v11  }
0x14f: {  	s14 =	sadd.s32 $0x400, s12;
	v34 =	vor.u32 s8, v0;
	[tilespmem:v33+s20+$0x0] =	vst.idx.msk $0xffff, v13;
	v11 =	vld [tilespmem:s13+$0x20]  }
0x150: {  	v35 =	vor.u32 s14, v0;
	v13 =	vld [tilespmem:s13+$0xFFFFFFA0]  }
0x151: {  	s30 =	sadd.s32 $0x601, s3;
	[tilespmem:v9+s20+$0x0] =	vst.idx.msk $0xffff, v7  }
0x152: {  	s31 =	sadd.s32 $0x600, s3;
	v36 =	vor.u32 s30, v0;
	[tilespmem:v10+s20+$0x0] =	vst.idx.msk $0xffff, v8;
	v7 =	vld [tilespmem:s2+$0x30]  }
0x153: {  	v38 =	vor.u32 s31, v0;
	v37 =	vld [tilespmem:s2+$0xFFFFFFB0]  }
0x154: {  	s8 =	sadd.s32 $0x601, s12;
	[tilespmem:v34+s20+$0x0] =	vst.idx.msk $0xffff, v11  }
0x155: {  	s14 =	sadd.s32 $0x600, s12;
	v39 =	vor.u32 s8, v0;
	[tilespmem:v35+s20+$0x0] =	vst.idx.msk $0xffff, v13;
	v11 =	vld [tilespmem:s13+$0x30]  }
0x156: {  	v40 =	vor.u32 s14, v0;
	v13 =	vld [tilespmem:s13+$0xFFFFFFB0]  }
0x157: {  	s30 =	sadd.s32 $0x801, s3;
	[tilespmem:v36+s20+$0x0] =	vst.idx.msk $0xffff, v7  }
0x158: {  	s31 =	sadd.s32 $0x800, s3;
	v41 =	vor.u32 s30, v0;
	[tilespmem:v38+s20+$0x0] =	vst.idx.msk $0xffff, v37;
	v7 =	vld [tilespmem:s2+$0x40]  }
0x159: {  	v42 =	vor.u32 s31, v0;
	v9 =	vld [tilespmem:s2+$0xFFFFFFC0]  }
0x15a: {  	s8 =	sadd.s32 $0x801, s12;
	[tilespmem:v39+s20+$0x0] =	vst.idx.msk $0xffff, v11  }
0x15b: {  	s14 =	sadd.s32 $0x800, s12;
	v43 =	vor.u32 s8, v0;
	[tilespmem:v40+s20+$0x0] =	vst.idx.msk $0xffff, v13;
	v11 =	vld [tilespmem:s13+$0x40]  }
0x15c: {  	[tilespmem:v3+s20+$0x0] =	vst.idx.msk $0xffff, v1;
	v44 =	vor.u32 s14, v0;
	v13 =	vld [tilespmem:s13+$0xFFFFFFC0]  }
0x15d: {  	s30 =	sadd.s32 $0xA01, s3;
	[tilespmem:v41+s20+$0x0] =	vst.idx.msk $0xffff, v7  }
0x15e: {  	s31 =	sadd.s32 $0xA00, s3;
	v3 =	vor.u32 s30, v0;
	[tilespmem:v42+s20+$0x0] =	vst.idx.msk $0xffff, v9;
	v1 =	vld [tilespmem:s2+$0x50]  }
0x15f: {  	v46 =	vor.u32 s31, v0;
	v45 =	vld [tilespmem:s2+$0xFFFFFFD0]  }
0x160: {  	s14 =	sadd.s32 $0xA01, s12;
	[tilespmem:v43+s20+$0x0] =	vst.idx.msk $0xffff, v11  }
0x161: {  	s30 =	sadd.s32 $0xA00, s12;
	v48 =	vor.u32 s14, v0;
	[tilespmem:v44+s20+$0x0] =	vst.idx.msk $0xffff, v13;
	v47 =	vld [tilespmem:s13+$0x50]  }
0x162: {  	[tilespmem:v4+s20+$0x0] =	vst.idx.msk $0xffff, v2;
	s31 =	sadd.s32 $0xC01, s28;
	v49 =	vor.u32 s30, v0;
	v2 =	vld [tilespmem:s13+$0xFFFFFFD0]  }
0x163: {  	v50 =	vld [tilespmem:s29+$0x60];
	s30 =	sadd.s32 $0xC01, s3;
	v51 =	vor.u32 s31, v0;
	[tilespmem:v3+s20+$0x0] =	vst.idx.msk $0xffff, v1  }
0x164: {  	s31 =	sadd.s32 $0xC00, s3;
	v3 =	vor.u32 s30, v0;
	[tilespmem:v46+s20+$0x0] =	vst.idx.msk $0xffff, v45;
	v1 =	vld [tilespmem:s2+$0x60]  }
0x165: {  	[tilespmem:v6+s20+$0x0] =	vst.idx.msk $0xffff, v5;
	s14 =	sadd.s32 $0xC00, s28;
	v54 =	vor.u32 s31, v0;
	v7 =	vld [tilespmem:s2+$0xFFFFFFE0]  }
0x166: {  	s8 =	sadd.s32 $0xC01, s12;
	v52 =	vld [tilespmem:s29+$0xFFFFFFE0];
	v53 =	vor.u32 s14, v0;
	[tilespmem:v48+s20+$0x0] =	vst.idx.msk $0xffff, v47  }
0x167: {  	v55 =	vor.u32 s8, v0;
	s14 =	sadd.s32 $0xC00, s12;
	[tilespmem:v49+s20+$0x0] =	vst.idx.msk $0xffff, v2;
	v2 =	vld [tilespmem:s13+$0x60]  }
0x168: {  	v57 =	vor.u32 s14, v0;
	[tilespmem:v51+s20+$0x0] =	vst.idx.msk $0xffff, v50;
	s30 =	sadd.s32 $0xE01, s28;
	v56 =	vld [tilespmem:s13+$0xFFFFFFE0]  }
0x169: {  	s14 =	sadd.s32 $0xE01, s3;
	v58 =	vld [tilespmem:s29+$0x70];
	v59 =	vor.u32 s30, v0;
	[tilespmem:v3+s20+$0x0] =	vst.idx.msk $0xffff, v1  }
0x16a: {  	s31 =	sadd.s32 $0xE00, s28;
	s28 =	sadd.s32 $0xE00, s3;
	v3 =	vor.u32 s14, v0;
	[tilespmem:v54+s20+$0x0] =	vst.idx.msk $0xffff, v7;
	v1 =	vld [tilespmem:s2+$0x70]  }
0x16b: {  	[tilespmem:v53+s20+$0x0] =	vst.idx.msk $0xffff, v52;
	v61 =	vor.u32 s28, v0;
	v7 =	vld [tilespmem:s2+$0xFFFFFFF0]  }
0x16c: {  	v60 =	vor.u32 s31, v0;
	v11 =	vld [tilespmem:s29+$0xFFFFFFF0];
	s29 =	sadd.s32 $0xE01, s12;
	[tilespmem:v55+s20+$0x0] =	vst.idx.msk $0xffff, v2  }
0x16d: {  	s30 =	sadd.s32 $0xE00, s12;
	v62 =	vor.u32 s29, v0;
	[tilespmem:v57+s20+$0x0] =	vst.idx.msk $0xffff, v56;
	v2 =	vld [tilespmem:s13+$0x70]  }
0x16e: {  	v63 =	vor.u32 s30, v0;
	[tilespmem:v59+s20+$0x0] =	vst.idx.msk $0xffff, v58;
	v5 =	vld [tilespmem:s13+$0xFFFFFFF0]  }
0x16f: {  	[tilespmem:v3+s20+$0x0] =	vst.idx.msk $0xffff, v1  }
0x170: {  	[tilespmem:v61+s20+$0x0] =	vst.idx.msk $0xffff, v7  }
0x171: {  	[tilespmem:v60+s20+$0x0] =	vst.idx.msk $0xffff, v11  }
0x172: {  	[tilespmem:v62+s20+$0x0] =	vst.idx.msk $0xffff, v2  }
0x173: {  	[tilespmem:v63+s20+$0x0] =	vst.idx.msk $0xffff, v5  }
.Ltmp11:
0x174: {  	s31 =	rddreg [dreg:$0x6];
	(pc) =	sbr.rel .LBB2_16-.Ltmp11, $4  }
0x175: {  	[hbm4b:s31+s4] =	stream.linear.scatter [tilespmem:s20], [sflag:$0x5], $0x1000, $0x38;
	[tilespmem:$0x4000] =	vst v63  }
0x176: {  	_ =	swait.ge [sflag:s25], $0x1000  }
0x177: {  	[sflag:s25] =	ssyncset.done $0x0  }
0x178: {  	[sflag:s25] =	ssyncadd.s32 $0xFFFFF000  }
.LBB2_17:
0x179: {  	_ =	sfence.sel $0x180000  }
0x17a: {  	[bflag:$0x0] =	sbarrier.arrive $0xFFFF  }
0x17b: {  	_ =	strace $0x90000047  }
0x17c: {  	s0 =	stileid.u32;
	[bflag:$0x2] =	sbarrier.arrive $0xFFFF  }
0x17d: {  	p0 =	sne.s32 s0, $0x0;
	s0 =	rddreg [dreg:$0x3]  }
0x17e: {  	s0 =	sadd.s32 @!p0 $0x100000, s0  }
0x17f: {  	[sflag:s0] =	ssyncadd.tile.s32 @!p0 $0x1;
	_ =	shalt  }
.Lfunc_end2:
_tile_overlayer_lowered:
.L_overlay_start_2:
0x180: {  	(tag) =	ssettag $0x2  }
0x181: {  	s0 =	rddreg [dreg:$0x0];
	s2 =	stileid.u32  }
0x182: {  	s1 =	rddreg [dreg:$0x1];
	p0 =	sne.s32 s2, $0x0  }
0x183: {  	s3 =	rddreg [dreg:$0x2];
	[bflag:$0x3] =	sbarrier.arrive $0xFFFF;
	s2 =	simm.s32 @!p0 $0x1C05  }
0x184: {  	[timem:s3], [sflag:s2] =	dma.local @!p0 [hbm:s0], s1  }
0x185: {  	s0 =	simm.s32 @!p0 $0x5  }
0x186: {  	_ =	swait.ge @!p0 [sflag:s0], s1  }
0x187: {  	s1 =	ssub.s32 @!p0 $0x0, s1;
	[sflag:s0] =	ssyncset.done @!p0 $0x0  }
0x188: {  	[sflag:s0] =	ssyncadd.s32 @!p0 s1  }
0x189: {  	[bflag:$0x3] =	sbarrier.arrive $0xFFFF  }
0x18a: {  	_ =	shalt  }

// kernel: kernel.7.cloned.1.call-start
scs
__scs_entry_jumppad:
0x0: {  	(pc) =	sbr.rel $0x88, $3  }
0x1: {  	(tag) =	ssettag $0x0;
	lr =	simm.s32 $0x1  }
0x2: {  	[smem:$0x3F9F] =	sst lr;
	_ =	strace $0xD0000000  }
0x3: {  	_ = 	snop  }
0x4: {  	_ = 	snop  }
0x5: {  	_ = 	snop  }
0x6: {  	_ = 	snop  }
0x7: {  	_ = 	snop  }
__scs_overlays_trampoline_lowered:
0x8: {  	[smem:$0x3FAE] =	sst s0  }
0x9: {  	[smem:$0x3FAF] =	sst s1  }
0xa: {  	[smem:$0x3FB0] =	sst s2  }
0xb: {  	[smem:$0x3FB1] =	sst s3  }
0xc: {  	[smem:$0x3FB2] =	sst s4  }
0xd: {  	[smem:$0x3FB3] =	sst s5  }
0xe: {  	[smem:$0x3FB4] =	sst s6  }
0xf: {  	[smem:$0x3FB5] =	sst s7  }
0x10: {  	[smem:$0x3FB6] =	sst s8  }
0x11: {  	[smem:$0x3FB7] =	sst s9;
	s0 =	simm.s32 @!p0 $0x0  }
0x12: {  	s1 =	sld [smem:$0x3F9D];
	s0 =	simm.s32 @p0 $0x1  }
0x13: {  	[smem:$0x3FB8] =	sst s0;
	s0 =	simm.s32 @!p1 $0x0  }
0x14: {  	s2 =	sld [smem:$0x3F9C];
	s0 =	simm.s32 @p1 $0x1  }
0x15: {  	[smem:$0x3FB9] =	sst s0;
	s0 =	simm.s32 @!p2 $0x0  }
0x16: {  	s3 =	sld [smem:$0x3FDB];
	s0 =	simm.s32 @p2 $0x1  }
0x17: {  	s4 =	simm.s32 $0x1BF5;
	[smem:$0x3FBB] =	sst s0  }
0x18: {  	s0 =	sld [smem:$0x3F9E];
	_ =	swait.ge [sflag:s4], $0x0  }
0x19: {  	s7 =	sld [smem:$0x3F9F]  }
0x1a: {  	s8 =	sadd.s32 $0xFFFFE003, lr  }
0x1b: {  	s9 =	sadd.s32 $0xFFFFFEF7, lr;
	s5 =	simm.s32 $0xFFFFFFFF;
	p2 =	slt.u32 s8, $0xFFFFF086  }
0x1c: {  	p1 =	slt.u32 s9, $0xF7A;
	s5 =	simm.s32 @!p2 $0x0  }
0x1d: {  	s5 =	simm.s32 @p1 $0x1;
	p0 =	seq.s32 s7, s2  }
0x1e: {  	s7 =	smul.u32 @!p0 $0xF7A, s2;
	p2 =	seq.s32 @!p0 s5, $0x0  }
0x1f: {  	s9 =	smul.u32 $0xF7A, s1;
	s8 =	simm.s32 @!p0 $0x1BF5;
	p2 =	por !p2, p0  }
0x20: {  	[sflag:s8] =	ssyncset.s32 @!p0 $0xFFFFF086;
	s6 =	sadd.s32 @!p0 s3, s7;
	s7 =	simm.s32 @!p0 $0x108  }
0x21: {  	s3 =	sadd.s32 s3, s9;
	s6 =	sadd.s32 @!p0 $0x88, s6;
	s7 =	simm.s32 @p2 $0x1082  }
0x22: {  	[simem:s7], [sflag:s8] =	dma.local @!p0 [hbm:s6], $0xF7A  }
0x23: {  	s9 =	sor.u32 $0xD0000000, s2;
	s6 =	simm.s32 $0x108;
	_ =	swait.ge @!p0 [sflag:s8], $0x0  }
0x24: {  	s3 =	sadd.s32 $0x88, s3;
	s6 =	simm.s32 @!p1 $0x1082;
	[sflag:s4] =	ssyncset.s32 $0xFFFFF086  }
0x25: {  	[simem:s6], [sflag:s4] =	dma.local [hbm:s3], $0xF7A  }
0x26: {  	[smem:$0x3F9F] =	sst s1;
	(tag) =	ssettag s2;
	_ =	strace s9  }
0x27: {  	s1 =	sld [smem:$0x3FAF]  }
0x28: {  	s2 =	sld [smem:$0x3FB0]  }
0x29: {  	s4 =	sld [smem:$0x3FB2]  }
0x2a: {  	p0 =	seq.s32 s5, $0x0;
	s5 =	sld [smem:$0x3FB3]  }
0x2b: {  	s6 =	sld [smem:$0x3FB4]  }
0x2c: {  	s7 =	sld [smem:$0x3FB5]  }
0x2d: {  	s3 =	simm.s32 $0x108;
	s8 =	sld [smem:$0x3FB6]  }
0x2e: {  	s3 =	simm.s32 @!p0 $0x1082;
	s9 =	sld [smem:$0x3FB7]  }
0x2f: {  	lr =	sadd.s32 s0, s3;
	s0 =	sld [smem:$0x3FAE]  }
0x30: {  	s3 =	sld [smem:$0x3FB1]  }
0x31: {  	[smem:$0x3FBA] =	sst s10  }
0x32: {  	s10 =	sld [smem:$0x3FB8];
	_ =	sdelay $0x3  }
0x33: {  	p0 =	seq.s32 s10, $0x1;
	s10 =	sld [smem:$0x3FBA];
	_ =	sdelay $0x3  }
0x34: {  	[smem:$0x3FBA] =	sst s10  }
0x35: {  	s10 =	sld [smem:$0x3FB9];
	_ =	sdelay $0x3  }
0x36: {  	p1 =	seq.s32 s10, $0x1;
	s10 =	sld [smem:$0x3FBA];
	_ =	sdelay $0x3  }
0x37: {  	[smem:$0x3FBA] =	sst s10  }
0x38: {  	s10 =	sld [smem:$0x3FBB]  }
0x39: {  	_ = 	snop;
	(pc) =	sbr.ind lr, $3  }
0x3a: {  	_ = 	snop  }
0x3b: {  	_ = 	snop  }
0x3c: {  	p2 =	seq.s32 s10, $0x1;
	s10 =	sld [smem:$0x3FBA]  }
0x3d: {  	_ =	shalt  }
0x3e: {  	_ =	shalt  }
0x3f: {  	_ =	shalt  }
0x40: {  	_ =	shalt  }
0x41: {  	_ =	shalt  }
0x42: {  	_ =	shalt  }
0x43: {  	_ =	shalt  }
0x44: {  	_ =	shalt  }
0x45: {  	_ =	shalt  }
0x46: {  	_ =	shalt  }
0x47: {  	_ =	shalt  }
0x48: {  	_ =	shalt  }
0x49: {  	_ =	shalt  }
0x4a: {  	_ =	shalt  }
0x4b: {  	_ =	shalt  }
0x4c: {  	_ =	shalt  }
0x4d: {  	_ =	shalt  }
0x4e: {  	_ =	shalt  }
0x4f: {  	_ =	shalt  }
0x50: {  	_ =	shalt  }
0x51: {  	_ =	shalt  }
0x52: {  	_ =	shalt  }
0x53: {  	_ =	shalt  }
0x54: {  	_ =	shalt  }
0x55: {  	_ =	shalt  }
0x56: {  	_ =	shalt  }
0x57: {  	_ =	shalt  }
0x58: {  	_ =	shalt  }
0x59: {  	_ =	shalt  }
0x5a: {  	_ =	shalt  }
0x5b: {  	_ =	shalt  }
0x5c: {  	_ =	shalt  }
0x5d: {  	_ =	shalt  }
0x5e: {  	_ =	shalt  }
0x5f: {  	_ =	shalt  }
0x60: {  	_ =	shalt  }
0x61: {  	_ =	shalt  }
0x62: {  	_ =	shalt  }
0x63: {  	_ =	shalt  }
0x64: {  	_ =	shalt  }
0x65: {  	_ =	shalt  }
0x66: {  	_ =	shalt  }
0x67: {  	_ =	shalt  }
0x68: {  	_ =	shalt  }
0x69: {  	_ =	shalt  }
0x6a: {  	_ =	shalt  }
0x6b: {  	_ =	shalt  }
0x6c: {  	_ =	shalt  }
0x6d: {  	_ =	shalt  }
0x6e: {  	_ =	shalt  }
0x6f: {  	_ =	shalt  }
0x70: {  	_ =	shalt  }
0x71: {  	_ =	shalt  }
0x72: {  	_ =	shalt  }
0x73: {  	_ =	shalt  }
0x74: {  	_ =	shalt  }
0x75: {  	_ =	shalt  }
0x76: {  	_ =	shalt  }
0x77: {  	_ =	shalt  }
0x78: {  	_ =	shalt  }
0x79: {  	_ =	shalt  }
0x7a: {  	_ =	shalt  }
0x7b: {  	_ =	shalt  }
0x7c: {  	_ =	shalt  }
0x7d: {  	_ =	shalt  }
0x7e: {  	_ =	shalt  }
0x7f: {  	_ =	shalt  }
0x80: {  	_ =	shalt  }
0x81: {  	_ =	shalt  }
0x82: {  	_ =	shalt  }
0x83: {  	_ =	shalt  }
0x84: {  	_ =	shalt  }
0x85: {  	_ =	shalt  }
0x86: {  	_ =	shalt  }
0x87: {  	_ =	shalt  }
.Lfunc_end0:
.L_simem_size_0:
called_computation.1_lowered:
.L_overlay_start_0:
0x88: {  	s2 =	sld [smem:$0x3FD9]  }
0x89: {  	s3 =	sld [smem:$0x3FFE];
	_ =	sdelay $0x1  }
0x8a: {  	s1 =	srdreg.scid  }
0x8b: {  	s0 =	sand.u32 $0x1, s1  }
0x8c: {  	s17 =	sshll.u32 s0, $0xA;
	s2 =	sadd.s32 s3, s2  }
0x8d: {  	s2 =	sadd.s32 s2, s17  }
0x8e: {  	[smem:$0x3FC6] =	sst s2  }
0x8f: {  	_ = 	snop  }
0x90: {  	s2 =	sld [smem:$0x3FD0];
	(tm) =	ssettm $0x1  }
0x91: {  	s18 =	sld [smem:$0x3FFB];
	_ =	sdelay $0x3  }
0x92: {  	_ =	strace s18  }
0x93: {  	s3 =	sld [smem:$0x3FFC];
	_ =	sdelay $0x3  }
0x94: {  	_ =	strace s3  }
0x95: {  	s3 =	sld [smem:$0x3FFD];
	_ =	sdelay $0x3  }
0x96: {  	_ =	strace s3  }
0x97: {  	_ =	strace $0x8FFFFFFF  }
0x98: {  	s19 =	sld [smem:$0x3FDB];
	_ =	sdelay $0x1  }
0x99: {  	s4 =	simm.s32 $_scs_section_size  }
0x9a: {  	s5 =	simm.s32 $_size__tile_overlayer_lowered;
	s6 =	simm.s32 $_tile_overlayer_lowered  }
0x9b: {  	s22 =	simm.s32 $0x1BFF;
	s21 =	sshll.u32 s6, $0x1;
	s3 =	sadd.s32 s4, s19  }
0x9c: {  	s7 =	simm.s32 $0x0;
	s20 =	sshll.u32 s5, $0x1;
	s5 =	sadd.s32 s21, s3  }
0x9d: {  	[timem:s7], [sflag:s22] =	dma.local [hbm:s5], s20  }
0x9e: {  	_ =	swait.ge [sflag:s22], s20  }
0x9f: {  	s4 =	ssub.s32 $0x0, s20;
	[sflag:s22] =	ssyncset.done $0x0  }
0xa0: {  	[sflag:s22] =	ssyncadd.s32 s4;
	_ =	sdelay $0x1  }
0xa1: {  	s23 =	simm.s32 $0x1B8B  }
0xa2: {  	_ =	swait.ge [sflag:s23], $0x1  }
0xa3: {  	[sflag:s23] =	ssyncset.done $0x0  }
0xa4: {  	s25 =	simm.s32 $0x1B8E;
	s24 =	sld [smem:$0x3FFE];
	[sflag:s23] =	ssyncadd.s32 $0xFFFFFFFF  }
0xa5: {  	s26 =	simm.s32 $execute0_lowered;
	[smem:$0x3FD2] =	sst s25  }
0xa6: {  	s5 =	sshll.u32 s26, $0x1;
	_ =	strace $0x80000049;
	[dreg:$0x1] =	wrdreg $0xFFFFFFFF  }
0xa7: {  	s28 =	simm.s32 $_size_execute0_lowered;
	s3 =	sadd.s32 s3, s5;
	[dreg:$0x0] =	wrdreg $0x0  }
0xa8: {  	s5 =	sshll.u32 s28, $0x1;
	[dreg:$0x2] =	wrdreg s3  }
0xa9: {  	[dreg:$0x3] =	wrdreg s5  }
0xaa: {  	[dreg:$0x4] =	wrdreg $0xC0  }
0xab: {  	_ =	task [dreg:s7], $0x5FFFF  }
0xac: {  	[dreg:$0x1] =	wrdreg $0xFFFFFFFF  }
0xad: {  	[dreg:$0x0] =	wrdreg $0x60  }
0xae: {  	[dreg:$0x2] =	wrdreg s24  }
0xaf: {  	[dreg:$0x3] =	wrdreg s2  }
0xb0: {  	[dreg:$0x4] =	wrdreg $0x9  }
0xb1: {  	_ =	task.clear_ibuf [dreg:s7], $0x5FFFF;
	_ =	strace $0x90000049  }
0xb2: {  	s29 =	simm.s32 $0x9;
	_ =	strace $0x8000004B  }
0xb3: {  	_ =	swait.ge [sflag:s29], $0x1  }
0xb4: {  	[sflag:s29] =	ssyncadd.s32 $0xFFFFFFFF  }
0xb5: {  	_ =	strace $0x9000004B  }
0xb6: {  	_ =	sfence  }
0xb7: {  	s30 =	sld [smem:$0x0];
	_ =	sdelay $0x2  }
0xb8: {  	s31 =	sshll.u32 s1, $0xD;
	s1 =	sshrl.u32 s1, $0x2  }
0xb9: {  	s3 =	sand.u32 $0x4000, s31;
	s1 =	sadd.s32 s1, s30  }
0xba: {  	s0 =	sor.u32 s3, s0;
	s1 =	sshll.u32 s1, $0x11  }
0xbb: {  	s0 =	sor.u32 s1, s0  }
0xbc: {  	s0 =	sadd.s32 $0x8F2B, s0  }
0xbd: {  	[sflag:s0] =	ssyncadd.remote.s32 $0x1  }
0xbe: {  	_ =	sfence.sel $0xFFFF  }
0xbf: {  	[dreg:$0x0] =	wrdreg $0xFFFFFFFF;
	(pc) =	sbr.abs _section_cstart, $3  }
0xc0: {  	[dreg:$0x1] =	wrdreg $0xFFFFFFFF  }
0xc1: {  	_ =	task.clear_ibuf [dreg:s7], $0x2FFFF;
	_ =	strace $0x9FFFFFFF  }
0xc2: {  	(tm) =	ssettm $0x7FFFFFFF  }
0xc3: {  	_ =	shalt  }
tec
execute0_lowered:
.L_overlay_start_1:
0x0: {  	(tag) =	ssettag $0x1  }
0x1: {  	s0 =	rddreg [dreg:$0x0]  }
0x2: {  	s7 =	rddreg [dreg:$0x1]  }
0x3: {  	s1 =	srdreg.scid;
	s2 =	stileid.u32;
	s3 =	simm.s32 $0x0  }
0x4: {  	s9 =	simm.s32 $0x200;
	s12 =	simm.s32 $0x6400;
	s13 =	simm.s32 $0xA400  }
0x5: {  	s14 =	simm.s32 $0x1;
	s15 =	simm.s32 $0x1000;
	s16 =	simm.s32 $0x20000  }
0x6: {  	s18 =	simm.s32 $0x2;
	s1 =	sand.u32 $0x1, s1;
	s2 =	sshll.u32 s2, $0x1  }
0x7: {  	s19 =	simm.s32 $0x4;
	[smem:$0x7FF] =	sst s3;
	s2 =	sor.u32 s1, s2  }
.Ltmp0:
0x8: {  	s1 =	ssub.s32 $0x2, s1;
	s29 =	sshll.u32 s2, $0x6;
	(pc) =	sbr.rel .LBB2_1-.Ltmp0, $4  }
0x9: {  	s4 =	sadd.s32 $0xA00, s0;
	s5 =	sshrl.u32 s1, $0x1;
	s3 =	sadd.s32 s29, s0  }
0xa: {  	v0 =	vlaneseq.u32;
	s7 =	sadd.s32 $0x10000, s7;
	s30 =	ssub.s32 s1, s5;
	s31 =	sadd.s32 $0x3D1400, s3  }
0xb: {  	v0 =	vmul.u32 $0x20, v0;
	_ =	strace $0x8000004A;
	s0 =	smax.u32 s30, $0x1;
	[dreg:$0x3] =	wrdreg s31  }
0xc: {  	s6 =	sshll.u32 s2, $0x9;
	s1 =	simm.s32 $0x0;
	[dreg:$0x4] =	wrdreg s0  }
.LBB2_12:
0xd: {  	s0 =	simm.s32 $0x3  }
0xe: {  	_ =	swait.ge [sflag:s0], $0x4000  }
0xf: {  	[sflag:s0] =	ssyncset.done $0x0  }
0x10: {  	[sflag:s0] =	ssyncadd.s32 $0xFFFFC000  }
0x11: {  	_ =	swait.ge [sflag:s19], $0x4000  }
0x12: {  	s1 =	rddreg [dreg:$0x5]  }
0x13: {  	s31 =	rddreg [dreg:$0x4];
	s1 =	sadd.s32 $0x1, s1  }
0x14: {  	p0 =	sne.s32 s1, s31  }
.Ltmp1:
0x15: {  	_ = 	snop;
	(pc) =	sbr.rel @!p0 .LBB2_13-.Ltmp1, $3  }
0x16: {  	_ =	sdelay $0x1  }
0x17: {  	[sflag:s19] =	ssyncset.done $0x0  }
0x18: {  	[sflag:s19] =	ssyncadd.s32 $0xFFFFC000  }
.LBB2_1:
0x19: {  	[dreg:$0x5] =	wrdreg s1;
	s0 =	simm.s32 $0x0  }
0x1a: {  	s30 =	rddreg [dreg:$0x3];
	s2 =	simm.s32 $0x4000;
	s31 =	simm.s32 $0x5  }
0x1b: {  	[tilespmem:s0], [sflag:$0x5] =	stream.strided.gather [hbm4b:s30+s9], $0x6400, s2, s9, $0x38;
	[tilespmem:$0x16400] =	vst v63  }
0x1c: {  	_ =	swait.ge [sflag:s31], $0x6400  }
0x1d: {  	[sflag:s31] =	ssyncset.done $0x0  }
0x1e: {  	[sflag:s31] =	ssyncadd.s32 $0xFFFF9C00  }
0x1f: {  	[tilespmem:s12], [sflag:$0x1] =	stream.indirect.gather [hbm4b:s4+s9], $0x20, s0, s9, $0xb8;
	[tilespmem:$0x16400] =	vst v63  }
0x20: {  	s23 =	simm.s32 $0x0  }
0x21: {  	[tilespmem:s13], [sflag:$0x2] =	stream.indirect.gather [hbm4b:s4+s9], $0x20, s9, s9, $0xb8;
	[tilespmem:$0x16400] =	vst v63  }
.LBB2_2:
0x22: {  	s0 =	simm.s32 $0x0  }
0x23: {  	s3 =	sand.u32 $0x2, s0  }
0x24: {  	s2 =	sor.u32 $0x1, s3  }
0x25: {  	s1 =	sshll.u32 s2, $0x7  }
0x26: {  	s5 =	simm.s32 $0x0;
	v1 =	vmov s1  }
0x27: {  	v3 =	vmov s5;
	s0 =	sshll.u32 s3, $0x7;
	v1 =	vshll.u32 v1, $0x5  }
0x28: {  	_ =	swait.ge [sflag:s14], $0x4000;
	v2 =	vand.u32 $0x18, v3;
	v4 =	vmov s0;
	v5 =	vor.u32 v0, v1  }
0x29: {  	p0 =	seq.s32 s23, $0x0;
	s8 =	sor.u32 $0x20, s0;
	s22 =	sor.u32 $0x30, s0;
	v4 =	vshll.u32 v4, $0x5;
	v1 =	vand.u32 $0x7, v3;
	v3 =	vor.u32 v2, v5  }
0x2a: {  	[sflag:s14] =	ssyncset.done $0x0;
	s10 =	sor.u32 $0x40, s0;
	s11 =	sor.u32 $0x50, s0;
	v6 =	vmov s8;
	v8 =	vmov s22;
	v3 =	vor.u32 v1, v3  }
0x2b: {  	s5 =	simm.s32 @!p0 $0x3;
	[sflag:s14] =	ssyncadd.s32 $0xFFFFC000;
	s20 =	sor.u32 $0x10, s1;
	v9 =	vmov s10;
	v11 =	vmov s11;
	v4 =	vor.u32 v0, v4  }
0x2c: {  	_ =	swait.ge @!p0 [sflag:s5], $0x4000;
	v6 =	vshll.u32 v6, $0x5;
	v7 =	vmov s20;
	v4 =	vor.u32 v2, v4  }
0x2d: {  	s17 =	sor.u32 $0x10, s0;
	[sflag:s5] =	ssyncset.done @!p0 $0x0;
	s24 =	sor.u32 $0x20, s1;
	v8 =	vshll.u32 v8, $0x5;
	v7 =	vshll.u32 v7, $0x5;
	v4 =	vor.u32 v1, v4  }
0x2e: {  	s11 =	sor.u32 $0x60, s0;
	s0 =	sor.u32 $0x70, s0;
	[sflag:s5] =	ssyncadd.s32 @!p0 $0xFFFFC000;
	v9 =	vshll.u32 v9, $0x5;
	v10 =	vmov s24;
	v7 =	vor.u32 v0, v7  }
0x2f: {  	s21 =	simm.s32 $0x0;
	s22 =	sor.u32 $0x40, s1;
	v13 =	vmov s0;
	v5 =	vmov s17;
	v7 =	vor.u32 v2, v7;
	v3 =	vld.idx.msk [tilespmem:v3+s12+$0x0], $0xffff  }
0x30: {  	s5 =	sand.u32 $0x3000, s21;
	v16 =	vmov s22;
	v5 =	vshll.u32 v5, $0x5;
	v7 =	vor.u32 v1, v7  }
0x31: {  	s25 =	simm.s32 $0x0;
	s2 =	sshll.u32 s2, $0xA;
	v6 =	vor.u32 v0, v6;
	s5 =	sadd.s32 $0xE400, s5;
	v8 =	vor.u32 v0, v8;
	v5 =	vor.u32 v0, v5  }
0x32: {  	s26 =	sand.u32 $0x380, s25;
	s21 =	simm.s32 $0x0;
	v10 =	vshll.u32 v10, $0x5;
	v9 =	vor.u32 v0, v9;
	s2 =	sadd.s32 s2, s5;
	v5 =	vor.u32 v2, v5;
	v4 =	vld.idx.msk [tilespmem:v4+s12+$0x0], $0xffff  }
0x33: {  	v15 =	vmov s21;
	v16 =	vshll.u32 v16, $0x5;
	s25 =	sor.u32 s26, s2;
	v5 =	vor.u32 v1, v5  }
0x34: {  	s10 =	sshll.u32 s3, $0xA;
	v6 =	vor.u32 v2, v6;
	v8 =	vor.u32 v2, v8;
	v10 =	vor.u32 v0, v10;
	[tilespmem:s25+$0x0] =	vst v3  }
0x35: {  	s29 =	simm.s32 $0x2;
	v9 =	vor.u32 v2, v9;
	v6 =	vor.u32 v1, v6;
	v10 =	vor.u32 v2, v10;
	s2 =	sor.u32 s10, s5;
	v7 =	vld.idx.msk [tilespmem:v7+s12+$0x0], $0xffff  }
0x36: {  	s17 =	sor.u32 $0x30, s1;
	v8 =	vor.u32 v1, v8;
	v12 =	vor.u32 v1, v9;
	s5 =	sand.u32 $0x2, s29;
	v10 =	vor.u32 v1, v10;
	s26 =	sor.u32 s26, s2  }
0x37: {  	v9 =	vmov s11;
	v14 =	vmov s17;
	s2 =	sor.u32 $0x1, s5;
	[tilespmem:s26+$0x0] =	vst v4;
	v3 =	vshll.u32 v11, $0x5  }
0x38: {  	v9 =	vshll.u32 v9, $0x5;
	s28 =	sshll.u32 s2, $0x7;
	v4 =	vshll.u32 v14, $0x5;
	v5 =	vld.idx.msk [tilespmem:v5+s12+$0x0], $0xffff;
	v3 =	vor.u32 v0, v3  }
0x39: {  	v14 =	vmov s28;
	v4 =	vor.u32 v0, v4;
	v3 =	vor.u32 v2, v3  }
0x3a: {  	v11 =	vor.u32 v1, v3;
	v3 =	vor.u32 v0, v9;
	v9 =	vshll.u32 v13, $0x5;
	[tilespmem:s25+$0x10] =	vst v7  }
0x3b: {  	v14 =	vshll.u32 v14, $0x5;
	v4 =	vor.u32 v2, v4;
	v7 =	vor.u32 v0, v9;
	v9 =	vld.idx.msk [tilespmem:v10+s12+$0x0], $0xffff  }
0x3c: {  	s3 =	sshll.u32 s5, $0x7;
	v14 =	vor.u32 v0, v14;
	v3 =	vor.u32 v2, v3;
	v10 =	vor.u32 v1, v4  }
0x3d: {  	v13 =	vmov s3;
	v3 =	vor.u32 v1, v3;
	[tilespmem:s26+$0x10] =	vst v5;
	v5 =	vand.u32 $0x18, v15  }
0x3e: {  	s20 =	sor.u32 $0x10, s3;
	v17 =	vld.idx.msk [tilespmem:v6+s12+$0x0], $0xffff;
	v6 =	vand.u32 $0x7, v15;
	v4 =	vor.u32 v2, v7;
	v7 =	vshll.u32 v13, $0x5  }
0x3f: {  	v14 =	vor.u32 v5, v14;
	v13 =	vmov s20;
	v7 =	vor.u32 v0, v7  }
0x40: {  	s8 =	sor.u32 $0x10, s28;
	v15 =	vor.u32 v0, v16;
	v13 =	vshll.u32 v13, $0x5;
	v7 =	vor.u32 v5, v7;
	[tilespmem:s25+$0x20] =	vst v9  }
0x41: {  	v16 =	vmov s8;
	v13 =	vor.u32 v0, v13;
	v7 =	vor.u32 v6, v7;
	v10 =	vld.idx.msk [tilespmem:v10+s12+$0x0], $0xffff  }
0x42: {  	s24 =	sor.u32 $0x20, s3;
	v13 =	vor.u32 v5, v13;
	v9 =	vor.u32 v6, v14;
	v14 =	vor.u32 v2, v15  }
0x43: {  	s10 =	sor.u32 $0x50, s1;
	[tilespmem:s26+$0x20] =	vst v17;
	v17 =	vor.u32 v6, v13;
	v15 =	vmov s24;
	v14 =	vor.u32 v1, v14  }
0x44: {  	v13 =	vshll.u32 v16, $0x5;
	v16 =	vmov s10;
	v15 =	vshll.u32 v15, $0x5  }
0x45: {  	s0 =	simm.s32 $0x100;
	s17 =	sor.u32 $0x40, s3;
	v8 =	vld.idx.msk [tilespmem:v8+s12+$0x0], $0xffff;
	v13 =	vor.u32 v0, v13;
	v16 =	vshll.u32 v16, $0x5;
	v15 =	vor.u32 v0, v15  }
0x46: {  	s22 =	simm.s32 $0x40;
	s21 =	sand.u32 $0x3000, s0;
	s11 =	sor.u32 $0x30, s3;
	v18 =	vmov s17;
	v7 =	vld.idx.msk [tilespmem:v7+s12+$0x0], $0xffff;
	[tilespmem:s25+$0x30] =	vst v10;
	v10 =	vor.u32 v5, v15;
	v15 =	vor.u32 v0, v16  }
0x47: {  	s2 =	sshll.u32 s2, $0xA;
	s17 =	sand.u32 $0x380, s22;
	s24 =	sadd.s32 $0xE400, s21;
	v13 =	vor.u32 v5, v13;
	v16 =	vld.idx.msk [tilespmem:v9+s12+$0x0], $0xffff;
	v9 =	vor.u32 v6, v10;
	v10 =	vor.u32 v2, v15  }
0x48: {  	s20 =	sor.u32 $0x50, s3;
	s21 =	sshll.u32 s5, $0xA;
	s2 =	sadd.s32 s2, s24;
	v13 =	vor.u32 v6, v13;
	v14 =	vld.idx.msk [tilespmem:v14+s12+$0x0], $0xffff;
	v15 =	vmov s11;
	v19 =	vor.u32 v1, v10  }
0x49: {  	s31 =	sor.u32 s17, s2;
	s2 =	sor.u32 s21, s24;
	s11 =	sor.u32 $0x20, s28;
	v10 =	vshll.u32 v15, $0x5;
	v15 =	vshll.u32 v18, $0x5;
	v18 =	vmov s20  }
0x4a: {  	s30 =	sor.u32 s17, s2;
	[tilespmem:s26+$0x30] =	vst v8;
	v20 =	vmov s11;
	s20 =	sor.u32 $0x60, s1;
	v10 =	vor.u32 v0, v10;
	v15 =	vor.u32 v0, v15  }
0x4b: {  	v22 =	vld.idx.msk [tilespmem:v12+s12+$0x0], $0xffff;
	[tilespmem:s30+$0x0] =	vst v7;
	v20 =	vshll.u32 v20, $0x5;
	v21 =	vmov s20;
	v8 =	vor.u32 v5, v10  }
0x4c: {  	v12 =	vshll.u32 v21, $0x5;
	[tilespmem:s31+$0x0] =	vst v16;
	v10 =	vor.u32 v6, v8;
	v8 =	vor.u32 v0, v20  }
0x4d: {  	v12 =	vor.u32 v0, v12;
	v20 =	vld.idx.msk [tilespmem:v13+s12+$0x0], $0xffff;
	[tilespmem:s25+$0x40] =	vst v14;
	v13 =	vshll.u32 v18, $0x5;
	v8 =	vor.u32 v5, v8  }
0x4e: {  	s24 =	sor.u32 $0x30, s28;
	v14 =	vor.u32 v5, v15;
	v12 =	vor.u32 v2, v12;
	v19 =	vld.idx.msk [tilespmem:v19+s12+$0x0], $0xffff;
	v18 =	vor.u32 v6, v8  }
0x4f: {  	s22 =	sor.u32 $0x60, s3;
	v16 =	vld.idx.msk [tilespmem:v17+s12+$0x0], $0xffff;
	v15 =	vmov s24;
	v8 =	vor.u32 v6, v14;
	v12 =	vor.u32 v1, v12  }
0x50: {  	s3 =	sor.u32 $0x70, s3;
	[tilespmem:s26+$0x40] =	vst v22;
	v13 =	vor.u32 v0, v13;
	v14 =	vmov s22;
	v17 =	vshll.u32 v15, $0x5  }
0x51: {  	s1 =	sor.u32 $0x70, s1;
	v11 =	vld.idx.msk [tilespmem:v11+s12+$0x0], $0xffff;
	v7 =	vor.u32 v5, v13;
	v13 =	vmov s3;
	v14 =	vshll.u32 v14, $0x5  }
0x52: {  	v7 =	vor.u32 v6, v7;
	v14 =	vor.u32 v0, v14;
	[tilespmem:s31+$0x10] =	vst v20;
	v20 =	vmov s1  }
0x53: {  	s24 =	sshll.u32 s23, $0xC;
	v15 =	vor.u32 v5, v14;
	v14 =	vld.idx.msk [tilespmem:v18+s12+$0x0], $0xffff;
	v18 =	vor.u32 v0, v17;
	[tilespmem:s25+$0x50] =	vst v19;
	v17 =	vshll.u32 v20, $0x5  }
.LBB2_3:
0x54: {  	s29 =	sadd.s32 $0x2, s29;
	[tilespmem:s30+$0x10] =	vst v16;
	v13 =	vshll.u32 v13, $0x5;
	v16 =	vor.u32 v5, v18;
	v12 =	vld.idx.msk [tilespmem:v12+s12+$0x0], $0xffff;
	v17 =	vor.u32 v0, v17  }
0x55: {  	v15 =	vor.u32 v6, v15;
	s1 =	sand.u32 $0x2, s29;
	p1 =	slt.u32 s29, $0x7E;
	v9 =	vld.idx.msk [tilespmem:v9+s12+$0x0], $0xffff;
	v16 =	vor.u32 v6, v16;
	v19 =	vor.u32 v2, v17  }
0x56: {  	v13 =	vor.u32 v0, v13;
	s2 =	sshll.u32 s1, $0x7;
	s5 =	sshll.u32 s1, $0xA;
	s8 =	sor.u32 $0x1, s1;
	[tilespmem:s26+$0x50] =	vst v11;
	v11 =	vor.u32 v1, v4;
	v17 =	vor.u32 v1, v19  }
0x57: {  	v2 =	vmovc v5;
	v4 =	vor.u32 v5, v13;
	v1 =	vmovc v6;
	v18 =	vmov s2;
	s3 =	sor.u32 $0x10, s2;
	s17 =	sor.u32 $0x20, s2;
	s1 =	sshll.u32 s8, $0x7;
	v13 =	vld.idx.msk [tilespmem:v3+s12+$0x0], $0xffff;
	v3 =	vmov v15  }
0x58: {  	s10 =	sshrl.u32 s29, $0x2;
	s21 =	sor.u32 $0x30, s2;
	v15 =	vshll.u32 v18, $0x5;
	v18 =	vmov s3;
	v5 =	vmov s1;
	s3 =	sor.u32 $0x40, s28  }
0x59: {  	v6 =	vmov s10;
	s22 =	sor.u32 $0x40, s2;
	s11 =	sor.u32 $0x50, s2;
	s10 =	sor.u32 $0x60, s2;
	v19 =	vshll.u32 v5, $0x5;
	[tilespmem:s31+$0x20] =	vst v14;
	v14 =	vmov s3  }
0x5a: {  	v5 =	vand.u32 $0x18, v6;
	s3 =	sor.u32 $0x70, s2;
	v19 =	vor.u32 v0, v19;
	v16 =	vld.idx.msk [tilespmem:v16+s12+$0x0], $0xffff;
	v14 =	vshll.u32 v14, $0x5;
	[tilespmem:s25+$0x60] =	vst v12  }
0x5b: {  	v6 =	vand.u32 $0x7, v6;
	v12 =	vor.u32 v5, v19;
	[tilespmem:s30+$0x20] =	vst v9;
	v9 =	vor.u32 v0, v14;
	v14 =	vld.idx.msk [tilespmem:v17+s12+$0x0], $0xffff  }
0x5c: {  	v15 =	vor.u32 v0, v15;
	v12 =	vor.u32 v6, v12;
	v10 =	vld.idx.msk [tilespmem:v10+s12+$0x0], $0xffff;
	v9 =	vor.u32 v2, v9  }
0x5d: {  	v15 =	vor.u32 v5, v15;
	v17 =	vshll.u32 v18, $0x5;
	v9 =	vor.u32 v1, v9;
	[tilespmem:s26+$0x60] =	vst v13  }
0x5e: {  	s2 =	sor.u32 $0x10, s1;
	v13 =	vor.u32 v6, v15;
	v15 =	vor.u32 v0, v17;
	v17 =	vmov s17;
	v11 =	vld.idx.msk [tilespmem:v11+s12+$0x0], $0xffff  }
0x5f: {  	v18 =	vmov s2;
	s2 =	sor.u32 $0x50, s28;
	v15 =	vor.u32 v5, v15;
	v17 =	vshll.u32 v17, $0x5  }
0x60: {  	v18 =	vshll.u32 v18, $0x5;
	v15 =	vor.u32 v6, v15;
	[tilespmem:s31+$0x30] =	vst v16;
	v16 =	vmov s2  }
0x61: {  	v18 =	vor.u32 v0, v18;
	v17 =	vor.u32 v0, v17;
	v12 =	vld.idx.msk [tilespmem:v12+s12+$0x0], $0xffff;
	v16 =	vshll.u32 v16, $0x5;
	[tilespmem:s25+$0x70] =	vst v14;
	s25 =	smov.u32 s31  }
0x62: {  	s0 =	sadd.s32 $0x100, s0;
	v14 =	vor.u32 v5, v17;
	v17 =	vor.u32 v5, v18;
	v18 =	vld.idx.msk [tilespmem:v9+s12+$0x0], $0xffff;
	v16 =	vor.u32 v0, v16  }
0x63: {  	s2 =	sand.u32 $0x3000, s0;
	v9 =	vor.u32 v6, v14;
	v14 =	vor.u32 v6, v17;
	v13 =	vld.idx.msk [tilespmem:v13+s12+$0x0], $0xffff;
	v16 =	vor.u32 v2, v16  }
0x64: {  	s8 =	sshll.u32 s8, $0xA;
	v19 =	vmov s22;
	s17 =	sshll.u32 s29, $0x5;
	s2 =	sadd.s32 $0xE400, s2;
	v17 =	vmov s21;
	[tilespmem:s30+$0x30] =	vst v10;
	v16 =	vor.u32 v1, v16  }
0x65: {  	s17 =	sand.u32 $0x380, s17;
	s8 =	sadd.s32 s8, s2;
	v10 =	vshll.u32 v17, $0x5;
	v17 =	vshll.u32 v19, $0x5;
	v19 =	vmov s11;
	s11 =	sor.u32 $0x20, s1;
	v20 =	vld.idx.msk [tilespmem:v8+s12+$0x0], $0xffff;
	[tilespmem:s26+$0x70] =	vst v11  }
0x66: {  	s2 =	sor.u32 s5, s2;
	s5 =	sor.u32 $0x60, s28;
	s31 =	sor.u32 s17, s8;
	v8 =	vor.u32 v0, v10;
	v11 =	vor.u32 v0, v17;
	v10 =	vmov s11  }
0x67: {  	v17 =	vmov s5;
	s26 =	smov.u32 s30;
	s30 =	sor.u32 s17, s2;
	v8 =	vor.u32 v5, v8;
	[tilespmem:s31+$0x0] =	vst v12;
	v12 =	vshll.u32 v10, $0x5  }
0x68: {  	v10 =	vor.u32 v6, v8;
	v14 =	vld.idx.msk [tilespmem:v14+s12+$0x0], $0xffff;
	v8 =	vor.u32 v0, v12;
	[tilespmem:s25+$0x40] =	vst v18;
	v12 =	vshll.u32 v17, $0x5  }
0x69: {  	[tilespmem:s30+$0x0] =	vst v13;
	v13 =	vshll.u32 v19, $0x5;
	v8 =	vor.u32 v5, v8;
	v17 =	vld.idx.msk [tilespmem:v16+s12+$0x0], $0xffff;
	v12 =	vor.u32 v0, v12  }
0x6a: {  	v11 =	vor.u32 v5, v11;
	v16 =	vld.idx.msk [tilespmem:v15+s12+$0x0], $0xffff;
	v18 =	vor.u32 v6, v8;
	v12 =	vor.u32 v2, v12  }
.Ltmp2:
0x6b: {  	v8 =	vor.u32 v6, v11;
	v11 =	vor.u32 v0, v13;
	[tilespmem:s26+$0x40] =	vst v20;
	v12 =	vor.u32 v1, v12;
	(pc) =	sbr.rel @p1 .LBB2_3-.Ltmp2, $4  }
0x6c: {  	s2 =	sor.u32 $0x30, s1;
	v19 =	vmov s10;
	v13 =	vmov s3;
	v15 =	vor.u32 v5, v11;
	v11 =	vld.idx.msk [tilespmem:v7+s12+$0x0], $0xffff  }
0x6d: {  	v7 =	vor.u32 v6, v15;
	v15 =	vshll.u32 v19, $0x5;
	v19 =	vmov s2;
	s2 =	sor.u32 $0x70, s28;
	s28 =	smov.u32 s1  }
0x6e: {  	v15 =	vor.u32 v0, v15;
	v19 =	vshll.u32 v19, $0x5;
	v20 =	vmov s2;
	[tilespmem:s31+$0x10] =	vst v14  }
0x6f: {  	v15 =	vor.u32 v5, v15;
	v14 =	vld.idx.msk [tilespmem:v18+s12+$0x0], $0xffff;
	v18 =	vor.u32 v0, v19;
	[tilespmem:s25+$0x50] =	vst v17;
	v17 =	vshll.u32 v20, $0x5  }
0x70: {  	_ =	sdelay $0x2  }
0x71: {  	[tilespmem:s30+$0x10] =	vst v16;
	v44 =	vor.u32 v5, v18  }
0x72: {  	v9 =	vld.idx.msk [tilespmem:v9+s12+$0x0], $0xffff;
	v16 =	vor.u32 v6, v44  }
0x73: {  	s0 =	sor.u32 $0x40, s28  }
0x74: {  	v45 =	vmov s0  }
0x75: {  	v18 =	vshll.u32 v45, $0x5  }
0x76: {  	v46 =	vor.u32 v0, v18;
	[tilespmem:s31+$0x20] =	vst v14  }
0x77: {  	v47 =	vor.u32 v5, v46;
	v16 =	vld.idx.msk [tilespmem:v16+s12+$0x0], $0xffff;
	[tilespmem:s30+$0x20] =	vst v9  }
0x78: {  	v9 =	vor.u32 v6, v47;
	v10 =	vld.idx.msk [tilespmem:v10+s12+$0x0], $0xffff  }
0x79: {  	s21 =	sor.u32 $0x50, s28  }
0x7a: {  	v48 =	vmov s21  }
0x7b: {  	v14 =	vshll.u32 v48, $0x5  }
0x7c: {  	v14 =	vor.u32 v0, v14;
	[tilespmem:s31+$0x30] =	vst v16  }
0x7d: {  	v14 =	vor.u32 v5, v14;
	v9 =	vld.idx.msk [tilespmem:v9+s12+$0x0], $0xffff;
	[tilespmem:s30+$0x30] =	vst v10  }
0x7e: {  	v49 =	vor.u32 v6, v14;
	v8 =	vld.idx.msk [tilespmem:v8+s12+$0x0], $0xffff  }
0x7f: {  	s22 =	sor.u32 $0x60, s28  }
0x80: {  	v50 =	vmov s22  }
0x81: {  	v14 =	vshll.u32 v50, $0x5  }
0x82: {  	v51 =	vor.u32 v0, v14;
	[tilespmem:s31+$0x40] =	vst v9  }
0x83: {  	v9 =	vor.u32 v5, v51;
	v10 =	vld.idx.msk [tilespmem:v49+s12+$0x0], $0xffff;
	[tilespmem:s30+$0x40] =	vst v8  }
0x84: {  	v52 =	vor.u32 v6, v9;
	v7 =	vld.idx.msk [tilespmem:v7+s12+$0x0], $0xffff  }
0x85: {  	v53 =	vor.u32 v6, v15;
	s28 =	sor.u32 $0x70, s28  }
0x86: {  	v13 =	vshll.u32 v13, $0x5;
	v54 =	vor.u32 v0, v17;
	v55 =	vmov s28  }
0x87: {  	v12 =	vld.idx.msk [tilespmem:v12+s12+$0x0], $0xffff;
	v2 =	vor.u32 v2, v54;
	v13 =	vor.u32 v0, v13;
	[tilespmem:s26+$0x50] =	vst v11;
	v56 =	vshll.u32 v55, $0x5  }
0x88: {  	v2 =	vor.u32 v1, v2;
	v3 =	vld.idx.msk [tilespmem:v3+s12+$0x0], $0xffff;
	v57 =	vor.u32 v0, v56;
	[tilespmem:s31+$0x50] =	vst v10  }
0x89: {  	v1 =	vor.u32 v1, v4;
	v59 =	vor.u32 v5, v57;
	v58 =	vld.idx.msk [tilespmem:v52+s12+$0x0], $0xffff;
	[tilespmem:s30+$0x50] =	vst v7  }
0x8a: {  	v60 =	vor.u32 v5, v13;
	v61 =	vor.u32 v6, v59;
	v62 =	vld.idx.msk [tilespmem:v53+s12+$0x0], $0xffff  }
0x8b: {  	v5 =	vor.u32 v6, v60  }
0x8c: {  	[tilespmem:s25+$0x60] =	vst v12  }
0x8d: {  	v2 =	vld.idx.msk [tilespmem:v2+s12+$0x0], $0xffff;
	[tilespmem:s26+$0x60] =	vst v3  }
0x8e: {  	v1 =	vld.idx.msk [tilespmem:v1+s12+$0x0], $0xffff;
	[tilespmem:s31+$0x60] =	vst v58  }
0x8f: {  	v3 =	vld.idx.msk [tilespmem:v61+s12+$0x0], $0xffff;
	[tilespmem:s30+$0x60] =	vst v62  }
0x90: {  	v63 =	vld.idx.msk [tilespmem:v5+s12+$0x0], $0xffff  }
0x91: {  	p1 =	sne.s32 s23, $0x18  }
.Ltmp3:
0x92: {  	[tilespmem:s25+$0x70] =	vst v2;
	(pc) =	sbr.rel @p1 .LBB2_6-.Ltmp3, $4  }
0x93: {  	s29 =	sshll.u32 s23, $0x11;
	[tilespmem:s26+$0x70] =	vst v1  }
0x94: {  	s25 =	sor.u32 s6, s29;
	[tilespmem:s31+$0x70] =	vst v3;
	s31 =	rddreg [dreg:$0x1]  }
0x95: {  	s1 =	simm.s32 $0xE400;
	[tilespmem:s30+$0x70] =	vst v63;
	s0 =	sadd.s32 s31, s25  }
0x96: {  	[hbm4b:s0+s15] =	stream.strided.scatter [tilespmem:s1], [sflag:$0x3], $0x4000, s16, s15, $0x38;
	[tilespmem:$0x16400] =	vst v63  }
.Ltmp4:
0x97: {  	(pc) =	sbr.rel .LBB2_7-.Ltmp4, $4  }
0x98: {  	_ = 	snop  }
0x99: {  	_ =	swait.ge [sflag:s18], $0x4000  }
0x9a: {  	[sflag:s18] =	ssyncset.done $0x0  }
0x9b: {  	[sflag:s18] =	ssyncadd.s32 $0xFFFFC000  }
.LBB2_6:
0x9c: {  	s0 =	sshrl.u32 s24, $0x2  }
.Ltmp5:
0x9d: {  	s0 =	sadd.s32 $0x400, s0;
	(pc) =	sbr.rel @p0 .LBB2_8-.Ltmp5, $4  }
0x9e: {  	[tilespmem:s12], [sflag:$0x1] =	stream.indirect.gather [hbm4b:s4+s9], $0x20, s0, s9, $0xb8;
	[tilespmem:$0x16400] =	vst v63  }
0x9f: {  	_ =	swait.ge [sflag:s18], $0x4000  }
0xa0: {  	[sflag:s18] =	ssyncset.done $0x0  }
0xa1: {  	[sflag:s18] =	ssyncadd.s32 $0xFFFFC000  }
.LBB2_7:
0xa2: {  	_ =	swait.ge [sflag:s19], $0x4000  }
0xa3: {  	[sflag:s19] =	ssyncset.done $0x0  }
0xa4: {  	[sflag:s19] =	ssyncadd.s32 $0xFFFFC000  }
.LBB2_8:
0xa5: {  	s0 =	simm.s32 $0x0  }
0xa6: {  	s1 =	sand.u32 $0x2, s0  }
0xa7: {  	s3 =	simm.s32 $0x0;
	s2 =	sor.u32 $0x1, s1  }
0xa8: {  	v3 =	vmov s3;
	s0 =	sshll.u32 s1, $0x7;
	s10 =	sshll.u32 s2, $0x7  }
0xa9: {  	v2 =	vand.u32 $0x18, v3;
	v4 =	vmov s0;
	s5 =	sor.u32 $0x20, s0;
	v1 =	vmov s10  }
0xaa: {  	s17 =	sor.u32 $0x30, s0;
	s8 =	sor.u32 $0x40, s0;
	v4 =	vshll.u32 v4, $0x5;
	v6 =	vmov s5;
	v1 =	vshll.u32 v1, $0x5  }
0xab: {  	v8 =	vmov s17;
	v9 =	vmov s8;
	v5 =	vor.u32 v0, v1  }
0xac: {  	s11 =	sor.u32 $0x50, s0;
	v4 =	vor.u32 v0, v4;
	v1 =	vand.u32 $0x7, v3;
	v3 =	vor.u32 v2, v5  }
0xad: {  	s26 =	sor.u32 $0x10, s10;
	v11 =	vmov s11;
	v4 =	vor.u32 v2, v4;
	v3 =	vor.u32 v1, v3  }
0xae: {  	s20 =	sor.u32 $0x20, s10;
	v6 =	vshll.u32 v6, $0x5;
	v7 =	vmov s26;
	v4 =	vor.u32 v1, v4  }
0xaf: {  	s22 =	sor.u32 $0x10, s0;
	s8 =	sor.u32 $0x60, s0;
	s0 =	sor.u32 $0x70, s0;
	v8 =	vshll.u32 v8, $0x5;
	v9 =	vshll.u32 v9, $0x5;
	v10 =	vmov s20  }
0xb0: {  	s11 =	sor.u32 $0x30, s10;
	v13 =	vmov s0;
	v7 =	vshll.u32 v7, $0x5;
	v5 =	vmov s22  }
0xb1: {  	v14 =	vmov s11;
	v7 =	vor.u32 v0, v7;
	v5 =	vshll.u32 v5, $0x5  }
0xb2: {  	s21 =	simm.s32 $0x0;
	s5 =	simm.s32 $0x0;
	v6 =	vor.u32 v0, v6;
	v7 =	vor.u32 v2, v7;
	v5 =	vor.u32 v0, v5;
	v3 =	vld.idx.msk [tilespmem:v3+s13+$0x0], $0xffff  }
0xb3: {  	s30 =	simm.s32 $0x2;
	s1 =	sshll.u32 s1, $0xA;
	s3 =	sand.u32 $0x3000, s5;
	v8 =	vor.u32 v0, v8;
	v7 =	vor.u32 v1, v7;
	v5 =	vor.u32 v2, v5;
	v4 =	vld.idx.msk [tilespmem:v4+s13+$0x0], $0xffff  }
0xb4: {  	s2 =	sshll.u32 s2, $0xA;
	s20 =	simm.s32 $0x0;
	s3 =	sadd.s32 $0x12400, s3;
	v10 =	vshll.u32 v10, $0x5;
	v9 =	vor.u32 v0, v9;
	v5 =	vor.u32 v1, v5  }
0xb5: {  	s5 =	sand.u32 $0x2, s30;
	v15 =	vmov s20;
	v6 =	vor.u32 v2, v6;
	s22 =	sand.u32 $0x380, s21;
	s2 =	sadd.s32 s2, s3;
	v8 =	vor.u32 v2, v8  }
0xb6: {  	s0 =	sor.u32 $0x1, s5;
	v10 =	vor.u32 v0, v10;
	v9 =	vor.u32 v2, v9;
	s1 =	sor.u32 s1, s3;
	v6 =	vor.u32 v1, v6;
	s26 =	sor.u32 s22, s2  }
0xb7: {  	s3 =	sshll.u32 s5, $0x7;
	s21 =	sor.u32 $0x40, s10;
	v8 =	vor.u32 v1, v8;
	v10 =	vor.u32 v2, v10;
	v12 =	vor.u32 v1, v9;
	s28 =	sor.u32 s22, s1;
	[tilespmem:s26+$0x0] =	vst v3  }
0xb8: {  	s29 =	sshll.u32 s0, $0x7;
	v9 =	vmov s8;
	v16 =	vmov s21;
	s20 =	sor.u32 $0x40, s3;
	v10 =	vor.u32 v1, v10;
	[tilespmem:s28+$0x0] =	vst v4;
	v7 =	vld.idx.msk [tilespmem:v7+s13+$0x0], $0xffff  }
0xb9: {  	v9 =	vshll.u32 v9, $0x5;
	v16 =	vshll.u32 v16, $0x5;
	v18 =	vmov s20;
	s20 =	sor.u32 $0x20, s29;
	v5 =	vld.idx.msk [tilespmem:v5+s13+$0x0], $0xffff  }
0xba: {  	v20 =	vmov s20;
	v4 =	vshll.u32 v14, $0x5;
	v3 =	vshll.u32 v11, $0x5  }
0xbb: {  	v14 =	vmov s29;
	v4 =	vor.u32 v0, v4;
	v3 =	vor.u32 v0, v3  }
0xbc: {  	v14 =	vshll.u32 v14, $0x5;
	v4 =	vor.u32 v2, v4;
	v3 =	vor.u32 v2, v3  }
0xbd: {  	v11 =	vor.u32 v1, v3;
	v3 =	vor.u32 v0, v9;
	v9 =	vshll.u32 v13, $0x5;
	[tilespmem:s26+$0x10] =	vst v7  }
0xbe: {  	v20 =	vshll.u32 v20, $0x5;
	v14 =	vor.u32 v0, v14;
	[tilespmem:s28+$0x10] =	vst v5;
	v7 =	vor.u32 v0, v9;
	v9 =	vld.idx.msk [tilespmem:v10+s13+$0x0], $0xffff  }
0xbf: {  	s17 =	sor.u32 $0x10, s3;
	v13 =	vmov s3;
	v5 =	vand.u32 $0x18, v15;
	v17 =	vld.idx.msk [tilespmem:v6+s13+$0x0], $0xffff;
	v10 =	vor.u32 v1, v4  }
0xc0: {  	v4 =	vor.u32 v2, v7;
	v7 =	vshll.u32 v13, $0x5;
	v13 =	vmov s17  }
0xc1: {  	v6 =	vand.u32 $0x7, v15;
	v7 =	vor.u32 v0, v7;
	v13 =	vshll.u32 v13, $0x5  }
0xc2: {  	v14 =	vor.u32 v5, v14;
	v7 =	vor.u32 v5, v7;
	v13 =	vor.u32 v0, v13  }
0xc3: {  	s2 =	sor.u32 $0x10, s29;
	v15 =	vor.u32 v0, v16;
	v7 =	vor.u32 v6, v7;
	v13 =	vor.u32 v5, v13;
	[tilespmem:s26+$0x20] =	vst v9  }
0xc4: {  	v16 =	vmov s2;
	[tilespmem:s28+$0x20] =	vst v17;
	v9 =	vor.u32 v6, v14;
	v14 =	vor.u32 v2, v15;
	v10 =	vld.idx.msk [tilespmem:v10+s13+$0x0], $0xffff  }
0xc5: {  	s22 =	sor.u32 $0x20, s3;
	v17 =	vor.u32 v6, v13;
	v13 =	vshll.u32 v16, $0x5;
	v8 =	vld.idx.msk [tilespmem:v8+s13+$0x0], $0xffff;
	v14 =	vor.u32 v1, v14  }
0xc6: {  	s8 =	sor.u32 $0x50, s10;
	s1 =	simm.s32 $0x100;
	v3 =	vor.u32 v2, v3;
	v15 =	vmov s22;
	v13 =	vor.u32 v0, v13  }
0xc7: {  	s17 =	sand.u32 $0x3000, s1;
	v16 =	vmov s8;
	v15 =	vshll.u32 v15, $0x5;
	v13 =	vor.u32 v5, v13  }
0xc8: {  	s2 =	sadd.s32 $0x12400, s17;
	s17 =	sor.u32 $0x60, s10;
	v16 =	vshll.u32 v16, $0x5;
	v15 =	vor.u32 v0, v15;
	v13 =	vor.u32 v6, v13;
	v7 =	vld.idx.msk [tilespmem:v7+s13+$0x0], $0xffff  }
0xc9: {  	s11 =	sor.u32 $0x30, s3;
	v21 =	vmov s17;
	[tilespmem:s26+$0x30] =	vst v10;
	v10 =	vor.u32 v5, v15;
	v15 =	vor.u32 v0, v16;
	v16 =	vld.idx.msk [tilespmem:v9+s13+$0x0], $0xffff  }
0xca: {  	[tilespmem:s28+$0x30] =	vst v8;
	v9 =	vor.u32 v6, v10;
	v10 =	vor.u32 v2, v15;
	v14 =	vld.idx.msk [tilespmem:v14+s13+$0x0], $0xffff;
	v15 =	vmov s11  }
0xcb: {  	s0 =	sshll.u32 s0, $0xA;
	s21 =	simm.s32 $0x40;
	s22 =	sor.u32 $0x50, s3;
	v22 =	vld.idx.msk [tilespmem:v12+s13+$0x0], $0xffff;
	v12 =	vshll.u32 v21, $0x5;
	v19 =	vor.u32 v1, v10;
	v10 =	vshll.u32 v15, $0x5  }
0xcc: {  	s0 =	sadd.s32 s0, s2;
	v15 =	vshll.u32 v18, $0x5;
	v18 =	vmov s22;
	s22 =	sand.u32 $0x380, s21;
	v10 =	vor.u32 v0, v10  }
0xcd: {  	s5 =	sshll.u32 s5, $0xA;
	v3 =	vor.u32 v1, v3;
	v12 =	vor.u32 v0, v12;
	s0 =	sor.u32 s22, s0;
	v8 =	vor.u32 v5, v10  }
0xce: {  	s2 =	sor.u32 s5, s2;
	v12 =	vor.u32 v2, v12;
	[tilespmem:s0+$0x0] =	vst v16;
	v10 =	vor.u32 v6, v8;
	v8 =	vor.u32 v0, v20  }
0xcf: {  	v15 =	vor.u32 v0, v15;
	s31 =	sor.u32 s22, s2;
	v20 =	vld.idx.msk [tilespmem:v13+s13+$0x0], $0xffff;
	[tilespmem:s26+$0x40] =	vst v14;
	v8 =	vor.u32 v5, v8  }
0xd0: {  	s21 =	sor.u32 $0x30, s29;
	[tilespmem:s31+$0x0] =	vst v7;
	v13 =	vshll.u32 v18, $0x5;
	v14 =	vor.u32 v5, v15;
	v19 =	vld.idx.msk [tilespmem:v19+s13+$0x0], $0xffff;
	v18 =	vor.u32 v6, v8  }
0xd1: {  	s20 =	sor.u32 $0x60, s3;
	v12 =	vor.u32 v1, v12;
	v16 =	vld.idx.msk [tilespmem:v17+s13+$0x0], $0xffff;
	v15 =	vmov s21;
	v8 =	vor.u32 v6, v14  }
0xd2: {  	s3 =	sor.u32 $0x70, s3;
	[tilespmem:s28+$0x40] =	vst v22;
	v13 =	vor.u32 v0, v13;
	v14 =	vmov s20;
	v17 =	vshll.u32 v15, $0x5  }
0xd3: {  	s22 =	sor.u32 $0x70, s10;
	v11 =	vld.idx.msk [tilespmem:v11+s13+$0x0], $0xffff;
	v7 =	vor.u32 v5, v13;
	v13 =	vmov s3;
	v14 =	vshll.u32 v14, $0x5  }
0xd4: {  	v7 =	vor.u32 v6, v7;
	v14 =	vor.u32 v0, v14;
	[tilespmem:s0+$0x10] =	vst v20;
	v20 =	vmov s22  }
0xd5: {  	v15 =	vor.u32 v5, v14;
	v14 =	vld.idx.msk [tilespmem:v18+s13+$0x0], $0xffff;
	v18 =	vor.u32 v0, v17;
	[tilespmem:s26+$0x50] =	vst v19;
	v17 =	vshll.u32 v20, $0x5  }
.LBB2_9:
0xd6: {  	s30 =	sadd.s32 $0x2, s30;
	[tilespmem:s31+$0x10] =	vst v16;
	v13 =	vshll.u32 v13, $0x5;
	v16 =	vor.u32 v5, v18;
	v12 =	vld.idx.msk [tilespmem:v12+s13+$0x0], $0xffff;
	v17 =	vor.u32 v0, v17  }
0xd7: {  	v15 =	vor.u32 v6, v15;
	s2 =	sand.u32 $0x2, s30;
	p0 =	slt.u32 s30, $0x7E;
	v9 =	vld.idx.msk [tilespmem:v9+s13+$0x0], $0xffff;
	v16 =	vor.u32 v6, v16;
	v19 =	vor.u32 v2, v17  }
0xd8: {  	v13 =	vor.u32 v0, v13;
	s5 =	sshll.u32 s2, $0x7;
	s8 =	sshll.u32 s2, $0xA;
	s11 =	sor.u32 $0x1, s2;
	[tilespmem:s28+$0x50] =	vst v11;
	v11 =	vor.u32 v1, v4;
	v17 =	vor.u32 v1, v19  }
0xd9: {  	v2 =	vmovc v5;
	v4 =	vor.u32 v5, v13;
	v1 =	vmovc v6;
	v18 =	vmov s5;
	s2 =	sor.u32 $0x10, s5;
	s17 =	sor.u32 $0x20, s5;
	s10 =	sshll.u32 s11, $0x7;
	v13 =	vld.idx.msk [tilespmem:v3+s13+$0x0], $0xffff;
	v3 =	vmov v15  }
0xda: {  	s20 =	sor.u32 $0x40, s29;
	s3 =	sshrl.u32 s30, $0x2;
	s22 =	sor.u32 $0x30, s5;
	v15 =	vshll.u32 v18, $0x5;
	v18 =	vmov s2;
	v5 =	vmov s10  }
0xdb: {  	v6 =	vmov s3;
	s21 =	sor.u32 $0x50, s5;
	s3 =	sor.u32 $0x60, s5;
	s2 =	sor.u32 $0x40, s5;
	v19 =	vshll.u32 v5, $0x5;
	[tilespmem:s0+$0x20] =	vst v14;
	v14 =	vmov s20  }
0xdc: {  	s5 =	sor.u32 $0x70, s5;
	v5 =	vand.u32 $0x18, v6;
	v19 =	vor.u32 v0, v19;
	v16 =	vld.idx.msk [tilespmem:v16+s13+$0x0], $0xffff;
	v14 =	vshll.u32 v14, $0x5;
	[tilespmem:s26+$0x60] =	vst v12  }
0xdd: {  	v6 =	vand.u32 $0x7, v6;
	v12 =	vor.u32 v5, v19;
	[tilespmem:s31+$0x20] =	vst v9;
	v9 =	vor.u32 v0, v14;
	v14 =	vld.idx.msk [tilespmem:v17+s13+$0x0], $0xffff  }
0xde: {  	v15 =	vor.u32 v0, v15;
	v12 =	vor.u32 v6, v12;
	v10 =	vld.idx.msk [tilespmem:v10+s13+$0x0], $0xffff;
	v9 =	vor.u32 v2, v9  }
0xdf: {  	v15 =	vor.u32 v5, v15;
	v17 =	vshll.u32 v18, $0x5;
	v9 =	vor.u32 v1, v9;
	[tilespmem:s28+$0x60] =	vst v13  }
0xe0: {  	v13 =	vor.u32 v6, v15;
	v15 =	vor.u32 v0, v17;
	v17 =	vmov s17;
	s17 =	sor.u32 $0x10, s10;
	v11 =	vld.idx.msk [tilespmem:v11+s13+$0x0], $0xffff  }
0xe1: {  	v15 =	vor.u32 v5, v15;
	v17 =	vshll.u32 v17, $0x5;
	v18 =	vmov s17;
	s17 =	sor.u32 $0x50, s29  }
0xe2: {  	v15 =	vor.u32 v6, v15;
	v18 =	vshll.u32 v18, $0x5;
	[tilespmem:s0+$0x30] =	vst v16;
	v16 =	vmov s17  }
0xe3: {  	v17 =	vor.u32 v0, v17;
	v18 =	vor.u32 v0, v18;
	v12 =	vld.idx.msk [tilespmem:v12+s13+$0x0], $0xffff;
	v16 =	vshll.u32 v16, $0x5;
	[tilespmem:s26+$0x70] =	vst v14;
	s26 =	smov.u32 s0  }
0xe4: {  	s1 =	sadd.s32 $0x100, s1;
	v14 =	vor.u32 v5, v17;
	v17 =	vor.u32 v5, v18;
	v18 =	vld.idx.msk [tilespmem:v9+s13+$0x0], $0xffff;
	v16 =	vor.u32 v0, v16  }
0xe5: {  	s0 =	sand.u32 $0x3000, s1;
	v9 =	vor.u32 v6, v14;
	v14 =	vor.u32 v6, v17;
	v13 =	vld.idx.msk [tilespmem:v13+s13+$0x0], $0xffff;
	v16 =	vor.u32 v2, v16  }
0xe6: {  	v19 =	vmov s2;
	s2 =	sshll.u32 s11, $0xA;
	s17 =	sshll.u32 s30, $0x5;
	s0 =	sadd.s32 $0x12400, s0;
	v17 =	vmov s22;
	[tilespmem:s31+$0x30] =	vst v10;
	v16 =	vor.u32 v1, v16  }
0xe7: {  	s11 =	sand.u32 $0x380, s17;
	s17 =	sor.u32 $0x20, s10;
	s2 =	sadd.s32 s2, s0;
	v10 =	vshll.u32 v17, $0x5;
	v17 =	vshll.u32 v19, $0x5;
	v19 =	vmov s21;
	v20 =	vld.idx.msk [tilespmem:v8+s13+$0x0], $0xffff;
	[tilespmem:s28+$0x70] =	vst v11  }
0xe8: {  	s8 =	sor.u32 s8, s0;
	s0 =	sor.u32 s11, s2;
	s2 =	sor.u32 $0x60, s29;
	v8 =	vor.u32 v0, v10;
	v11 =	vor.u32 v0, v17;
	v10 =	vmov s17  }
0xe9: {  	v17 =	vmov s2;
	s28 =	smov.u32 s31;
	s31 =	sor.u32 s11, s8;
	v8 =	vor.u32 v5, v8;
	[tilespmem:s0+$0x0] =	vst v12;
	v12 =	vshll.u32 v10, $0x5  }
0xea: {  	v10 =	vor.u32 v6, v8;
	v14 =	vld.idx.msk [tilespmem:v14+s13+$0x0], $0xffff;
	v8 =	vor.u32 v0, v12;
	[tilespmem:s26+$0x40] =	vst v18;
	v12 =	vshll.u32 v17, $0x5  }
0xeb: {  	[tilespmem:s31+$0x0] =	vst v13;
	v13 =	vshll.u32 v19, $0x5;
	v8 =	vor.u32 v5, v8;
	v17 =	vld.idx.msk [tilespmem:v16+s13+$0x0], $0xffff;
	v12 =	vor.u32 v0, v12  }
0xec: {  	v11 =	vor.u32 v5, v11;
	v16 =	vld.idx.msk [tilespmem:v15+s13+$0x0], $0xffff;
	v18 =	vor.u32 v6, v8;
	v12 =	vor.u32 v2, v12  }
.Ltmp6:
0xed: {  	v8 =	vor.u32 v6, v11;
	v11 =	vor.u32 v0, v13;
	[tilespmem:s28+$0x40] =	vst v20;
	v12 =	vor.u32 v1, v12;
	(pc) =	sbr.rel @p0 .LBB2_9-.Ltmp6, $4  }
0xee: {  	s2 =	sor.u32 $0x30, s10;
	v19 =	vmov s3;
	v13 =	vmov s5;
	v15 =	vor.u32 v5, v11;
	v11 =	vld.idx.msk [tilespmem:v7+s13+$0x0], $0xffff  }
0xef: {  	v7 =	vor.u32 v6, v15;
	v15 =	vshll.u32 v19, $0x5;
	v19 =	vmov s2;
	s2 =	sor.u32 $0x70, s29;
	s29 =	smov.u32 s10  }
0xf0: {  	v15 =	vor.u32 v0, v15;
	v19 =	vshll.u32 v19, $0x5;
	v20 =	vmov s2;
	[tilespmem:s0+$0x10] =	vst v14  }
0xf1: {  	v15 =	vor.u32 v5, v15;
	v14 =	vld.idx.msk [tilespmem:v18+s13+$0x0], $0xffff;
	v18 =	vor.u32 v0, v19;
	[tilespmem:s26+$0x50] =	vst v17;
	v17 =	vshll.u32 v20, $0x5  }
0xf2: {  	_ =	sdelay $0x2  }
0xf3: {  	[tilespmem:s31+$0x10] =	vst v16;
	v44 =	vor.u32 v5, v18  }
0xf4: {  	v9 =	vld.idx.msk [tilespmem:v9+s13+$0x0], $0xffff;
	v16 =	vor.u32 v6, v44  }
0xf5: {  	s1 =	sor.u32 $0x40, s29  }
0xf6: {  	v45 =	vmov s1  }
0xf7: {  	v18 =	vshll.u32 v45, $0x5  }
0xf8: {  	v46 =	vor.u32 v0, v18;
	[tilespmem:s0+$0x20] =	vst v14  }
0xf9: {  	v47 =	vor.u32 v5, v46;
	v16 =	vld.idx.msk [tilespmem:v16+s13+$0x0], $0xffff;
	[tilespmem:s31+$0x20] =	vst v9  }
0xfa: {  	v9 =	vor.u32 v6, v47;
	v10 =	vld.idx.msk [tilespmem:v10+s13+$0x0], $0xffff  }
0xfb: {  	s21 =	sor.u32 $0x50, s29  }
0xfc: {  	v48 =	vmov s21  }
0xfd: {  	v14 =	vshll.u32 v48, $0x5  }
0xfe: {  	v14 =	vor.u32 v0, v14;
	[tilespmem:s0+$0x30] =	vst v16  }
0xff: {  	v14 =	vor.u32 v5, v14;
	v9 =	vld.idx.msk [tilespmem:v9+s13+$0x0], $0xffff;
	[tilespmem:s31+$0x30] =	vst v10  }
0x100: {  	v49 =	vor.u32 v6, v14;
	v8 =	vld.idx.msk [tilespmem:v8+s13+$0x0], $0xffff  }
0x101: {  	s22 =	sor.u32 $0x60, s29  }
0x102: {  	v50 =	vmov s22  }
0x103: {  	v14 =	vshll.u32 v50, $0x5  }
0x104: {  	v51 =	vor.u32 v0, v14;
	[tilespmem:s0+$0x40] =	vst v9  }
0x105: {  	v9 =	vor.u32 v5, v51;
	v10 =	vld.idx.msk [tilespmem:v49+s13+$0x0], $0xffff;
	[tilespmem:s31+$0x40] =	vst v8  }
0x106: {  	v52 =	vor.u32 v6, v9;
	v7 =	vld.idx.msk [tilespmem:v7+s13+$0x0], $0xffff  }
0x107: {  	v53 =	vor.u32 v6, v15;
	s29 =	sor.u32 $0x70, s29  }
0x108: {  	v13 =	vshll.u32 v13, $0x5;
	v54 =	vor.u32 v0, v17;
	v55 =	vmov s29  }
0x109: {  	v12 =	vld.idx.msk [tilespmem:v12+s13+$0x0], $0xffff;
	v2 =	vor.u32 v2, v54;
	v13 =	vor.u32 v0, v13;
	[tilespmem:s28+$0x50] =	vst v11;
	v56 =	vshll.u32 v55, $0x5  }
0x10a: {  	v2 =	vor.u32 v1, v2;
	v3 =	vld.idx.msk [tilespmem:v3+s13+$0x0], $0xffff;
	v57 =	vor.u32 v0, v56;
	[tilespmem:s0+$0x50] =	vst v10  }
0x10b: {  	v1 =	vor.u32 v1, v4;
	v59 =	vor.u32 v5, v57;
	v58 =	vld.idx.msk [tilespmem:v52+s13+$0x0], $0xffff;
	[tilespmem:s31+$0x50] =	vst v7  }
0x10c: {  	v60 =	vor.u32 v5, v13;
	v61 =	vor.u32 v6, v59;
	v62 =	vld.idx.msk [tilespmem:v53+s13+$0x0], $0xffff  }
0x10d: {  	v5 =	vor.u32 v6, v60  }
0x10e: {  	[tilespmem:s26+$0x60] =	vst v12  }
0x10f: {  	v2 =	vld.idx.msk [tilespmem:v2+s13+$0x0], $0xffff;
	[tilespmem:s28+$0x60] =	vst v3  }
0x110: {  	v1 =	vld.idx.msk [tilespmem:v1+s13+$0x0], $0xffff;
	[tilespmem:s0+$0x60] =	vst v58  }
0x111: {  	v3 =	vld.idx.msk [tilespmem:v61+s13+$0x0], $0xffff;
	[tilespmem:s31+$0x60] =	vst v62  }
0x112: {  	v63 =	vld.idx.msk [tilespmem:v5+s13+$0x0], $0xffff  }
0x113: {  	p0 =	seq.s32 s23, $0x18  }
.Ltmp7:
0x114: {  	[tilespmem:s26+$0x70] =	vst v2;
	(pc) =	sbr.rel @p0 .LBB2_12-.Ltmp7, $4  }
0x115: {  	[tilespmem:s28+$0x70] =	vst v1  }
0x116: {  	[tilespmem:s0+$0x70] =	vst v3  }
0x117: {  	s30 =	sadd.s32 s25, s7;
	[tilespmem:s31+$0x70] =	vst v63;
	s31 =	simm.s32 $0x12400  }
0x118: {  	[hbm4b:s30+s15] =	stream.strided.scatter [tilespmem:s31], [sflag:$0x4], $0x4000, s16, s15, $0x38;
	[tilespmem:$0x16400] =	vst v63  }
.Ltmp8:
0x119: {  	(pc) =	sbr.rel .LBB2_2-.Ltmp8, $4  }
0x11a: {  	_ = 	snop  }
0x11b: {  	s0 =	sshrl.u32 s24, $0x2  }
0x11c: {  	s23 =	sadd.s32 $0x1, s23;
	s0 =	sadd.s32 $0x600, s0  }
0x11d: {  	[tilespmem:s13], [sflag:$0x2] =	stream.indirect.gather [hbm4b:s4+s9], $0x20, s0, s9, $0xb8;
	[tilespmem:$0x16400] =	vst v63  }
.LBB2_13:
0x11e: {  	_ =	sfence.sel $0x180000  }
0x11f: {  	[bflag:$0x0] =	sbarrier.arrive $0xFFFF  }
0x120: {  	_ =	strace $0x9000004A  }
0x121: {  	s0 =	stileid.u32;
	[bflag:$0x2] =	sbarrier.arrive $0xFFFF  }
0x122: {  	p0 =	sne.s32 s0, $0x0;
	s0 =	rddreg [dreg:$0x2]  }
0x123: {  	s0 =	sadd.s32 @!p0 $0x100000, s0  }
0x124: {  	[sflag:s0] =	ssyncadd.tile.s32 @!p0 $0x1;
	_ =	shalt  }
.Lfunc_end2:
_tile_overlayer_lowered:
.L_overlay_start_2:
0x125: {  	(tag) =	ssettag $0x2  }
0x126: {  	s0 =	rddreg [dreg:$0x0];
	s2 =	stileid.u32  }
0x127: {  	s1 =	rddreg [dreg:$0x1];
	p0 =	sne.s32 s2, $0x0  }
0x128: {  	s3 =	rddreg [dreg:$0x2];
	[bflag:$0x3] =	sbarrier.arrive $0xFFFF;
	s2 =	simm.s32 @!p0 $0x1C05  }
0x129: {  	[timem:s3], [sflag:s2] =	dma.local @!p0 [hbm:s0], s1  }
0x12a: {  	s0 =	simm.s32 @!p0 $0x5  }
0x12b: {  	_ =	swait.ge @!p0 [sflag:s0], s1  }
0x12c: {  	s1 =	ssub.s32 @!p0 $0x0, s1;
	[sflag:s0] =	ssyncset.done @!p0 $0x0  }
0x12d: {  	[sflag:s0] =	ssyncadd.s32 @!p0 s1  }
0x12e: {  	[bflag:$0x3] =	sbarrier.arrive $0xFFFF  }
0x12f: {  	_ =	shalt  }

</sc_bundles>
